<compile_context>
chip_gen: v7x
topology: tpu7x:2x2x1
jax: 0.10.2.dev20260603
libtpu: 0.0.44.dev20260713+nightly
codegen_flags: <defaults>
</compile_context>

<pallas_src>
import functools

import jax
import jax.numpy as jnp
from jax import lax
from jax.experimental import pallas as pl
from jax.experimental.pallas import tpu as pltpu
from jax.experimental.pallas import tpu_sc as plsc

_NC = 2
_NS = 16
_NW = _NC * _NS
_EB = 125
_NUM_GRAPHS = 128


def _make_agg(n, d, e):
  nb = e // _EB
  npw = nb // _NW
  rps = (n // _NS) // 8 * 8
  tail = n - _NS * rps

  mesh = plsc.VectorSubcoreMesh(core_axis_name="c", subcore_axis_name="s")

  ch = npw // 2

  @functools.partial(
      pl.kernel,
      mesh=mesh,
      out_type=jax.ShapeDtypeStruct((_NC * n, d), jnp.float32),
      scratch_types=[
          pltpu.VMEM((ch, _EB), jnp.int32),
          pltpu.VMEM((ch, _EB), jnp.int32),
          pltpu.VMEM((_EB, d), jnp.float32),
          pltpu.VMEM((_EB, d), jnp.float32),
          pltpu.VMEM_SHARED((n, d), jnp.float32),
          pltpu.SemaphoreType.DMA,
          pltpu.SemaphoreType.DMA,
          pltpu.SemaphoreType.DMA,
          pltpu.SemaphoreType.DMA,
      ],
  )
  def agg(h_hbm, src_hbm, dst_hbm, out_hbm, src_v, dst_v, rows0, rows1,
          acc_sh, gsem0, gsem1, ssem0, ssem1):
    c = lax.axis_index("c")
    s = lax.axis_index("s")
    wid = s * _NC + c
    r0 = s * rps
    pltpu.sync_copy(h_hbm.at[pl.ds(r0, rps)], acc_sh.at[pl.ds(r0, rps)])

    @pl.when(s == 0)
    def _():
      pltpu.sync_copy(h_hbm.at[pl.ds(_NS * rps, tail)],
                      acc_sh.at[pl.ds(_NS * rps, tail)])

    plsc.subcore_barrier()

    for ph in range(npw // ch):
      pltpu.sync_copy(src_hbm.at[pl.ds(wid * npw + ph * ch, ch)], src_v)
      pltpu.sync_copy(dst_hbm.at[pl.ds(wid * npw + ph * ch, ch)], dst_v)
      pltpu.async_copy(h_hbm.at[src_v.at[0]], rows0, gsem0)
      pltpu.async_copy(h_hbm.at[src_v.at[1]], rows1, gsem1)

      def body(i, carry):
        b0 = 2 * i
        b1 = b0 + 1
        pltpu.make_async_copy(h_hbm.at[src_v.at[b0]], rows0, gsem0).wait()
        pltpu.sync_copy(rows0, acc_sh.at[dst_v.at[b0]], add=True)

        @pl.when(b0 + 2 < ch)
        def _():
          pltpu.async_copy(h_hbm.at[src_v.at[b0 + 2]], rows0, gsem0)

        pltpu.make_async_copy(h_hbm.at[src_v.at[b1]], rows1, gsem1).wait()
        pltpu.sync_copy(rows1, acc_sh.at[dst_v.at[b1]], add=True)

        @pl.when(b1 + 2 < ch)
        def _():
          pltpu.async_copy(h_hbm.at[src_v.at[b1 + 2]], rows1, gsem1)

        return carry

      lax.fori_loop(0, ch // 2, body, 0)
    plsc.subcore_barrier()
    pltpu.sync_copy(acc_sh.at[pl.ds(r0, rps)],
                    out_hbm.at[pl.ds(c * n + r0, rps)])

    @pl.when(s == 0)
    def _():
      pltpu.sync_copy(acc_sh.at[pl.ds(_NS * rps, tail)],
                      out_hbm.at[pl.ds(c * n + _NS * rps, tail)])

  return agg


def _bn_in(y, g, b):
  mu = jnp.mean(y, axis=0, keepdims=True)
  var = jnp.mean((y - mu) * (y - mu), axis=0, keepdims=True)
  return (y - mu) / jnp.sqrt(var + 1e-5) * g + b


def _mlp_core(n, h_ref, parts_ref, w1_ref, b1_ref, g1_ref, be1_ref,
              w2_ref, b2_ref, g2_ref, be2_ref):
  z = parts_ref[0:n, :] + parts_ref[n:2 * n, :] - h_ref[...]
  y = jnp.maximum(jnp.dot(z, w1_ref[...], preferred_element_type=jnp.float32)
                  + b1_ref[...], 0.0)
  y = _bn_in(y, g1_ref[...], be1_ref[...])
  y = jnp.maximum(jnp.dot(y, w2_ref[...], preferred_element_type=jnp.float32)
                  + b2_ref[...], 0.0)
  return _bn_in(y, g2_ref[...], be2_ref[...])


def _make_mlp_mid(n, d):
  def body(h_ref, parts_ref, w1_ref, b1_ref, g1_ref, be1_ref,
           w2_ref, b2_ref, g2_ref, be2_ref, bng_ref, bnb_ref, out_ref):
    y = _mlp_core(n, h_ref, parts_ref, w1_ref, b1_ref, g1_ref, be1_ref,
                  w2_ref, b2_ref, g2_ref, be2_ref)
    out_ref[...] = _bn_in(y, bng_ref[...], bnb_ref[...])

  return pl.pallas_call(
      body, out_shape=jax.ShapeDtypeStruct((n, d), jnp.float32))


def _make_mlp_final(n, d, g, t):
  def body(h_ref, parts_ref, w1_ref, b1_ref, g1_ref, be1_ref,
           w2_ref, b2_ref, g2_ref, be2_ref, batch_ref, wl_ref, bl_ref,
           out_ref):
    y = _mlp_core(n, h_ref, parts_ref, w1_ref, b1_ref, g1_ref, be1_ref,
                  w2_ref, b2_ref, g2_ref, be2_ref)
    seg = lax.broadcasted_iota(jnp.int32, (g, n), 0)
    oh = (seg == batch_ref[...]).astype(jnp.float32)
    pooled = jnp.dot(oh, y, preferred_element_type=jnp.float32)
    out_ref[...] = (jnp.dot(pooled, wl_ref[...],
                            preferred_element_type=jnp.float32) + bl_ref[...])

  return pl.pallas_call(
      body, out_shape=jax.ShapeDtypeStruct((g, t), jnp.float32))


def kernel(x, edge_index, batch, W1s, b1s, g1s, be1s, W2s, b2s, g2s, be2s,
           bn_g, bn_b, Wl, bl):
  n, d = x.shape
  e = edge_index.shape[1]
  num_layers = W1s.shape[0]
  h_dim = W1s.shape[2]
  t = Wl.shape[1]

  src2d = edge_index[0].reshape(e // _EB, _EB)
  dst2d = edge_index[1].reshape(e // _EB, _EB)
  batch2d = batch.reshape(1, n)

  agg = _make_agg(n, d, e)
  mlp_mid = _make_mlp_mid(n, h_dim)
  mlp_final = _make_mlp_final(n, h_dim, _NUM_GRAPHS, t)

  r = lambda v: v.reshape(1, -1)
  h = x
  for i in range(num_layers):
    parts = agg(h, src2d, dst2d)
    if i < num_layers - 1:
      h = mlp_mid(h, parts, W1s[i], r(b1s[i]), r(g1s[i]), r(be1s[i]),
                  W2s[i], r(b2s[i]), r(g2s[i]), r(be2s[i]),
                  r(bn_g[i]), r(bn_b[i]))
    else:
      out = mlp_final(h, parts, W1s[i], r(b1s[i]), r(g1s[i]), r(be1s[i]),
                      W2s[i], r(b2s[i]), r(g2s[i]), r(be2s[i]),
                      batch2d, Wl, r(bl))
  return out

# --- scband reference (transcript-rebuilt; emitter-appended) ---
"""Pipeline reference for scband-ginmodel-45320494907956 (READ-ONLY COPY).

The authoritative reference and input builder live on the scoring server;
editing this copy changes nothing except your own understanding.
"""

import jax, jax.numpy as jnp
import numpy as np

N = 10000
E = 320000
D = 128
H = 128
G = 128
T = 1
L = 3


def _bn(x, gamma, beta):
    mu = jnp.mean(x, axis=0, keepdims=True)
    var = jnp.var(x, axis=0, keepdims=True)
    return (x - mu) / jnp.sqrt(var + 1e-5) * gamma + beta


def setup_inputs(seed: int = 0) -> dict:
    key = jax.random.key(seed)
    ks = jax.random.split(key, 8)
    x = jax.random.normal(ks[0], (N, D), dtype=jnp.float32)
    edge_index = jax.random.randint(ks[1], (2, E), 0, N, dtype=jnp.int32)
    batch = jnp.sort(jax.random.randint(ks[2], (N,), 0, G, dtype=jnp.int32))
    W1s = jax.random.normal(ks[3], (L, D, H), dtype=jnp.float32) * 0.05
    b1s = jnp.zeros((L, H), dtype=jnp.float32)
    g1s = jnp.ones((L, H), dtype=jnp.float32)
    be1s = jnp.zeros((L, H), dtype=jnp.float32)
    W2s = jax.random.normal(ks[4], (L, H, H), dtype=jnp.float32) * 0.05
    b2s = jnp.zeros((L, H), dtype=jnp.float32)
    g2s = jnp.ones((L, H), dtype=jnp.float32)
    be2s = jnp.zeros((L, H), dtype=jnp.float32)
    bn_g = jnp.ones((L - 1, H), dtype=jnp.float32)
    bn_b = jnp.zeros((L - 1, H), dtype=jnp.float32)
    Wl = jax.random.normal(ks[5], (H, T), dtype=jnp.float32) * 0.05
    bl = jnp.zeros((T,), dtype=jnp.float32)
    return {"x": x, "edge_index": edge_index, "batch": batch,
            "W1s": W1s, "b1s": b1s, "g1s": g1s, "be1s": be1s,
            "W2s": W2s, "b2s": b2s, "g2s": g2s, "be2s": be2s,
            "bn_g": bn_g, "bn_b": bn_b, "Wl": Wl, "bl": bl}


def reference(x, edge_index, batch, W1s, b1s, g1s, be1s, W2s, b2s, g2s, be2s, bn_g, bn_b, Wl, bl):
    src = edge_index[0]
    dst = edge_index[1]
    h = x
    for i in range(L):
        # GINConv with eps=0: mlp((1+eps)*x + sum_{j in N(i)} x_j)
        msgs = jnp.take(h, src, axis=0)
        aggr = jax.ops.segment_sum(msgs, dst, num_segments=N)
        z = h + aggr
        z = jnp.maximum(jnp.dot(z, W1s[i]) + b1s[i], 0.0)
        z = _bn(z, g1s[i], be1s[i])
        z = jnp.maximum(jnp.dot(z, W2s[i]) + b2s[i], 0.0)
        z = _bn(z, g2s[i], be2s[i])
        if i < L - 1:
            z = _bn(z, bn_g[i], bn_b[i])
        # dropout_rate=0.0 -> identity
        h = z
    pooled = jax.ops.segment_sum(h, batch, num_segments=G)
    out = jnp.dot(pooled, Wl) + bl
    return out

if __name__ == "__main__":
    import jax
    _d = setup_inputs()
    print(jax.jit(kernel)(*tuple(_d.values())))

</pallas_src>

<mosaic_0001>
#map = affine_map<(d0, d1) -> (0, 0)>
module attributes {stable_mosaic.version = 14 : i64} {
  func.func @agg(%arg0: i32, %arg1: i32, %arg2: memref<10000x128xf32, #tpu.memory_space<hbm>>, %arg3: memref<2560x125xi32, #tpu.memory_space<hbm>>, %arg4: memref<2560x125xi32, #tpu.memory_space<hbm>>, %arg5: memref<20000x128xf32, #tpu.memory_space<hbm>>, %arg6: memref<40x125xi32, #tpu.memory_space<vmem>>, %arg7: memref<40x125xi32, #tpu.memory_space<vmem>>, %arg8: memref<125x128xf32, #tpu.memory_space<vmem>>, %arg9: memref<125x128xf32, #tpu.memory_space<vmem>>, %arg10: memref<10000x128xf32, #tpu.memory_space<vmem_shared>>, %arg11: memref<!tpu.dma_semaphore, #tpu.memory_space<semaphore_mem>>, %arg12: memref<!tpu.dma_semaphore, #tpu.memory_space<semaphore_mem>>, %arg13: memref<!tpu.dma_semaphore, #tpu.memory_space<semaphore_mem>>, %arg14: memref<!tpu.dma_semaphore, #tpu.memory_space<semaphore_mem>>) attributes {dimension_semantics = [#tpu.dimension_semantics<core_parallel>, #tpu.dimension_semantics<subcore_parallel>], iteration_bounds = array<i64: 2, 16>, scalar_prefetch = 0 : i64, scratch_operands = 9 : i64, tpu.core_type = #tpu.core_type<sc_vector_subcore>, window_params = [{transform_indices = #map}, {transform_indices = #map}, {transform_indices = #map}, {transform_indices = #map}]} {
    %mul3A = arith.constant 2 : i32
    %mul3A_0 = arith.muli %arg1, %mul3A : i32
    %add3A = arith.addi %mul3A_0, %arg0 : i32
    %mul3A_1 = arith.constant 624 : i32
    %mul3A_2 = arith.muli %arg1, %mul3A_1 : i32
    "tpu.region"() ({
      %run_scoped3A = tpu.sem_alloc : memref<!tpu.dma_semaphore, #tpu.memory_space<semaphore_mem>>
      %dma_start3A_68 = arith.constant 0 : i32
      %dma_start3A_69 = tpu.memref_slice %arg10[%mul3A_2, %dma_start3A_68] : memref<10000x128xf32, #tpu.memory_space<vmem_shared>> -> memref<624x128xf32, #tpu.memory_space<vmem_shared>>
      %dma_start3A_70 = arith.constant 0 : i32
      %dma_start3A_71 = tpu.memref_slice %arg2[%mul3A_2, %dma_start3A_70] : memref<10000x128xf32, #tpu.memory_space<hbm>> -> memref<624x128xf32, #tpu.memory_space<hbm>>
      tpu.enqueue_dma source(%dma_start3A_71 : memref<624x128xf32, #tpu.memory_space<hbm>>) target(%dma_start3A_69 : memref<624x128xf32, #tpu.memory_space<vmem_shared>>) target_semaphore(%run_scoped3A : memref<!tpu.dma_semaphore, #tpu.memory_space<semaphore_mem>>)
      %dma_wait3A = arith.constant 0 : i32
      %dma_wait3A_72 = tpu.memref_slice %arg10[%mul3A_2, %dma_wait3A] : memref<10000x128xf32, #tpu.memory_space<vmem_shared>> -> memref<624x128xf32, #tpu.memory_space<vmem_shared>>
      %dma_wait3A_73 = arith.constant 0 : i32
      %dma_wait3A_74 = tpu.memref_slice %arg2[%mul3A_2, %dma_wait3A_73] : memref<10000x128xf32, #tpu.memory_space<hbm>> -> memref<624x128xf32, #tpu.memory_space<hbm>>
      tpu.wait_dma2 semaphore(%run_scoped3A : memref<!tpu.dma_semaphore, #tpu.memory_space<semaphore_mem>>) src(%dma_wait3A_74 : memref<624x128xf32, #tpu.memory_space<hbm>>) dst(%dma_wait3A_72 : memref<624x128xf32, #tpu.memory_space<vmem_shared>>)
      tpu.yield
    }) : () -> ()
    %eq3A = arith.constant 0 : i32
    %eq3A_3 = arith.cmpi eq, %arg1, %eq3A : i32
    %convert_element_type3A = arith.extui %eq3A_3 : i1 to i32
    %cond3A = arith.constant 0 : i32
    %cond3A_4 = arith.cmpi ne, %convert_element_type3A, %cond3A : i32
    scf.if %cond3A_4 {
      "tpu.region"() ({
        %run_scoped3A = tpu.sem_alloc : memref<!tpu.dma_semaphore, #tpu.memory_space<semaphore_mem>>
        %dma_start3A_68 = arith.constant 9984 : i32
        %dma_start3A_69 = arith.constant 0 : i32
        %dma_start3A_70 = tpu.memref_slice %arg10[%dma_start3A_68, %dma_start3A_69] : memref<10000x128xf32, #tpu.memory_space<vmem_shared>> -> memref<16x128xf32, #tpu.memory_space<vmem_shared>>
        %dma_start3A_71 = arith.constant 9984 : i32
        %dma_start3A_72 = arith.constant 0 : i32
        %dma_start3A_73 = tpu.memref_slice %arg2[%dma_start3A_71, %dma_start3A_72] : memref<10000x128xf32, #tpu.memory_space<hbm>> -> memref<16x128xf32, #tpu.memory_space<hbm>>
        tpu.enqueue_dma source(%dma_start3A_73 : memref<16x128xf32, #tpu.memory_space<hbm>>) target(%dma_start3A_70 : memref<16x128xf32, #tpu.memory_space<vmem_shared>>) target_semaphore(%run_scoped3A : memref<!tpu.dma_semaphore, #tpu.memory_space<semaphore_mem>>)
        %dma_wait3A = arith.constant 9984 : i32
        %dma_wait3A_74 = arith.constant 0 : i32
        %dma_wait3A_75 = tpu.memref_slice %arg10[%dma_wait3A, %dma_wait3A_74] : memref<10000x128xf32, #tpu.memory_space<vmem_shared>> -> memref<16x128xf32, #tpu.memory_space<vmem_shared>>
        %dma_wait3A_76 = arith.constant 9984 : i32
        %dma_wait3A_77 = arith.constant 0 : i32
        %dma_wait3A_78 = tpu.memref_slice %arg2[%dma_wait3A_76, %dma_wait3A_77] : memref<10000x128xf32, #tpu.memory_space<hbm>> -> memref<16x128xf32, #tpu.memory_space<hbm>>
        tpu.wait_dma2 semaphore(%run_scoped3A : memref<!tpu.dma_semaphore, #tpu.memory_space<semaphore_mem>>) src(%dma_wait3A_78 : memref<16x128xf32, #tpu.memory_space<hbm>>) dst(%dma_wait3A_75 : memref<16x128xf32, #tpu.memory_space<vmem_shared>>)
        tpu.yield
      }) : () -> ()
    } else {
    }
    %barrier3A = arith.constant 0 : index
    tpu.barrier barrier_id(%barrier3A)
    %mul3A_5 = arith.constant 80 : i32
    %mul3A_6 = arith.muli %add3A, %mul3A_5 : i32
    %add3A_7 = arith.constant 0 : i32
    %add3A_8 = arith.addi %mul3A_6, %add3A_7 : i32
    "tpu.region"() ({
      %run_scoped3A = tpu.sem_alloc : memref<!tpu.dma_semaphore, #tpu.memory_space<semaphore_mem>>
      %dma_start3A_68 = arith.constant 0 : i32
      %dma_start3A_69 = tpu.memref_slice %arg3[%add3A_8, %dma_start3A_68] : memref<2560x125xi32, #tpu.memory_space<hbm>> -> memref<40x125xi32, #tpu.memory_space<hbm>>
      %dma_start3A_70 = arith.constant 0 : i32
      %dma_start3A_71 = tpu.memref_slice %arg3[%add3A_8, %dma_start3A_70] : memref<2560x125xi32, #tpu.memory_space<hbm>> -> memref<40x125xi32, #tpu.memory_space<hbm>>
      tpu.enqueue_dma source(%dma_start3A_71 : memref<40x125xi32, #tpu.memory_space<hbm>>) target(%arg6 : memref<40x125xi32, #tpu.memory_space<vmem>>) target_semaphore(%run_scoped3A : memref<!tpu.dma_semaphore, #tpu.memory_space<semaphore_mem>>)
      %dma_wait3A = arith.constant 0 : i32
      %dma_wait3A_72 = tpu.memref_slice %arg3[%add3A_8, %dma_wait3A] : memref<2560x125xi32, #tpu.memory_space<hbm>> -> memref<40x125xi32, #tpu.memory_space<hbm>>
      %dma_wait3A_73 = arith.constant 0 : i32
      %dma_wait3A_74 = tpu.memref_slice %arg3[%add3A_8, %dma_wait3A_73] : memref<2560x125xi32, #tpu.memory_space<hbm>> -> memref<40x125xi32, #tpu.memory_space<hbm>>
      tpu.wait_dma2 semaphore(%run_scoped3A : memref<!tpu.dma_semaphore, #tpu.memory_space<semaphore_mem>>) src(%dma_wait3A_74 : memref<40x125xi32, #tpu.memory_space<hbm>>) dst(%arg6 : memref<40x125xi32, #tpu.memory_space<vmem>>)
      tpu.yield
    }) : () -> ()
    %mul3A_9 = arith.constant 80 : i32
    %mul3A_10 = arith.muli %add3A, %mul3A_9 : i32
    %add3A_11 = arith.constant 0 : i32
    %add3A_12 = arith.addi %mul3A_10, %add3A_11 : i32
    "tpu.region"() ({
      %run_scoped3A = tpu.sem_alloc : memref<!tpu.dma_semaphore, #tpu.memory_space<semaphore_mem>>
      %dma_start3A_68 = arith.constant 0 : i32
      %dma_start3A_69 = tpu.memref_slice %arg4[%add3A_12, %dma_start3A_68] : memref<2560x125xi32, #tpu.memory_space<hbm>> -> memref<40x125xi32, #tpu.memory_space<hbm>>
      %dma_start3A_70 = arith.constant 0 : i32
      %dma_start3A_71 = tpu.memref_slice %arg4[%add3A_12, %dma_start3A_70] : memref<2560x125xi32, #tpu.memory_space<hbm>> -> memref<40x125xi32, #tpu.memory_space<hbm>>
      tpu.enqueue_dma source(%dma_start3A_71 : memref<40x125xi32, #tpu.memory_space<hbm>>) target(%arg7 : memref<40x125xi32, #tpu.memory_space<vmem>>) target_semaphore(%run_scoped3A : memref<!tpu.dma_semaphore, #tpu.memory_space<semaphore_mem>>)
      %dma_wait3A = arith.constant 0 : i32
      %dma_wait3A_72 = tpu.memref_slice %arg4[%add3A_12, %dma_wait3A] : memref<2560x125xi32, #tpu.memory_space<hbm>> -> memref<40x125xi32, #tpu.memory_space<hbm>>
      %dma_wait3A_73 = arith.constant 0 : i32
      %dma_wait3A_74 = tpu.memref_slice %arg4[%add3A_12, %dma_wait3A_73] : memref<2560x125xi32, #tpu.memory_space<hbm>> -> memref<40x125xi32, #tpu.memory_space<hbm>>
      tpu.wait_dma2 semaphore(%run_scoped3A : memref<!tpu.dma_semaphore, #tpu.memory_space<semaphore_mem>>) src(%dma_wait3A_74 : memref<40x125xi32, #tpu.memory_space<hbm>>) dst(%arg7 : memref<40x125xi32, #tpu.memory_space<vmem>>)
      tpu.yield
    }) : () -> ()
    %dma_start3A = arith.constant 0 : i32
    %dma_start3A_13 = arith.constant 0 : i32
    %dma_start3A_14 = tpu.memref_slice %arg6[%dma_start3A, %dma_start3A_13] : memref<40x125xi32, #tpu.memory_space<vmem>> -> memref<1x125xi32, #tpu.memory_space<vmem>>
    %dma_start3A_15 = tpu.memref_squeeze %dma_start3A_14 : memref<1x125xi32, #tpu.memory_space<vmem>> -> memref<125xi32, #tpu.memory_space<vmem>>
    %dma_start3A_16 = arith.constant 0 : i32
    %dma_start3A_17 = arith.constant 0 : i32
    %dma_start3A_18 = tpu.memref_slice %arg2[%dma_start3A_16, %dma_start3A_17] : memref<10000x128xf32, #tpu.memory_space<hbm>> -> memref<10000x128xf32, #tpu.memory_space<hbm>>
    tpu.enqueue_indirect_dma source(%dma_start3A_18 : memref<10000x128xf32, #tpu.memory_space<hbm>>) target(%arg8 : memref<125x128xf32, #tpu.memory_space<vmem>>) offsets(%dma_start3A_15 : memref<125xi32, #tpu.memory_space<vmem>>) semaphore(%arg11 : memref<!tpu.dma_semaphore, #tpu.memory_space<semaphore_mem>>)
    %dma_start3A_19 = arith.constant 1 : i32
    %dma_start3A_20 = arith.constant 0 : i32
    %dma_start3A_21 = tpu.memref_slice %arg6[%dma_start3A_19, %dma_start3A_20] : memref<40x125xi32, #tpu.memory_space<vmem>> -> memref<1x125xi32, #tpu.memory_space<vmem>>
    %dma_start3A_22 = tpu.memref_squeeze %dma_start3A_21 : memref<1x125xi32, #tpu.memory_space<vmem>> -> memref<125xi32, #tpu.memory_space<vmem>>
    %dma_start3A_23 = arith.constant 0 : i32
    %dma_start3A_24 = arith.constant 0 : i32
    %dma_start3A_25 = tpu.memref_slice %arg2[%dma_start3A_23, %dma_start3A_24] : memref<10000x128xf32, #tpu.memory_space<hbm>> -> memref<10000x128xf32, #tpu.memory_space<hbm>>
    tpu.enqueue_indirect_dma source(%dma_start3A_25 : memref<10000x128xf32, #tpu.memory_space<hbm>>) target(%arg9 : memref<125x128xf32, #tpu.memory_space<vmem>>) offsets(%dma_start3A_22 : memref<125xi32, #tpu.memory_space<vmem>>) semaphore(%arg12 : memref<!tpu.dma_semaphore, #tpu.memory_space<semaphore_mem>>)
    %scan3A = arith.constant 0 : i32
    %scan3A_26 = arith.constant 0 : i32
    %scan3A_27 = arith.constant 20 : i32
    %scan3A_28 = arith.addi %scan3A_26, %scan3A_27 : i32
    %scan3A_29 = arith.constant 1 : i32
    scf.for %scan3A_68 = %scan3A_26 to %scan3A_28 step %scan3A_29  : i32 {
      %mul3A_69 = arith.constant 2 : i32
      %mul3A_70 = arith.muli %mul3A_69, %scan3A_68 : i32
      %add3A_71 = arith.constant 1 : i32
      %add3A_72 = arith.addi %mul3A_70, %add3A_71 : i32
      %dma_wait3A = arith.constant 0 : i32
      %dma_wait3A_73 = tpu.memref_slice %arg6[%mul3A_70, %dma_wait3A] : memref<40x125xi32, #tpu.memory_space<vmem>> -> memref<1x125xi32, #tpu.memory_space<vmem>>
      %dma_wait3A_74 = tpu.memref_squeeze %dma_wait3A_73 : memref<1x125xi32, #tpu.memory_space<vmem>> -> memref<125xi32, #tpu.memory_space<vmem>>
      %dma_wait3A_75 = arith.constant 0 : i32
      %dma_wait3A_76 = arith.constant 0 : i32
      %dma_wait3A_77 = tpu.memref_slice %arg2[%dma_wait3A_75, %dma_wait3A_76] : memref<10000x128xf32, #tpu.memory_space<hbm>> -> memref<10000x128xf32, #tpu.memory_space<hbm>>
      tpu.wait_indirect_dma semaphore(%arg11 : memref<!tpu.dma_semaphore, #tpu.memory_space<semaphore_mem>>) src(%dma_wait3A_77 : memref<10000x128xf32, #tpu.memory_space<hbm>>) dst(%arg8 : memref<125x128xf32, #tpu.memory_space<vmem>>)
      "tpu.region"() ({
        %run_scoped3A = tpu.sem_alloc : memref<!tpu.dma_semaphore, #tpu.memory_space<semaphore_mem>>
        %dma_start3A_97 = arith.constant 0 : i32
        %dma_start3A_98 = tpu.memref_slice %arg7[%mul3A_70, %dma_start3A_97] : memref<40x125xi32, #tpu.memory_space<vmem>> -> memref<1x125xi32, #tpu.memory_space<vmem>>
        %dma_start3A_99 = tpu.memref_squeeze %dma_start3A_98 : memref<1x125xi32, #tpu.memory_space<vmem>> -> memref<125xi32, #tpu.memory_space<vmem>>
        %dma_start3A_100 = arith.constant 0 : i32
        %dma_start3A_101 = arith.constant 0 : i32
        %dma_start3A_102 = tpu.memref_slice %arg10[%dma_start3A_100, %dma_start3A_101] : memref<10000x128xf32, #tpu.memory_space<vmem_shared>> -> memref<10000x128xf32, #tpu.memory_space<vmem_shared>>
        tpu.enqueue_indirect_dma source(%arg8 : memref<125x128xf32, #tpu.memory_space<vmem>>) target(%dma_start3A_102 : memref<10000x128xf32, #tpu.memory_space<vmem_shared>>) offsets(%dma_start3A_99 : memref<125xi32, #tpu.memory_space<vmem>>) semaphore(%run_scoped3A : memref<!tpu.dma_semaphore, #tpu.memory_space<semaphore_mem>>) {add = true}
        %dma_wait3A_103 = arith.constant 0 : i32
        %dma_wait3A_104 = tpu.memref_slice %arg7[%mul3A_70, %dma_wait3A_103] : memref<40x125xi32, #tpu.memory_space<vmem>> -> memref<1x125xi32, #tpu.memory_space<vmem>>
        %dma_wait3A_105 = tpu.memref_squeeze %dma_wait3A_104 : memref<1x125xi32, #tpu.memory_space<vmem>> -> memref<125xi32, #tpu.memory_space<vmem>>
        %dma_wait3A_106 = arith.constant 0 : i32
        %dma_wait3A_107 = arith.constant 0 : i32
        %dma_wait3A_108 = tpu.memref_slice %arg10[%dma_wait3A_106, %dma_wait3A_107] : memref<10000x128xf32, #tpu.memory_space<vmem_shared>> -> memref<10000x128xf32, #tpu.memory_space<vmem_shared>>
        tpu.wait_indirect_dma semaphore(%run_scoped3A : memref<!tpu.dma_semaphore, #tpu.memory_space<semaphore_mem>>) src(%arg8 : memref<125x128xf32, #tpu.memory_space<vmem>>) dst(%dma_wait3A_108 : memref<10000x128xf32, #tpu.memory_space<vmem_shared>>)
        tpu.yield
      }) : () -> ()
      %add3A_78 = arith.constant 2 : i32
      %add3A_79 = arith.addi %mul3A_70, %add3A_78 : i32
      %lt3A = arith.constant 40 : i32
      %lt3A_80 = arith.cmpi slt, %add3A_79, %lt3A : i32
      %convert_element_type3A_81 = arith.extui %lt3A_80 : i1 to i32
      %cond3A_82 = arith.constant 0 : i32
      %cond3A_83 = arith.cmpi ne, %convert_element_type3A_81, %cond3A_82 : i32
      scf.if %cond3A_83 {
        %add3A_97 = arith.constant 2 : i32
        %add3A_98 = arith.addi %mul3A_70, %add3A_97 : i32
        %dma_start3A_99 = arith.constant 0 : i32
        %dma_start3A_100 = tpu.memref_slice %arg6[%add3A_98, %dma_start3A_99] : memref<40x125xi32, #tpu.memory_space<vmem>> -> memref<1x125xi32, #tpu.memory_space<vmem>>
        %dma_start3A_101 = tpu.memref_squeeze %dma_start3A_100 : memref<1x125xi32, #tpu.memory_space<vmem>> -> memref<125xi32, #tpu.memory_space<vmem>>
        %dma_start3A_102 = arith.constant 0 : i32
        %dma_start3A_103 = arith.constant 0 : i32
        %dma_start3A_104 = tpu.memref_slice %arg2[%dma_start3A_102, %dma_start3A_103] : memref<10000x128xf32, #tpu.memory_space<hbm>> -> memref<10000x128xf32, #tpu.memory_space<hbm>>
        tpu.enqueue_indirect_dma source(%dma_start3A_104 : memref<10000x128xf32, #tpu.memory_space<hbm>>) target(%arg8 : memref<125x128xf32, #tpu.memory_space<vmem>>) offsets(%dma_start3A_101 : memref<125xi32, #tpu.memory_space<vmem>>) semaphore(%arg11 : memref<!tpu.dma_semaphore, #tpu.memory_space<semaphore_mem>>)
      } else {
      }
      %dma_wait3A_84 = arith.constant 0 : i32
      %dma_wait3A_85 = tpu.memref_slice %arg6[%add3A_72, %dma_wait3A_84] : memref<40x125xi32, #tpu.memory_space<vmem>> -> memref<1x125xi32, #tpu.memory_space<vmem>>
      %dma_wait3A_86 = tpu.memref_squeeze %dma_wait3A_85 : memref<1x125xi32, #tpu.memory_space<vmem>> -> memref<125xi32, #tpu.memory_space<vmem>>
      %dma_wait3A_87 = arith.constant 0 : i32
      %dma_wait3A_88 = arith.constant 0 : i32
      %dma_wait3A_89 = tpu.memref_slice %arg2[%dma_wait3A_87, %dma_wait3A_88] : memref<10000x128xf32, #tpu.memory_space<hbm>> -> memref<10000x128xf32, #tpu.memory_space<hbm>>
      tpu.wait_indirect_dma semaphore(%arg12 : memref<!tpu.dma_semaphore, #tpu.memory_space<semaphore_mem>>) src(%dma_wait3A_89 : memref<10000x128xf32, #tpu.memory_space<hbm>>) dst(%arg9 : memref<125x128xf32, #tpu.memory_space<vmem>>)
      "tpu.region"() ({
        %run_scoped3A = tpu.sem_alloc : memref<!tpu.dma_semaphore, #tpu.memory_space<semaphore_mem>>
        %dma_start3A_97 = arith.constant 0 : i32
        %dma_start3A_98 = tpu.memref_slice %arg7[%add3A_72, %dma_start3A_97] : memref<40x125xi32, #tpu.memory_space<vmem>> -> memref<1x125xi32, #tpu.memory_space<vmem>>
        %dma_start3A_99 = tpu.memref_squeeze %dma_start3A_98 : memref<1x125xi32, #tpu.memory_space<vmem>> -> memref<125xi32, #tpu.memory_space<vmem>>
        %dma_start3A_100 = arith.constant 0 : i32
        %dma_start3A_101 = arith.constant 0 : i32
        %dma_start3A_102 = tpu.memref_slice %arg10[%dma_start3A_100, %dma_start3A_101] : memref<10000x128xf32, #tpu.memory_space<vmem_shared>> -> memref<10000x128xf32, #tpu.memory_space<vmem_shared>>
        tpu.enqueue_indirect_dma source(%arg9 : memref<125x128xf32, #tpu.memory_space<vmem>>) target(%dma_start3A_102 : memref<10000x128xf32, #tpu.memory_space<vmem_shared>>) offsets(%dma_start3A_99 : memref<125xi32, #tpu.memory_space<vmem>>) semaphore(%run_scoped3A : memref<!tpu.dma_semaphore, #tpu.memory_space<semaphore_mem>>) {add = true}
        %dma_wait3A_103 = arith.constant 0 : i32
        %dma_wait3A_104 = tpu.memref_slice %arg7[%add3A_72, %dma_wait3A_103] : memref<40x125xi32, #tpu.memory_space<vmem>> -> memref<1x125xi32, #tpu.memory_space<vmem>>
        %dma_wait3A_105 = tpu.memref_squeeze %dma_wait3A_104 : memref<1x125xi32, #tpu.memory_space<vmem>> -> memref<125xi32, #tpu.memory_space<vmem>>
        %dma_wait3A_106 = arith.constant 0 : i32
        %dma_wait3A_107 = arith.constant 0 : i32
        %dma_wait3A_108 = tpu.memref_slice %arg10[%dma_wait3A_106, %dma_wait3A_107] : memref<10000x128xf32, #tpu.memory_space<vmem_shared>> -> memref<10000x128xf32, #tpu.memory_space<vmem_shared>>
        tpu.wait_indirect_dma semaphore(%run_scoped3A : memref<!tpu.dma_semaphore, #tpu.memory_space<semaphore_mem>>) src(%arg9 : memref<125x128xf32, #tpu.memory_space<vmem>>) dst(%dma_wait3A_108 : memref<10000x128xf32, #tpu.memory_space<vmem_shared>>)
        tpu.yield
      }) : () -> ()
      %add3A_90 = arith.constant 2 : i32
      %add3A_91 = arith.addi %add3A_72, %add3A_90 : i32
      %lt3A_92 = arith.constant 40 : i32
      %lt3A_93 = arith.cmpi slt, %add3A_91, %lt3A_92 : i32
      %convert_element_type3A_94 = arith.extui %lt3A_93 : i1 to i32
      %cond3A_95 = arith.constant 0 : i32
      %cond3A_96 = arith.cmpi ne, %convert_element_type3A_94, %cond3A_95 : i32
      scf.if %cond3A_96 {
        %add3A_97 = arith.constant 2 : i32
        %add3A_98 = arith.addi %add3A_72, %add3A_97 : i32
        %dma_start3A_99 = arith.constant 0 : i32
        %dma_start3A_100 = tpu.memref_slice %arg6[%add3A_98, %dma_start3A_99] : memref<40x125xi32, #tpu.memory_space<vmem>> -> memref<1x125xi32, #tpu.memory_space<vmem>>
        %dma_start3A_101 = tpu.memref_squeeze %dma_start3A_100 : memref<1x125xi32, #tpu.memory_space<vmem>> -> memref<125xi32, #tpu.memory_space<vmem>>
        %dma_start3A_102 = arith.constant 0 : i32
        %dma_start3A_103 = arith.constant 0 : i32
        %dma_start3A_104 = tpu.memref_slice %arg2[%dma_start3A_102, %dma_start3A_103] : memref<10000x128xf32, #tpu.memory_space<hbm>> -> memref<10000x128xf32, #tpu.memory_space<hbm>>
        tpu.enqueue_indirect_dma source(%dma_start3A_104 : memref<10000x128xf32, #tpu.memory_space<hbm>>) target(%arg9 : memref<125x128xf32, #tpu.memory_space<vmem>>) offsets(%dma_start3A_101 : memref<125xi32, #tpu.memory_space<vmem>>) semaphore(%arg12 : memref<!tpu.dma_semaphore, #tpu.memory_space<semaphore_mem>>)
      } else {
      }
    }
    %scan3A_30 = arith.constant 20 : i32
    %mul3A_31 = arith.constant 80 : i32
    %mul3A_32 = arith.muli %add3A, %mul3A_31 : i32
    %add3A_33 = arith.constant 40 : i32
    %add3A_34 = arith.addi %mul3A_32, %add3A_33 : i32
    "tpu.region"() ({
      %run_scoped3A = tpu.sem_alloc : memref<!tpu.dma_semaphore, #tpu.memory_space<semaphore_mem>>
      %dma_start3A_68 = arith.constant 0 : i32
      %dma_start3A_69 = tpu.memref_slice %arg3[%add3A_34, %dma_start3A_68] : memref<2560x125xi32, #tpu.memory_space<hbm>> -> memref<40x125xi32, #tpu.memory_space<hbm>>
      %dma_start3A_70 = arith.constant 0 : i32
      %dma_start3A_71 = tpu.memref_slice %arg3[%add3A_34, %dma_start3A_70] : memref<2560x125xi32, #tpu.memory_space<hbm>> -> memref<40x125xi32, #tpu.memory_space<hbm>>
      tpu.enqueue_dma source(%dma_start3A_71 : memref<40x125xi32, #tpu.memory_space<hbm>>) target(%arg6 : memref<40x125xi32, #tpu.memory_space<vmem>>) target_semaphore(%run_scoped3A : memref<!tpu.dma_semaphore, #tpu.memory_space<semaphore_mem>>)
      %dma_wait3A = arith.constant 0 : i32
      %dma_wait3A_72 = tpu.memref_slice %arg3[%add3A_34, %dma_wait3A] : memref<2560x125xi32, #tpu.memory_space<hbm>> -> memref<40x125xi32, #tpu.memory_space<hbm>>
      %dma_wait3A_73 = arith.constant 0 : i32
      %dma_wait3A_74 = tpu.memref_slice %arg3[%add3A_34, %dma_wait3A_73] : memref<2560x125xi32, #tpu.memory_space<hbm>> -> memref<40x125xi32, #tpu.memory_space<hbm>>
      tpu.wait_dma2 semaphore(%run_scoped3A : memref<!tpu.dma_semaphore, #tpu.memory_space<semaphore_mem>>) src(%dma_wait3A_74 : memref<40x125xi32, #tpu.memory_space<hbm>>) dst(%arg6 : memref<40x125xi32, #tpu.memory_space<vmem>>)
      tpu.yield
    }) : () -> ()
    %mul3A_35 = arith.constant 80 : i32
    %mul3A_36 = arith.muli %add3A, %mul3A_35 : i32
    %add3A_37 = arith.constant 40 : i32
    %add3A_38 = arith.addi %mul3A_36, %add3A_37 : i32
    "tpu.region"() ({
      %run_scoped3A = tpu.sem_alloc : memref<!tpu.dma_semaphore, #tpu.memory_space<semaphore_mem>>
      %dma_start3A_68 = arith.constant 0 : i32
      %dma_start3A_69 = tpu.memref_slice %arg4[%add3A_38, %dma_start3A_68] : memref<2560x125xi32, #tpu.memory_space<hbm>> -> memref<40x125xi32, #tpu.memory_space<hbm>>
      %dma_start3A_70 = arith.constant 0 : i32
      %dma_start3A_71 = tpu.memref_slice %arg4[%add3A_38, %dma_start3A_70] : memref<2560x125xi32, #tpu.memory_space<hbm>> -> memref<40x125xi32, #tpu.memory_space<hbm>>
      tpu.enqueue_dma source(%dma_start3A_71 : memref<40x125xi32, #tpu.memory_space<hbm>>) target(%arg7 : memref<40x125xi32, #tpu.memory_space<vmem>>) target_semaphore(%run_scoped3A : memref<!tpu.dma_semaphore, #tpu.memory_space<semaphore_mem>>)
      %dma_wait3A = arith.constant 0 : i32
      %dma_wait3A_72 = tpu.memref_slice %arg4[%add3A_38, %dma_wait3A] : memref<2560x125xi32, #tpu.memory_space<hbm>> -> memref<40x125xi32, #tpu.memory_space<hbm>>
      %dma_wait3A_73 = arith.constant 0 : i32
      %dma_wait3A_74 = tpu.memref_slice %arg4[%add3A_38, %dma_wait3A_73] : memref<2560x125xi32, #tpu.memory_space<hbm>> -> memref<40x125xi32, #tpu.memory_space<hbm>>
      tpu.wait_dma2 semaphore(%run_scoped3A : memref<!tpu.dma_semaphore, #tpu.memory_space<semaphore_mem>>) src(%dma_wait3A_74 : memref<40x125xi32, #tpu.memory_space<hbm>>) dst(%arg7 : memref<40x125xi32, #tpu.memory_space<vmem>>)
      tpu.yield
    }) : () -> ()
    %dma_start3A_39 = arith.constant 0 : i32
    %dma_start3A_40 = arith.constant 0 : i32
    %dma_start3A_41 = tpu.memref_slice %arg6[%dma_start3A_39, %dma_start3A_40] : memref<40x125xi32, #tpu.memory_space<vmem>> -> memref<1x125xi32, #tpu.memory_space<vmem>>
    %dma_start3A_42 = tpu.memref_squeeze %dma_start3A_41 : memref<1x125xi32, #tpu.memory_space<vmem>> -> memref<125xi32, #tpu.memory_space<vmem>>
    %dma_start3A_43 = arith.constant 0 : i32
    %dma_start3A_44 = arith.constant 0 : i32
    %dma_start3A_45 = tpu.memref_slice %arg2[%dma_start3A_43, %dma_start3A_44] : memref<10000x128xf32, #tpu.memory_space<hbm>> -> memref<10000x128xf32, #tpu.memory_space<hbm>>
    tpu.enqueue_indirect_dma source(%dma_start3A_45 : memref<10000x128xf32, #tpu.memory_space<hbm>>) target(%arg8 : memref<125x128xf32, #tpu.memory_space<vmem>>) offsets(%dma_start3A_42 : memref<125xi32, #tpu.memory_space<vmem>>) semaphore(%arg11 : memref<!tpu.dma_semaphore, #tpu.memory_space<semaphore_mem>>)
    %dma_start3A_46 = arith.constant 1 : i32
    %dma_start3A_47 = arith.constant 0 : i32
    %dma_start3A_48 = tpu.memref_slice %arg6[%dma_start3A_46, %dma_start3A_47] : memref<40x125xi32, #tpu.memory_space<vmem>> -> memref<1x125xi32, #tpu.memory_space<vmem>>
    %dma_start3A_49 = tpu.memref_squeeze %dma_start3A_48 : memref<1x125xi32, #tpu.memory_space<vmem>> -> memref<125xi32, #tpu.memory_space<vmem>>
    %dma_start3A_50 = arith.constant 0 : i32
    %dma_start3A_51 = arith.constant 0 : i32
    %dma_start3A_52 = tpu.memref_slice %arg2[%dma_start3A_50, %dma_start3A_51] : memref<10000x128xf32, #tpu.memory_space<hbm>> -> memref<10000x128xf32, #tpu.memory_space<hbm>>
    tpu.enqueue_indirect_dma source(%dma_start3A_52 : memref<10000x128xf32, #tpu.memory_space<hbm>>) target(%arg9 : memref<125x128xf32, #tpu.memory_space<vmem>>) offsets(%dma_start3A_49 : memref<125xi32, #tpu.memory_space<vmem>>) semaphore(%arg12 : memref<!tpu.dma_semaphore, #tpu.memory_space<semaphore_mem>>)
    %scan3A_53 = arith.constant 0 : i32
    %scan3A_54 = arith.constant 0 : i32
    %scan3A_55 = arith.constant 20 : i32
    %scan3A_56 = arith.addi %scan3A_54, %scan3A_55 : i32
    %scan3A_57 = arith.constant 1 : i32
    scf.for %scan3A_68 = %scan3A_54 to %scan3A_56 step %scan3A_57  : i32 {
      %mul3A_69 = arith.constant 2 : i32
      %mul3A_70 = arith.muli %mul3A_69, %scan3A_68 : i32
      %add3A_71 = arith.constant 1 : i32
      %add3A_72 = arith.addi %mul3A_70, %add3A_71 : i32
      %dma_wait3A = arith.constant 0 : i32
      %dma_wait3A_73 = tpu.memref_slice %arg6[%mul3A_70, %dma_wait3A] : memref<40x125xi32, #tpu.memory_space<vmem>> -> memref<1x125xi32, #tpu.memory_space<vmem>>
      %dma_wait3A_74 = tpu.memref_squeeze %dma_wait3A_73 : memref<1x125xi32, #tpu.memory_space<vmem>> -> memref<125xi32, #tpu.memory_space<vmem>>
      %dma_wait3A_75 = arith.constant 0 : i32
      %dma_wait3A_76 = arith.constant 0 : i32
      %dma_wait3A_77 = tpu.memref_slice %arg2[%dma_wait3A_75, %dma_wait3A_76] : memref<10000x128xf32, #tpu.memory_space<hbm>> -> memref<10000x128xf32, #tpu.memory_space<hbm>>
      tpu.wait_indirect_dma semaphore(%arg11 : memref<!tpu.dma_semaphore, #tpu.memory_space<semaphore_mem>>) src(%dma_wait3A_77 : memref<10000x128xf32, #tpu.memory_space<hbm>>) dst(%arg8 : memref<125x128xf32, #tpu.memory_space<vmem>>)
      "tpu.region"() ({
        %run_scoped3A = tpu.sem_alloc : memref<!tpu.dma_semaphore, #tpu.memory_space<semaphore_mem>>
        %dma_start3A_97 = arith.constant 0 : i32
        %dma_start3A_98 = tpu.memref_slice %arg7[%mul3A_70, %dma_start3A_97] : memref<40x125xi32, #tpu.memory_space<vmem>> -> memref<1x125xi32, #tpu.memory_space<vmem>>
        %dma_start3A_99 = tpu.memref_squeeze %dma_start3A_98 : memref<1x125xi32, #tpu.memory_space<vmem>> -> memref<125xi32, #tpu.memory_space<vmem>>
        %dma_start3A_100 = arith.constant 0 : i32
        %dma_start3A_101 = arith.constant 0 : i32
        %dma_start3A_102 = tpu.memref_slice %arg10[%dma_start3A_100, %dma_start3A_101] : memref<10000x128xf32, #tpu.memory_space<vmem_shared>> -> memref<10000x128xf32, #tpu.memory_space<vmem_shared>>
        tpu.enqueue_indirect_dma source(%arg8 : memref<125x128xf32, #tpu.memory_space<vmem>>) target(%dma_start3A_102 : memref<10000x128xf32, #tpu.memory_space<vmem_shared>>) offsets(%dma_start3A_99 : memref<125xi32, #tpu.memory_space<vmem>>) semaphore(%run_scoped3A : memref<!tpu.dma_semaphore, #tpu.memory_space<semaphore_mem>>) {add = true}
        %dma_wait3A_103 = arith.constant 0 : i32
        %dma_wait3A_104 = tpu.memref_slice %arg7[%mul3A_70, %dma_wait3A_103] : memref<40x125xi32, #tpu.memory_space<vmem>> -> memref<1x125xi32, #tpu.memory_space<vmem>>
        %dma_wait3A_105 = tpu.memref_squeeze %dma_wait3A_104 : memref<1x125xi32, #tpu.memory_space<vmem>> -> memref<125xi32, #tpu.memory_space<vmem>>
        %dma_wait3A_106 = arith.constant 0 : i32
        %dma_wait3A_107 = arith.constant 0 : i32
        %dma_wait3A_108 = tpu.memref_slice %arg10[%dma_wait3A_106, %dma_wait3A_107] : memref<10000x128xf32, #tpu.memory_space<vmem_shared>> -> memref<10000x128xf32, #tpu.memory_space<vmem_shared>>
        tpu.wait_indirect_dma semaphore(%run_scoped3A : memref<!tpu.dma_semaphore, #tpu.memory_space<semaphore_mem>>) src(%arg8 : memref<125x128xf32, #tpu.memory_space<vmem>>) dst(%dma_wait3A_108 : memref<10000x128xf32, #tpu.memory_space<vmem_shared>>)
        tpu.yield
      }) : () -> ()
      %add3A_78 = arith.constant 2 : i32
      %add3A_79 = arith.addi %mul3A_70, %add3A_78 : i32
      %lt3A = arith.constant 40 : i32
      %lt3A_80 = arith.cmpi slt, %add3A_79, %lt3A : i32
      %convert_element_type3A_81 = arith.extui %lt3A_80 : i1 to i32
      %cond3A_82 = arith.constant 0 : i32
      %cond3A_83 = arith.cmpi ne, %convert_element_type3A_81, %cond3A_82 : i32
      scf.if %cond3A_83 {
        %add3A_97 = arith.constant 2 : i32
        %add3A_98 = arith.addi %mul3A_70, %add3A_97 : i32
        %dma_start3A_99 = arith.constant 0 : i32
        %dma_start3A_100 = tpu.memref_slice %arg6[%add3A_98, %dma_start3A_99] : memref<40x125xi32, #tpu.memory_space<vmem>> -> memref<1x125xi32, #tpu.memory_space<vmem>>
        %dma_start3A_101 = tpu.memref_squeeze %dma_start3A_100 : memref<1x125xi32, #tpu.memory_space<vmem>> -> memref<125xi32, #tpu.memory_space<vmem>>
        %dma_start3A_102 = arith.constant 0 : i32
        %dma_start3A_103 = arith.constant 0 : i32
        %dma_start3A_104 = tpu.memref_slice %arg2[%dma_start3A_102, %dma_start3A_103] : memref<10000x128xf32, #tpu.memory_space<hbm>> -> memref<10000x128xf32, #tpu.memory_space<hbm>>
        tpu.enqueue_indirect_dma source(%dma_start3A_104 : memref<10000x128xf32, #tpu.memory_space<hbm>>) target(%arg8 : memref<125x128xf32, #tpu.memory_space<vmem>>) offsets(%dma_start3A_101 : memref<125xi32, #tpu.memory_space<vmem>>) semaphore(%arg11 : memref<!tpu.dma_semaphore, #tpu.memory_space<semaphore_mem>>)
      } else {
      }
      %dma_wait3A_84 = arith.constant 0 : i32
      %dma_wait3A_85 = tpu.memref_slice %arg6[%add3A_72, %dma_wait3A_84] : memref<40x125xi32, #tpu.memory_space<vmem>> -> memref<1x125xi32, #tpu.memory_space<vmem>>
      %dma_wait3A_86 = tpu.memref_squeeze %dma_wait3A_85 : memref<1x125xi32, #tpu.memory_space<vmem>> -> memref<125xi32, #tpu.memory_space<vmem>>
      %dma_wait3A_87 = arith.constant 0 : i32
      %dma_wait3A_88 = arith.constant 0 : i32
      %dma_wait3A_89 = tpu.memref_slice %arg2[%dma_wait3A_87, %dma_wait3A_88] : memref<10000x128xf32, #tpu.memory_space<hbm>> -> memref<10000x128xf32, #tpu.memory_space<hbm>>
      tpu.wait_indirect_dma semaphore(%arg12 : memref<!tpu.dma_semaphore, #tpu.memory_space<semaphore_mem>>) src(%dma_wait3A_89 : memref<10000x128xf32, #tpu.memory_space<hbm>>) dst(%arg9 : memref<125x128xf32, #tpu.memory_space<vmem>>)
      "tpu.region"() ({
        %run_scoped3A = tpu.sem_alloc : memref<!tpu.dma_semaphore, #tpu.memory_space<semaphore_mem>>
        %dma_start3A_97 = arith.constant 0 : i32
        %dma_start3A_98 = tpu.memref_slice %arg7[%add3A_72, %dma_start3A_97] : memref<40x125xi32, #tpu.memory_space<vmem>> -> memref<1x125xi32, #tpu.memory_space<vmem>>
        %dma_start3A_99 = tpu.memref_squeeze %dma_start3A_98 : memref<1x125xi32, #tpu.memory_space<vmem>> -> memref<125xi32, #tpu.memory_space<vmem>>
        %dma_start3A_100 = arith.constant 0 : i32
        %dma_start3A_101 = arith.constant 0 : i32
        %dma_start3A_102 = tpu.memref_slice %arg10[%dma_start3A_100, %dma_start3A_101] : memref<10000x128xf32, #tpu.memory_space<vmem_shared>> -> memref<10000x128xf32, #tpu.memory_space<vmem_shared>>
        tpu.enqueue_indirect_dma source(%arg9 : memref<125x128xf32, #tpu.memory_space<vmem>>) target(%dma_start3A_102 : memref<10000x128xf32, #tpu.memory_space<vmem_shared>>) offsets(%dma_start3A_99 : memref<125xi32, #tpu.memory_space<vmem>>) semaphore(%run_scoped3A : memref<!tpu.dma_semaphore, #tpu.memory_space<semaphore_mem>>) {add = true}
        %dma_wait3A_103 = arith.constant 0 : i32
        %dma_wait3A_104 = tpu.memref_slice %arg7[%add3A_72, %dma_wait3A_103] : memref<40x125xi32, #tpu.memory_space<vmem>> -> memref<1x125xi32, #tpu.memory_space<vmem>>
        %dma_wait3A_105 = tpu.memref_squeeze %dma_wait3A_104 : memref<1x125xi32, #tpu.memory_space<vmem>> -> memref<125xi32, #tpu.memory_space<vmem>>
        %dma_wait3A_106 = arith.constant 0 : i32
        %dma_wait3A_107 = arith.constant 0 : i32
        %dma_wait3A_108 = tpu.memref_slice %arg10[%dma_wait3A_106, %dma_wait3A_107] : memref<10000x128xf32, #tpu.memory_space<vmem_shared>> -> memref<10000x128xf32, #tpu.memory_space<vmem_shared>>
        tpu.wait_indirect_dma semaphore(%run_scoped3A : memref<!tpu.dma_semaphore, #tpu.memory_space<semaphore_mem>>) src(%arg9 : memref<125x128xf32, #tpu.memory_space<vmem>>) dst(%dma_wait3A_108 : memref<10000x128xf32, #tpu.memory_space<vmem_shared>>)
        tpu.yield
      }) : () -> ()
      %add3A_90 = arith.constant 2 : i32
      %add3A_91 = arith.addi %add3A_72, %add3A_90 : i32
      %lt3A_92 = arith.constant 40 : i32
      %lt3A_93 = arith.cmpi slt, %add3A_91, %lt3A_92 : i32
      %convert_element_type3A_94 = arith.extui %lt3A_93 : i1 to i32
      %cond3A_95 = arith.constant 0 : i32
      %cond3A_96 = arith.cmpi ne, %convert_element_type3A_94, %cond3A_95 : i32
      scf.if %cond3A_96 {
        %add3A_97 = arith.constant 2 : i32
        %add3A_98 = arith.addi %add3A_72, %add3A_97 : i32
        %dma_start3A_99 = arith.constant 0 : i32
        %dma_start3A_100 = tpu.memref_slice %arg6[%add3A_98, %dma_start3A_99] : memref<40x125xi32, #tpu.memory_space<vmem>> -> memref<1x125xi32, #tpu.memory_space<vmem>>
        %dma_start3A_101 = tpu.memref_squeeze %dma_start3A_100 : memref<1x125xi32, #tpu.memory_space<vmem>> -> memref<125xi32, #tpu.memory_space<vmem>>
        %dma_start3A_102 = arith.constant 0 : i32
        %dma_start3A_103 = arith.constant 0 : i32
        %dma_start3A_104 = tpu.memref_slice %arg2[%dma_start3A_102, %dma_start3A_103] : memref<10000x128xf32, #tpu.memory_space<hbm>> -> memref<10000x128xf32, #tpu.memory_space<hbm>>
        tpu.enqueue_indirect_dma source(%dma_start3A_104 : memref<10000x128xf32, #tpu.memory_space<hbm>>) target(%arg9 : memref<125x128xf32, #tpu.memory_space<vmem>>) offsets(%dma_start3A_101 : memref<125xi32, #tpu.memory_space<vmem>>) semaphore(%arg12 : memref<!tpu.dma_semaphore, #tpu.memory_space<semaphore_mem>>)
      } else {
      }
    }
    %scan3A_58 = arith.constant 20 : i32
    %barrier3A_59 = arith.constant 0 : index
    tpu.barrier barrier_id(%barrier3A_59)
    %mul3A_60 = arith.constant 10000 : i32
    %mul3A_61 = arith.muli %arg0, %mul3A_60 : i32
    %add3A_62 = arith.addi %mul3A_61, %mul3A_2 : i32
    "tpu.region"() ({
      %run_scoped3A = tpu.sem_alloc : memref<!tpu.dma_semaphore, #tpu.memory_space<semaphore_mem>>
      %dma_start3A_68 = arith.constant 0 : i32
      %dma_start3A_69 = tpu.memref_slice %arg5[%add3A_62, %dma_start3A_68] : memref<20000x128xf32, #tpu.memory_space<hbm>> -> memref<624x128xf32, #tpu.memory_space<hbm>>
      %dma_start3A_70 = arith.constant 0 : i32
      %dma_start3A_71 = tpu.memref_slice %arg10[%mul3A_2, %dma_start3A_70] : memref<10000x128xf32, #tpu.memory_space<vmem_shared>> -> memref<624x128xf32, #tpu.memory_space<vmem_shared>>
      tpu.enqueue_dma source(%dma_start3A_71 : memref<624x128xf32, #tpu.memory_space<vmem_shared>>) target(%dma_start3A_69 : memref<624x128xf32, #tpu.memory_space<hbm>>) target_semaphore(%run_scoped3A : memref<!tpu.dma_semaphore, #tpu.memory_space<semaphore_mem>>)
      %dma_wait3A = arith.constant 0 : i32
      %dma_wait3A_72 = tpu.memref_slice %arg5[%add3A_62, %dma_wait3A] : memref<20000x128xf32, #tpu.memory_space<hbm>> -> memref<624x128xf32, #tpu.memory_space<hbm>>
      %dma_wait3A_73 = arith.constant 0 : i32
      %dma_wait3A_74 = tpu.memref_slice %arg10[%mul3A_2, %dma_wait3A_73] : memref<10000x128xf32, #tpu.memory_space<vmem_shared>> -> memref<624x128xf32, #tpu.memory_space<vmem_shared>>
      tpu.wait_dma2 semaphore(%run_scoped3A : memref<!tpu.dma_semaphore, #tpu.memory_space<semaphore_mem>>) src(%dma_wait3A_74 : memref<624x128xf32, #tpu.memory_space<vmem_shared>>) dst(%dma_wait3A_72 : memref<624x128xf32, #tpu.memory_space<hbm>>)
      tpu.yield
    }) : () -> ()
    %eq3A_63 = arith.constant 0 : i32
    %eq3A_64 = arith.cmpi eq, %arg1, %eq3A_63 : i32
    %convert_element_type3A_65 = arith.extui %eq3A_64 : i1 to i32
    %cond3A_66 = arith.constant 0 : i32
    %cond3A_67 = arith.cmpi ne, %convert_element_type3A_65, %cond3A_66 : i32
    scf.if %cond3A_67 {
      %mul3A_68 = arith.constant 10000 : i32
      %mul3A_69 = arith.muli %arg0, %mul3A_68 : i32
      %add3A_70 = arith.constant 9984 : i32
      %add3A_71 = arith.addi %mul3A_69, %add3A_70 : i32
      "tpu.region"() ({
        %run_scoped3A = tpu.sem_alloc : memref<!tpu.dma_semaphore, #tpu.memory_space<semaphore_mem>>
        %dma_start3A_72 = arith.constant 0 : i32
        %dma_start3A_73 = tpu.memref_slice %arg5[%add3A_71, %dma_start3A_72] : memref<20000x128xf32, #tpu.memory_space<hbm>> -> memref<16x128xf32, #tpu.memory_space<hbm>>
        %dma_start3A_74 = arith.constant 9984 : i32
        %dma_start3A_75 = arith.constant 0 : i32
        %dma_start3A_76 = tpu.memref_slice %arg10[%dma_start3A_74, %dma_start3A_75] : memref<10000x128xf32, #tpu.memory_space<vmem_shared>> -> memref<16x128xf32, #tpu.memory_space<vmem_shared>>
        tpu.enqueue_dma source(%dma_start3A_76 : memref<16x128xf32, #tpu.memory_space<vmem_shared>>) target(%dma_start3A_73 : memref<16x128xf32, #tpu.memory_space<hbm>>) target_semaphore(%run_scoped3A : memref<!tpu.dma_semaphore, #tpu.memory_space<semaphore_mem>>)
        %dma_wait3A = arith.constant 0 : i32
        %dma_wait3A_77 = tpu.memref_slice %arg5[%add3A_71, %dma_wait3A] : memref<20000x128xf32, #tpu.memory_space<hbm>> -> memref<16x128xf32, #tpu.memory_space<hbm>>
        %dma_wait3A_78 = arith.constant 9984 : i32
        %dma_wait3A_79 = arith.constant 0 : i32
        %dma_wait3A_80 = tpu.memref_slice %arg10[%dma_wait3A_78, %dma_wait3A_79] : memref<10000x128xf32, #tpu.memory_space<vmem_shared>> -> memref<16x128xf32, #tpu.memory_space<vmem_shared>>
        tpu.wait_dma2 semaphore(%run_scoped3A : memref<!tpu.dma_semaphore, #tpu.memory_space<semaphore_mem>>) src(%dma_wait3A_80 : memref<16x128xf32, #tpu.memory_space<vmem_shared>>) dst(%dma_wait3A_77 : memref<16x128xf32, #tpu.memory_space<hbm>>)
        tpu.yield
      }) : () -> ()
    } else {
    }
    return
  }
}

#map = affine_map<(d0, d1) -> (0, 0)>
module attributes {stable_mosaic.version = 14 : i64} {
  func.func @agg(%arg0: i32, %arg1: i32, %arg2: memref<10000x128xf32, #tpu.memory_space<hbm>>, %arg3: memref<2560x125xi32, #tpu.memory_space<hbm>>, %arg4: memref<2560x125xi32, #tpu.memory_space<hbm>>, %arg5: memref<20000x128xf32, #tpu.memory_space<hbm>>, %arg6: memref<40x125xi32, #tpu.memory_space<vmem>>, %arg7: memref<40x125xi32, #tpu.memory_space<vmem>>, %arg8: memref<125x128xf32, #tpu.memory_space<vmem>>, %arg9: memref<125x128xf32, #tpu.memory_space<vmem>>, %arg10: memref<10000x128xf32, #tpu.memory_space<vmem_shared>>, %arg11: memref<!tpu.dma_semaphore, #tpu.memory_space<semaphore_mem>>, %arg12: memref<!tpu.dma_semaphore, #tpu.memory_space<semaphore_mem>>, %arg13: memref<!tpu.dma_semaphore, #tpu.memory_space<semaphore_mem>>, %arg14: memref<!tpu.dma_semaphore, #tpu.memory_space<semaphore_mem>>) attributes {dimension_semantics = [#tpu.dimension_semantics<core_parallel>, #tpu.dimension_semantics<subcore_parallel>], iteration_bounds = array<i64: 2, 16>, scalar_prefetch = 0 : i64, scratch_operands = 9 : i64, tpu.core_type = #tpu.core_type<sc_vector_subcore>, window_params = [{transform_indices = #map}, {transform_indices = #map}, {transform_indices = #map}, {transform_indices = #map}]} {
    %mul3A = arith.constant 2 : i32
    %mul3A_0 = arith.muli %arg1, %mul3A : i32
    %add3A = arith.addi %mul3A_0, %arg0 : i32
    %mul3A_1 = arith.constant 624 : i32
    %mul3A_2 = arith.muli %arg1, %mul3A_1 : i32
    "tpu.region"() ({
      %run_scoped3A = tpu.sem_alloc : memref<!tpu.dma_semaphore, #tpu.memory_space<semaphore_mem>>
      %dma_start3A_68 = arith.constant 0 : i32
      %dma_start3A_69 = tpu.memref_slice %arg10[%mul3A_2, %dma_start3A_68] : memref<10000x128xf32, #tpu.memory_space<vmem_shared>> -> memref<624x128xf32, #tpu.memory_space<vmem_shared>>
      %dma_start3A_70 = arith.constant 0 : i32
      %dma_start3A_71 = tpu.memref_slice %arg2[%mul3A_2, %dma_start3A_70] : memref<10000x128xf32, #tpu.memory_space<hbm>> -> memref<624x128xf32, #tpu.memory_space<hbm>>
      tpu.enqueue_dma source(%dma_start3A_71 : memref<624x128xf32, #tpu.memory_space<hbm>>) target(%dma_start3A_69 : memref<624x128xf32, #tpu.memory_space<vmem_shared>>) target_semaphore(%run_scoped3A : memref<!tpu.dma_semaphore, #tpu.memory_space<semaphore_mem>>)
      %dma_wait3A = arith.constant 0 : i32
      %dma_wait3A_72 = tpu.memref_slice %arg10[%mul3A_2, %dma_wait3A] : memref<10000x128xf32, #tpu.memory_space<vmem_shared>> -> memref<624x128xf32, #tpu.memory_space<vmem_shared>>
      %dma_wait3A_73 = arith.constant 0 : i32
      %dma_wait3A_74 = tpu.memref_slice %arg2[%mul3A_2, %dma_wait3A_73] : memref<10000x128xf32, #tpu.memory_space<hbm>> -> memref<624x128xf32, #tpu.memory_space<hbm>>
      tpu.wait_dma2 semaphore(%run_scoped3A : memref<!tpu.dma_semaphore, #tpu.memory_space<semaphore_mem>>) src(%dma_wait3A_74 : memref<624x128xf32, #tpu.memory_space<hbm>>) dst(%dma_wait3A_72 : memref<624x128xf32, #tpu.memory_space<vmem_shared>>)
      tpu.yield
    }) : () -> ()
    %eq3A = arith.constant 0 : i32
    %eq3A_3 = arith.cmpi eq, %arg1, %eq3A : i32
    %convert_element_type3A = arith.extui %eq3A_3 : i1 to i32
    %cond3A = arith.constant 0 : i32
    %cond3A_4 = arith.cmpi ne, %convert_element_type3A, %cond3A : i32
    scf.if %cond3A_4 {
      "tpu.region"() ({
        %run_scoped3A = tpu.sem_alloc : memref<!tpu.dma_semaphore, #tpu.memory_space<semaphore_mem>>
        %dma_start3A_68 = arith.constant 9984 : i32
        %dma_start3A_69 = arith.constant 0 : i32
        %dma_start3A_70 = tpu.memref_slice %arg10[%dma_start3A_68, %dma_start3A_69] : memref<10000x128xf32, #tpu.memory_space<vmem_shared>> -> memref<16x128xf32, #tpu.memory_space<vmem_shared>>
        %dma_start3A_71 = arith.constant 9984 : i32
        %dma_start3A_72 = arith.constant 0 : i32
        %dma_start3A_73 = tpu.memref_slice %arg2[%dma_start3A_71, %dma_start3A_72] : memref<10000x128xf32, #tpu.memory_space<hbm>> -> memref<16x128xf32, #tpu.memory_space<hbm>>
        tpu.enqueue_dma source(%dma_start3A_73 : memref<16x128xf32, #tpu.memory_space<hbm>>) target(%dma_start3A_70 : memref<16x128xf32, #tpu.memory_space<vmem_shared>>) target_semaphore(%run_scoped3A : memref<!tpu.dma_semaphore, #tpu.memory_space<semaphore_mem>>)
        %dma_wait3A = arith.constant 9984 : i32
        %dma_wait3A_74 = arith.constant 0 : i32
        %dma_wait3A_75 = tpu.memref_slice %arg10[%dma_wait3A, %dma_wait3A_74] : memref<10000x128xf32, #tpu.memory_space<vmem_shared>> -> memref<16x128xf32, #tpu.memory_space<vmem_shared>>
        %dma_wait3A_76 = arith.constant 9984 : i32
        %dma_wait3A_77 = arith.constant 0 : i32
        %dma_wait3A_78 = tpu.memref_slice %arg2[%dma_wait3A_76, %dma_wait3A_77] : memref<10000x128xf32, #tpu.memory_space<hbm>> -> memref<16x128xf32, #tpu.memory_space<hbm>>
        tpu.wait_dma2 semaphore(%run_scoped3A : memref<!tpu.dma_semaphore, #tpu.memory_space<semaphore_mem>>) src(%dma_wait3A_78 : memref<16x128xf32, #tpu.memory_space<hbm>>) dst(%dma_wait3A_75 : memref<16x128xf32, #tpu.memory_space<vmem_shared>>)
        tpu.yield
      }) : () -> ()
    } else {
    }
    %barrier3A = arith.constant 0 : index
    tpu.barrier barrier_id(%barrier3A)
    %mul3A_5 = arith.constant 80 : i32
    %mul3A_6 = arith.muli %add3A, %mul3A_5 : i32
    %add3A_7 = arith.constant 0 : i32
    %add3A_8 = arith.addi %mul3A_6, %add3A_7 : i32
    "tpu.region"() ({
      %run_scoped3A = tpu.sem_alloc : memref<!tpu.dma_semaphore, #tpu.memory_space<semaphore_mem>>
      %dma_start3A_68 = arith.constant 0 : i32
      %dma_start3A_69 = tpu.memref_slice %arg3[%add3A_8, %dma_start3A_68] : memref<2560x125xi32, #tpu.memory_space<hbm>> -> memref<40x125xi32, #tpu.memory_space<hbm>>
      %dma_start3A_70 = arith.constant 0 : i32
      %dma_start3A_71 = tpu.memref_slice %arg3[%add3A_8, %dma_start3A_70] : memref<2560x125xi32, #tpu.memory_space<hbm>> -> memref<40x125xi32, #tpu.memory_space<hbm>>
      tpu.enqueue_dma source(%dma_start3A_71 : memref<40x125xi32, #tpu.memory_space<hbm>>) target(%arg6 : memref<40x125xi32, #tpu.memory_space<vmem>>) target_semaphore(%run_scoped3A : memref<!tpu.dma_semaphore, #tpu.memory_space<semaphore_mem>>)
      %dma_wait3A = arith.constant 0 : i32
      %dma_wait3A_72 = tpu.memref_slice %arg3[%add3A_8, %dma_wait3A] : memref<2560x125xi32, #tpu.memory_space<hbm>> -> memref<40x125xi32, #tpu.memory_space<hbm>>
      %dma_wait3A_73 = arith.constant 0 : i32
      %dma_wait3A_74 = tpu.memref_slice %arg3[%add3A_8, %dma_wait3A_73] : memref<2560x125xi32, #tpu.memory_space<hbm>> -> memref<40x125xi32, #tpu.memory_space<hbm>>
      tpu.wait_dma2 semaphore(%run_scoped3A : memref<!tpu.dma_semaphore, #tpu.memory_space<semaphore_mem>>) src(%dma_wait3A_74 : memref<40x125xi32, #tpu.memory_space<hbm>>) dst(%arg6 : memref<40x125xi32, #tpu.memory_space<vmem>>)
      tpu.yield
    }) : () -> ()
    %mul3A_9 = arith.constant 80 : i32
    %mul3A_10 = arith.muli %add3A, %mul3A_9 : i32
    %add3A_11 = arith.constant 0 : i32
    %add3A_12 = arith.addi %mul3A_10, %add3A_11 : i32
    "tpu.region"() ({
      %run_scoped3A = tpu.sem_alloc : memref<!tpu.dma_semaphore, #tpu.memory_space<semaphore_mem>>
      %dma_start3A_68 = arith.constant 0 : i32
      %dma_start3A_69 = tpu.memref_slice %arg4[%add3A_12, %dma_start3A_68] : memref<2560x125xi32, #tpu.memory_space<hbm>> -> memref<40x125xi32, #tpu.memory_space<hbm>>
      %dma_start3A_70 = arith.constant 0 : i32
      %dma_start3A_71 = tpu.memref_slice %arg4[%add3A_12, %dma_start3A_70] : memref<2560x125xi32, #tpu.memory_space<hbm>> -> memref<40x125xi32, #tpu.memory_space<hbm>>
      tpu.enqueue_dma source(%dma_start3A_71 : memref<40x125xi32, #tpu.memory_space<hbm>>) target(%arg7 : memref<40x125xi32, #tpu.memory_space<vmem>>) target_semaphore(%run_scoped3A : memref<!tpu.dma_semaphore, #tpu.memory_space<semaphore_mem>>)
      %dma_wait3A = arith.constant 0 : i32
      %dma_wait3A_72 = tpu.memref_slice %arg4[%add3A_12, %dma_wait3A] : memref<2560x125xi32, #tpu.memory_space<hbm>> -> memref<40x125xi32, #tpu.memory_space<hbm>>
      %dma_wait3A_73 = arith.constant 0 : i32
      %dma_wait3A_74 = tpu.memref_slice %arg4[%add3A_12, %dma_wait3A_73] : memref<2560x125xi32, #tpu.memory_space<hbm>> -> memref<40x125xi32, #tpu.memory_space<hbm>>
      tpu.wait_dma2 semaphore(%run_scoped3A : memref<!tpu.dma_semaphore, #tpu.memory_space<semaphore_mem>>) src(%dma_wait3A_74 : memref<40x125xi32, #tpu.memory_space<hbm>>) dst(%arg7 : memref<40x125xi32, #tpu.memory_space<vmem>>)
      tpu.yield
    }) : () -> ()
    %dma_start3A = arith.constant 0 : i32
    %dma_start3A_13 = arith.constant 0 : i32
    %dma_start3A_14 = tpu.memref_slice %arg6[%dma_start3A, %dma_start3A_13] : memref<40x125xi32, #tpu.memory_space<vmem>> -> memref<1x125xi32, #tpu.memory_space<vmem>>
    %dma_start3A_15 = tpu.memref_squeeze %dma_start3A_14 : memref<1x125xi32, #tpu.memory_space<vmem>> -> memref<125xi32, #tpu.memory_space<vmem>>
    %dma_start3A_16 = arith.constant 0 : i32
    %dma_start3A_17 = arith.constant 0 : i32
    %dma_start3A_18 = tpu.memref_slice %arg2[%dma_start3A_16, %dma_start3A_17] : memref<10000x128xf32, #tpu.memory_space<hbm>> -> memref<10000x128xf32, #tpu.memory_space<hbm>>
    tpu.enqueue_indirect_dma source(%dma_start3A_18 : memref<10000x128xf32, #tpu.memory_space<hbm>>) target(%arg8 : memref<125x128xf32, #tpu.memory_space<vmem>>) offsets(%dma_start3A_15 : memref<125xi32, #tpu.memory_space<vmem>>) semaphore(%arg11 : memref<!tpu.dma_semaphore, #tpu.memory_space<semaphore_mem>>)
    %dma_start3A_19 = arith.constant 1 : i32
    %dma_start3A_20 = arith.constant 0 : i32
    %dma_start3A_21 = tpu.memref_slice %arg6[%dma_start3A_19, %dma_start3A_20] : memref<40x125xi32, #tpu.memory_space<vmem>> -> memref<1x125xi32, #tpu.memory_space<vmem>>
    %dma_start3A_22 = tpu.memref_squeeze %dma_start3A_21 : memref<1x125xi32, #tpu.memory_space<vmem>> -> memref<125xi32, #tpu.memory_space<vmem>>
    %dma_start3A_23 = arith.constant 0 : i32
    %dma_start3A_24 = arith.constant 0 : i32
    %dma_start3A_25 = tpu.memref_slice %arg2[%dma_start3A_23, %dma_start3A_24] : memref<10000x128xf32, #tpu.memory_space<hbm>> -> memref<10000x128xf32, #tpu.memory_space<hbm>>
    tpu.enqueue_indirect_dma source(%dma_start3A_25 : memref<10000x128xf32, #tpu.memory_space<hbm>>) target(%arg9 : memref<125x128xf32, #tpu.memory_space<vmem>>) offsets(%dma_start3A_22 : memref<125xi32, #tpu.memory_space<vmem>>) semaphore(%arg12 : memref<!tpu.dma_semaphore, #tpu.memory_space<semaphore_mem>>)
    %scan3A = arith.constant 0 : i32
    %scan3A_26 = arith.constant 0 : i32
    %scan3A_27 = arith.constant 20 : i32
    %scan3A_28 = arith.addi %scan3A_26, %scan3A_27 : i32
    %scan3A_29 = arith.constant 1 : i32
    scf.for %scan3A_68 = %scan3A_26 to %scan3A_28 step %scan3A_29  : i32 {
      %mul3A_69 = arith.constant 2 : i32
      %mul3A_70 = arith.muli %mul3A_69, %scan3A_68 : i32
      %add3A_71 = arith.constant 1 : i32
      %add3A_72 = arith.addi %mul3A_70, %add3A_71 : i32
      %dma_wait3A = arith.constant 0 : i32
      %dma_wait3A_73 = tpu.memref_slice %arg6[%mul3A_70, %dma_wait3A] : memref<40x125xi32, #tpu.memory_space<vmem>> -> memref<1x125xi32, #tpu.memory_space<vmem>>
      %dma_wait3A_74 = tpu.memref_squeeze %dma_wait3A_73 : memref<1x125xi32, #tpu.memory_space<vmem>> -> memref<125xi32, #tpu.memory_space<vmem>>
      %dma_wait3A_75 = arith.constant 0 : i32
      %dma_wait3A_76 = arith.constant 0 : i32
      %dma_wait3A_77 = tpu.memref_slice %arg2[%dma_wait3A_75, %dma_wait3A_76] : memref<10000x128xf32, #tpu.memory_space<hbm>> -> memref<10000x128xf32, #tpu.memory_space<hbm>>
      tpu.wait_indirect_dma semaphore(%arg11 : memref<!tpu.dma_semaphore, #tpu.memory_space<semaphore_mem>>) src(%dma_wait3A_77 : memref<10000x128xf32, #tpu.memory_space<hbm>>) dst(%arg8 : memref<125x128xf32, #tpu.memory_space<vmem>>)
      "tpu.region"() ({
        %run_scoped3A = tpu.sem_alloc : memref<!tpu.dma_semaphore, #tpu.memory_space<semaphore_mem>>
        %dma_start3A_97 = arith.constant 0 : i32
        %dma_start3A_98 = tpu.memref_slice %arg7[%mul3A_70, %dma_start3A_97] : memref<40x125xi32, #tpu.memory_space<vmem>> -> memref<1x125xi32, #tpu.memory_space<vmem>>
        %dma_start3A_99 = tpu.memref_squeeze %dma_start3A_98 : memref<1x125xi32, #tpu.memory_space<vmem>> -> memref<125xi32, #tpu.memory_space<vmem>>
        %dma_start3A_100 = arith.constant 0 : i32
        %dma_start3A_101 = arith.constant 0 : i32
        %dma_start3A_102 = tpu.memref_slice %arg10[%dma_start3A_100, %dma_start3A_101] : memref<10000x128xf32, #tpu.memory_space<vmem_shared>> -> memref<10000x128xf32, #tpu.memory_space<vmem_shared>>
        tpu.enqueue_indirect_dma source(%arg8 : memref<125x128xf32, #tpu.memory_space<vmem>>) target(%dma_start3A_102 : memref<10000x128xf32, #tpu.memory_space<vmem_shared>>) offsets(%dma_start3A_99 : memref<125xi32, #tpu.memory_space<vmem>>) semaphore(%run_scoped3A : memref<!tpu.dma_semaphore, #tpu.memory_space<semaphore_mem>>) {add = true}
        %dma_wait3A_103 = arith.constant 0 : i32
        %dma_wait3A_104 = tpu.memref_slice %arg7[%mul3A_70, %dma_wait3A_103] : memref<40x125xi32, #tpu.memory_space<vmem>> -> memref<1x125xi32, #tpu.memory_space<vmem>>
        %dma_wait3A_105 = tpu.memref_squeeze %dma_wait3A_104 : memref<1x125xi32, #tpu.memory_space<vmem>> -> memref<125xi32, #tpu.memory_space<vmem>>
        %dma_wait3A_106 = arith.constant 0 : i32
        %dma_wait3A_107 = arith.constant 0 : i32
        %dma_wait3A_108 = tpu.memref_slice %arg10[%dma_wait3A_106, %dma_wait3A_107] : memref<10000x128xf32, #tpu.memory_space<vmem_shared>> -> memref<10000x128xf32, #tpu.memory_space<vmem_shared>>
        tpu.wait_indirect_dma semaphore(%run_scoped3A : memref<!tpu.dma_semaphore, #tpu.memory_space<semaphore_mem>>) src(%arg8 : memref<125x128xf32, #tpu.memory_space<vmem>>) dst(%dma_wait3A_108 : memref<10000x128xf32, #tpu.memory_space<vmem_shared>>)
        tpu.yield
      }) : () -> ()
      %add3A_78 = arith.constant 2 : i32
      %add3A_79 = arith.addi %mul3A_70, %add3A_78 : i32
      %lt3A = arith.constant 40 : i32
      %lt3A_80 = arith.cmpi slt, %add3A_79, %lt3A : i32
      %convert_element_type3A_81 = arith.extui %lt3A_80 : i1 to i32
      %cond3A_82 = arith.constant 0 : i32
      %cond3A_83 = arith.cmpi ne, %convert_element_type3A_81, %cond3A_82 : i32
      scf.if %cond3A_83 {
        %add3A_97 = arith.constant 2 : i32
        %add3A_98 = arith.addi %mul3A_70, %add3A_97 : i32
        %dma_start3A_99 = arith.constant 0 : i32
        %dma_start3A_100 = tpu.memref_slice %arg6[%add3A_98, %dma_start3A_99] : memref<40x125xi32, #tpu.memory_space<vmem>> -> memref<1x125xi32, #tpu.memory_space<vmem>>
        %dma_start3A_101 = tpu.memref_squeeze %dma_start3A_100 : memref<1x125xi32, #tpu.memory_space<vmem>> -> memref<125xi32, #tpu.memory_space<vmem>>
        %dma_start3A_102 = arith.constant 0 : i32
        %dma_start3A_103 = arith.constant 0 : i32
        %dma_start3A_104 = tpu.memref_slice %arg2[%dma_start3A_102, %dma_start3A_103] : memref<10000x128xf32, #tpu.memory_space<hbm>> -> memref<10000x128xf32, #tpu.memory_space<hbm>>
        tpu.enqueue_indirect_dma source(%dma_start3A_104 : memref<10000x128xf32, #tpu.memory_space<hbm>>) target(%arg8 : memref<125x128xf32, #tpu.memory_space<vmem>>) offsets(%dma_start3A_101 : memref<125xi32, #tpu.memory_space<vmem>>) semaphore(%arg11 : memref<!tpu.dma_semaphore, #tpu.memory_space<semaphore_mem>>)
      } else {
      }
      %dma_wait3A_84 = arith.constant 0 : i32
      %dma_wait3A_85 = tpu.memref_slice %arg6[%add3A_72, %dma_wait3A_84] : memref<40x125xi32, #tpu.memory_space<vmem>> -> memref<1x125xi32, #tpu.memory_space<vmem>>
      %dma_wait3A_86 = tpu.memref_squeeze %dma_wait3A_85 : memref<1x125xi32, #tpu.memory_space<vmem>> -> memref<125xi32, #tpu.memory_space<vmem>>
      %dma_wait3A_87 = arith.constant 0 : i32
      %dma_wait3A_88 = arith.constant 0 : i32
      %dma_wait3A_89 = tpu.memref_slice %arg2[%dma_wait3A_87, %dma_wait3A_88] : memref<10000x128xf32, #tpu.memory_space<hbm>> -> memref<10000x128xf32, #tpu.memory_space<hbm>>
      tpu.wait_indirect_dma semaphore(%arg12 : memref<!tpu.dma_semaphore, #tpu.memory_space<semaphore_mem>>) src(%dma_wait3A_89 : memref<10000x128xf32, #tpu.memory_space<hbm>>) dst(%arg9 : memref<125x128xf32, #tpu.memory_space<vmem>>)
      "tpu.region"() ({
        %run_scoped3A = tpu.sem_alloc : memref<!tpu.dma_semaphore, #tpu.memory_space<semaphore_mem>>
        %dma_start3A_97 = arith.constant 0 : i32
        %dma_start3A_98 = tpu.memref_slice %arg7[%add3A_72, %dma_start3A_97] : memref<40x125xi32, #tpu.memory_space<vmem>> -> memref<1x125xi32, #tpu.memory_space<vmem>>
        %dma_start3A_99 = tpu.memref_squeeze %dma_start3A_98 : memref<1x125xi32, #tpu.memory_space<vmem>> -> memref<125xi32, #tpu.memory_space<vmem>>
        %dma_start3A_100 = arith.constant 0 : i32
        %dma_start3A_101 = arith.constant 0 : i32
        %dma_start3A_102 = tpu.memref_slice %arg10[%dma_start3A_100, %dma_start3A_101] : memref<10000x128xf32, #tpu.memory_space<vmem_shared>> -> memref<10000x128xf32, #tpu.memory_space<vmem_shared>>
        tpu.enqueue_indirect_dma source(%arg9 : memref<125x128xf32, #tpu.memory_space<vmem>>) target(%dma_start3A_102 : memref<10000x128xf32, #tpu.memory_space<vmem_shared>>) offsets(%dma_start3A_99 : memref<125xi32, #tpu.memory_space<vmem>>) semaphore(%run_scoped3A : memref<!tpu.dma_semaphore, #tpu.memory_space<semaphore_mem>>) {add = true}
        %dma_wait3A_103 = arith.constant 0 : i32
        %dma_wait3A_104 = tpu.memref_slice %arg7[%add3A_72, %dma_wait3A_103] : memref<40x125xi32, #tpu.memory_space<vmem>> -> memref<1x125xi32, #tpu.memory_space<vmem>>
        %dma_wait3A_105 = tpu.memref_squeeze %dma_wait3A_104 : memref<1x125xi32, #tpu.memory_space<vmem>> -> memref<125xi32, #tpu.memory_space<vmem>>
        %dma_wait3A_106 = arith.constant 0 : i32
        %dma_wait3A_107 = arith.constant 0 : i32
        %dma_wait3A_108 = tpu.memref_slice %arg10[%dma_wait3A_106, %dma_wait3A_107] : memref<10000x128xf32, #tpu.memory_space<vmem_shared>> -> memref<10000x128xf32, #tpu.memory_space<vmem_shared>>
        tpu.wait_indirect_dma semaphore(%run_scoped3A : memref<!tpu.dma_semaphore, #tpu.memory_space<semaphore_mem>>) src(%arg9 : memref<125x128xf32, #tpu.memory_space<vmem>>) dst(%dma_wait3A_108 : memref<10000x128xf32, #tpu.memory_space<vmem_shared>>)
        tpu.yield
      }) : () -> ()
      %add3A_90 = arith.constant 2 : i32
      %add3A_91 = arith.addi %add3A_72, %add3A_90 : i32
      %lt3A_92 = arith.constant 40 : i32
      %lt3A_93 = arith.cmpi slt, %add3A_91, %lt3A_92 : i32
      %convert_element_type3A_94 = arith.extui %lt3A_93 : i1 to i32
      %cond3A_95 = arith.constant 0 : i32
      %cond3A_96 = arith.cmpi ne, %convert_element_type3A_94, %cond3A_95 : i32
      scf.if %cond3A_96 {
        %add3A_97 = arith.constant 2 : i32
        %add3A_98 = arith.addi %add3A_72, %add3A_97 : i32
        %dma_start3A_99 = arith.constant 0 : i32
        %dma_start3A_100 = tpu.memref_slice %arg6[%add3A_98, %dma_start3A_99] : memref<40x125xi32, #tpu.memory_space<vmem>> -> memref<1x125xi32, #tpu.memory_space<vmem>>
        %dma_start3A_101 = tpu.memref_squeeze %dma_start3A_100 : memref<1x125xi32, #tpu.memory_space<vmem>> -> memref<125xi32, #tpu.memory_space<vmem>>
        %dma_start3A_102 = arith.constant 0 : i32
        %dma_start3A_103 = arith.constant 0 : i32
        %dma_start3A_104 = tpu.memref_slice %arg2[%dma_start3A_102, %dma_start3A_103] : memref<10000x128xf32, #tpu.memory_space<hbm>> -> memref<10000x128xf32, #tpu.memory_space<hbm>>
        tpu.enqueue_indirect_dma source(%dma_start3A_104 : memref<10000x128xf32, #tpu.memory_space<hbm>>) target(%arg9 : memref<125x128xf32, #tpu.memory_space<vmem>>) offsets(%dma_start3A_101 : memref<125xi32, #tpu.memory_space<vmem>>) semaphore(%arg12 : memref<!tpu.dma_semaphore, #tpu.memory_space<semaphore_mem>>)
      } else {
      }
    }
    %scan3A_30 = arith.constant 20 : i32
    %mul3A_31 = arith.constant 80 : i32
    %mul3A_32 = arith.muli %add3A, %mul3A_31 : i32
    %add3A_33 = arith.constant 40 : i32
    %add3A_34 = arith.addi %mul3A_32, %add3A_33 : i32
    "tpu.region"() ({
      %run_scoped3A = tpu.sem_alloc : memref<!tpu.dma_semaphore, #tpu.memory_space<semaphore_mem>>
      %dma_start3A_68 = arith.constant 0 : i32
      %dma_start3A_69 = tpu.memref_slice %arg3[%add3A_34, %dma_start3A_68] : memref<2560x125xi32, #tpu.memory_space<hbm>> -> memref<40x125xi32, #tpu.memory_space<hbm>>
      %dma_start3A_70 = arith.constant 0 : i32
      %dma_start3A_71 = tpu.memref_slice %arg3[%add3A_34, %dma_start3A_70] : memref<2560x125xi32, #tpu.memory_space<hbm>> -> memref<40x125xi32, #tpu.memory_space<hbm>>
      tpu.enqueue_dma source(%dma_start3A_71 : memref<40x125xi32, #tpu.memory_space<hbm>>) target(%arg6 : memref<40x125xi32, #tpu.memory_space<vmem>>) target_semaphore(%run_scoped3A : memref<!tpu.dma_semaphore, #tpu.memory_space<semaphore_mem>>)
      %dma_wait3A = arith.constant 0 : i32
      %dma_wait3A_72 = tpu.memref_slice %arg3[%add3A_34, %dma_wait3A] : memref<2560x125xi32, #tpu.memory_space<hbm>> -> memref<40x125xi32, #tpu.memory_space<hbm>>
      %dma_wait3A_73 = arith.constant 0 : i32
      %dma_wait3A_74 = tpu.memref_slice %arg3[%add3A_34, %dma_wait3A_73] : memref<2560x125xi32, #tpu.memory_space<hbm>> -> memref<40x125xi32, #tpu.memory_space<hbm>>
      tpu.wait_dma2 semaphore(%run_scoped3A : memref<!tpu.dma_semaphore, #tpu.memory_space<semaphore_mem>>) src(%dma_wait3A_74 : memref<40x125xi32, #tpu.memory_space<hbm>>) dst(%arg6 : memref<40x125xi32, #tpu.memory_space<vmem>>)
      tpu.yield
    }) : () -> ()
    %mul3A_35 = arith.constant 80 : i32
    %mul3A_36 = arith.muli %add3A, %mul3A_35 : i32
    %add3A_37 = arith.constant 40 : i32
    %add3A_38 = arith.addi %mul3A_36, %add3A_37 : i32
    "tpu.region"() ({
      %run_scoped3A = tpu.sem_alloc : memref<!tpu.dma_semaphore, #tpu.memory_space<semaphore_mem>>
      %dma_start3A_68 = arith.constant 0 : i32
      %dma_start3A_69 = tpu.memref_slice %arg4[%add3A_38, %dma_start3A_68] : memref<2560x125xi32, #tpu.memory_space<hbm>> -> memref<40x125xi32, #tpu.memory_space<hbm>>
      %dma_start3A_70 = arith.constant 0 : i32
      %dma_start3A_71 = tpu.memref_slice %arg4[%add3A_38, %dma_start3A_70] : memref<2560x125xi32, #tpu.memory_space<hbm>> -> memref<40x125xi32, #tpu.memory_space<hbm>>
      tpu.enqueue_dma source(%dma_start3A_71 : memref<40x125xi32, #tpu.memory_space<hbm>>) target(%arg7 : memref<40x125xi32, #tpu.memory_space<vmem>>) target_semaphore(%run_scoped3A : memref<!tpu.dma_semaphore, #tpu.memory_space<semaphore_mem>>)
      %dma_wait3A = arith.constant 0 : i32
      %dma_wait3A_72 = tpu.memref_slice %arg4[%add3A_38, %dma_wait3A] : memref<2560x125xi32, #tpu.memory_space<hbm>> -> memref<40x125xi32, #tpu.memory_space<hbm>>
      %dma_wait3A_73 = arith.constant 0 : i32
      %dma_wait3A_74 = tpu.memref_slice %arg4[%add3A_38, %dma_wait3A_73] : memref<2560x125xi32, #tpu.memory_space<hbm>> -> memref<40x125xi32, #tpu.memory_space<hbm>>
      tpu.wait_dma2 semaphore(%run_scoped3A : memref<!tpu.dma_semaphore, #tpu.memory_space<semaphore_mem>>) src(%dma_wait3A_74 : memref<40x125xi32, #tpu.memory_space<hbm>>) dst(%arg7 : memref<40x125xi32, #tpu.memory_space<vmem>>)
      tpu.yield
    }) : () -> ()
    %dma_start3A_39 = arith.constant 0 : i32
    %dma_start3A_40 = arith.constant 0 : i32
    %dma_start3A_41 = tpu.memref_slice %arg6[%dma_start3A_39, %dma_start3A_40] : memref<40x125xi32, #tpu.memory_space<vmem>> -> memref<1x125xi32, #tpu.memory_space<vmem>>
    %dma_start3A_42 = tpu.memref_squeeze %dma_start3A_41 : memref<1x125xi32, #tpu.memory_space<vmem>> -> memref<125xi32, #tpu.memory_space<vmem>>
    %dma_start3A_43 = arith.constant 0 : i32
    %dma_start3A_44 = arith.constant 0 : i32
    %dma_start3A_45 = tpu.memref_slice %arg2[%dma_start3A_43, %dma_start3A_44] : memref<10000x128xf32, #tpu.memory_space<hbm>> -> memref<10000x128xf32, #tpu.memory_space<hbm>>
    tpu.enqueue_indirect_dma source(%dma_start3A_45 : memref<10000x128xf32, #tpu.memory_space<hbm>>) target(%arg8 : memref<125x128xf32, #tpu.memory_space<vmem>>) offsets(%dma_start3A_42 : memref<125xi32, #tpu.memory_space<vmem>>) semaphore(%arg11 : memref<!tpu.dma_semaphore, #tpu.memory_space<semaphore_mem>>)
    %dma_start3A_46 = arith.constant 1 : i32
    %dma_start3A_47 = arith.constant 0 : i32
    %dma_start3A_48 = tpu.memref_slice %arg6[%dma_start3A_46, %dma_start3A_47] : memref<40x125xi32, #tpu.memory_space<vmem>> -> memref<1x125xi32, #tpu.memory_space<vmem>>
    %dma_start3A_49 = tpu.memref_squeeze %dma_start3A_48 : memref<1x125xi32, #tpu.memory_space<vmem>> -> memref<125xi32, #tpu.memory_space<vmem>>
    %dma_start3A_50 = arith.constant 0 : i32
    %dma_start3A_51 = arith.constant 0 : i32
    %dma_start3A_52 = tpu.memref_slice %arg2[%dma_start3A_50, %dma_start3A_51] : memref<10000x128xf32, #tpu.memory_space<hbm>> -> memref<10000x128xf32, #tpu.memory_space<hbm>>
    tpu.enqueue_indirect_dma source(%dma_start3A_52 : memref<10000x128xf32, #tpu.memory_space<hbm>>) target(%arg9 : memref<125x128xf32, #tpu.memory_space<vmem>>) offsets(%dma_start3A_49 : memref<125xi32, #tpu.memory_space<vmem>>) semaphore(%arg12 : memref<!tpu.dma_semaphore, #tpu.memory_space<semaphore_mem>>)
    %scan3A_53 = arith.constant 0 : i32
    %scan3A_54 = arith.constant 0 : i32
    %scan3A_55 = arith.constant 20 : i32
    %scan3A_56 = arith.addi %scan3A_54, %scan3A_55 : i32
    %scan3A_57 = arith.constant 1 : i32
    scf.for %scan3A_68 = %scan3A_54 to %scan3A_56 step %scan3A_57  : i32 {
      %mul3A_69 = arith.constant 2 : i32
      %mul3A_70 = arith.muli %mul3A_69, %scan3A_68 : i32
      %add3A_71 = arith.constant 1 : i32
      %add3A_72 = arith.addi %mul3A_70, %add3A_71 : i32
      %dma_wait3A = arith.constant 0 : i32
      %dma_wait3A_73 = tpu.memref_slice %arg6[%mul3A_70, %dma_wait3A] : memref<40x125xi32, #tpu.memory_space<vmem>> -> memref<1x125xi32, #tpu.memory_space<vmem>>
      %dma_wait3A_74 = tpu.memref_squeeze %dma_wait3A_73 : memref<1x125xi32, #tpu.memory_space<vmem>> -> memref<125xi32, #tpu.memory_space<vmem>>
      %dma_wait3A_75 = arith.constant 0 : i32
      %dma_wait3A_76 = arith.constant 0 : i32
      %dma_wait3A_77 = tpu.memref_slice %arg2[%dma_wait3A_75, %dma_wait3A_76] : memref<10000x128xf32, #tpu.memory_space<hbm>> -> memref<10000x128xf32, #tpu.memory_space<hbm>>
      tpu.wait_indirect_dma semaphore(%arg11 : memref<!tpu.dma_semaphore, #tpu.memory_space<semaphore_mem>>) src(%dma_wait3A_77 : memref<10000x128xf32, #tpu.memory_space<hbm>>) dst(%arg8 : memref<125x128xf32, #tpu.memory_space<vmem>>)
      "tpu.region"() ({
        %run_scoped3A = tpu.sem_alloc : memref<!tpu.dma_semaphore, #tpu.memory_space<semaphore_mem>>
        %dma_start3A_97 = arith.constant 0 : i32
        %dma_start3A_98 = tpu.memref_slice %arg7[%mul3A_70, %dma_start3A_97] : memref<40x125xi32, #tpu.memory_space<vmem>> -> memref<1x125xi32, #tpu.memory_space<vmem>>
        %dma_start3A_99 = tpu.memref_squeeze %dma_start3A_98 : memref<1x125xi32, #tpu.memory_space<vmem>> -> memref<125xi32, #tpu.memory_space<vmem>>
        %dma_start3A_100 = arith.constant 0 : i32
        %dma_start3A_101 = arith.constant 0 : i32
        %dma_start3A_102 = tpu.memref_slice %arg10[%dma_start3A_100, %dma_start3A_101] : memref<10000x128xf32, #tpu.memory_space<vmem_shared>> -> memref<10000x128xf32, #tpu.memory_space<vmem_shared>>
        tpu.enqueue_indirect_dma source(%arg8 : memref<125x128xf32, #tpu.memory_space<vmem>>) target(%dma_start3A_102 : memref<10000x128xf32, #tpu.memory_space<vmem_shared>>) offsets(%dma_start3A_99 : memref<125xi32, #tpu.memory_space<vmem>>) semaphore(%run_scoped3A : memref<!tpu.dma_semaphore, #tpu.memory_space<semaphore_mem>>) {add = true}
        %dma_wait3A_103 = arith.constant 0 : i32
        %dma_wait3A_104 = tpu.memref_slice %arg7[%mul3A_70, %dma_wait3A_103] : memref<40x125xi32, #tpu.memory_space<vmem>> -> memref<1x125xi32, #tpu.memory_space<vmem>>
        %dma_wait3A_105 = tpu.memref_squeeze %dma_wait3A_104 : memref<1x125xi32, #tpu.memory_space<vmem>> -> memref<125xi32, #tpu.memory_space<vmem>>
        %dma_wait3A_106 = arith.constant 0 : i32
        %dma_wait3A_107 = arith.constant 0 : i32
        %dma_wait3A_108 = tpu.memref_slice %arg10[%dma_wait3A_106, %dma_wait3A_107] : memref<10000x128xf32, #tpu.memory_space<vmem_shared>> -> memref<10000x128xf32, #tpu.memory_space<vmem_shared>>
        tpu.wait_indirect_dma semaphore(%run_scoped3A : memref<!tpu.dma_semaphore, #tpu.memory_space<semaphore_mem>>) src(%arg8 : memref<125x128xf32, #tpu.memory_space<vmem>>) dst(%dma_wait3A_108 : memref<10000x128xf32, #tpu.memory_space<vmem_shared>>)
        tpu.yield
      }) : () -> ()
      %add3A_78 = arith.constant 2 : i32
      %add3A_79 = arith.addi %mul3A_70, %add3A_78 : i32
      %lt3A = arith.constant 40 : i32
      %lt3A_80 = arith.cmpi slt, %add3A_79, %lt3A : i32
      %convert_element_type3A_81 = arith.extui %lt3A_80 : i1 to i32
      %cond3A_82 = arith.constant 0 : i32
      %cond3A_83 = arith.cmpi ne, %convert_element_type3A_81, %cond3A_82 : i32
      scf.if %cond3A_83 {
        %add3A_97 = arith.constant 2 : i32
        %add3A_98 = arith.addi %mul3A_70, %add3A_97 : i32
        %dma_start3A_99 = arith.constant 0 : i32
        %dma_start3A_100 = tpu.memref_slice %arg6[%add3A_98, %dma_start3A_99] : memref<40x125xi32, #tpu.memory_space<vmem>> -> memref<1x125xi32, #tpu.memory_space<vmem>>
        %dma_start3A_101 = tpu.memref_squeeze %dma_start3A_100 : memref<1x125xi32, #tpu.memory_space<vmem>> -> memref<125xi32, #tpu.memory_space<vmem>>
        %dma_start3A_102 = arith.constant 0 : i32
        %dma_start3A_103 = arith.constant 0 : i32
        %dma_start3A_104 = tpu.memref_slice %arg2[%dma_start3A_102, %dma_start3A_103] : memref<10000x128xf32, #tpu.memory_space<hbm>> -> memref<10000x128xf32, #tpu.memory_space<hbm>>
        tpu.enqueue_indirect_dma source(%dma_start3A_104 : memref<10000x128xf32, #tpu.memory_space<hbm>>) target(%arg8 : memref<125x128xf32, #tpu.memory_space<vmem>>) offsets(%dma_start3A_101 : memref<125xi32, #tpu.memory_space<vmem>>) semaphore(%arg11 : memref<!tpu.dma_semaphore, #tpu.memory_space<semaphore_mem>>)
      } else {
      }
      %dma_wait3A_84 = arith.constant 0 : i32
      %dma_wait3A_85 = tpu.memref_slice %arg6[%add3A_72, %dma_wait3A_84] : memref<40x125xi32, #tpu.memory_space<vmem>> -> memref<1x125xi32, #tpu.memory_space<vmem>>
      %dma_wait3A_86 = tpu.memref_squeeze %dma_wait3A_85 : memref<1x125xi32, #tpu.memory_space<vmem>> -> memref<125xi32, #tpu.memory_space<vmem>>
      %dma_wait3A_87 = arith.constant 0 : i32
      %dma_wait3A_88 = arith.constant 0 : i32
      %dma_wait3A_89 = tpu.memref_slice %arg2[%dma_wait3A_87, %dma_wait3A_88] : memref<10000x128xf32, #tpu.memory_space<hbm>> -> memref<10000x128xf32, #tpu.memory_space<hbm>>
      tpu.wait_indirect_dma semaphore(%arg12 : memref<!tpu.dma_semaphore, #tpu.memory_space<semaphore_mem>>) src(%dma_wait3A_89 : memref<10000x128xf32, #tpu.memory_space<hbm>>) dst(%arg9 : memref<125x128xf32, #tpu.memory_space<vmem>>)
      "tpu.region"() ({
        %run_scoped3A = tpu.sem_alloc : memref<!tpu.dma_semaphore, #tpu.memory_space<semaphore_mem>>
        %dma_start3A_97 = arith.constant 0 : i32
        %dma_start3A_98 = tpu.memref_slice %arg7[%add3A_72, %dma_start3A_97] : memref<40x125xi32, #tpu.memory_space<vmem>> -> memref<1x125xi32, #tpu.memory_space<vmem>>
        %dma_start3A_99 = tpu.memref_squeeze %dma_start3A_98 : memref<1x125xi32, #tpu.memory_space<vmem>> -> memref<125xi32, #tpu.memory_space<vmem>>
        %dma_start3A_100 = arith.constant 0 : i32
        %dma_start3A_101 = arith.constant 0 : i32
        %dma_start3A_102 = tpu.memref_slice %arg10[%dma_start3A_100, %dma_start3A_101] : memref<10000x128xf32, #tpu.memory_space<vmem_shared>> -> memref<10000x128xf32, #tpu.memory_space<vmem_shared>>
        tpu.enqueue_indirect_dma source(%arg9 : memref<125x128xf32, #tpu.memory_space<vmem>>) target(%dma_start3A_102 : memref<10000x128xf32, #tpu.memory_space<vmem_shared>>) offsets(%dma_start3A_99 : memref<125xi32, #tpu.memory_space<vmem>>) semaphore(%run_scoped3A : memref<!tpu.dma_semaphore, #tpu.memory_space<semaphore_mem>>) {add = true}
        %dma_wait3A_103 = arith.constant 0 : i32
        %dma_wait3A_104 = tpu.memref_slice %arg7[%add3A_72, %dma_wait3A_103] : memref<40x125xi32, #tpu.memory_space<vmem>> -> memref<1x125xi32, #tpu.memory_space<vmem>>
        %dma_wait3A_105 = tpu.memref_squeeze %dma_wait3A_104 : memref<1x125xi32, #tpu.memory_space<vmem>> -> memref<125xi32, #tpu.memory_space<vmem>>
        %dma_wait3A_106 = arith.constant 0 : i32
        %dma_wait3A_107 = arith.constant 0 : i32
        %dma_wait3A_108 = tpu.memref_slice %arg10[%dma_wait3A_106, %dma_wait3A_107] : memref<10000x128xf32, #tpu.memory_space<vmem_shared>> -> memref<10000x128xf32, #tpu.memory_space<vmem_shared>>
        tpu.wait_indirect_dma semaphore(%run_scoped3A : memref<!tpu.dma_semaphore, #tpu.memory_space<semaphore_mem>>) src(%arg9 : memref<125x128xf32, #tpu.memory_space<vmem>>) dst(%dma_wait3A_108 : memref<10000x128xf32, #tpu.memory_space<vmem_shared>>)
        tpu.yield
      }) : () -> ()
      %add3A_90 = arith.constant 2 : i32
      %add3A_91 = arith.addi %add3A_72, %add3A_90 : i32
      %lt3A_92 = arith.constant 40 : i32
      %lt3A_93 = arith.cmpi slt, %add3A_91, %lt3A_92 : i32
      %convert_element_type3A_94 = arith.extui %lt3A_93 : i1 to i32
      %cond3A_95 = arith.constant 0 : i32
      %cond3A_96 = arith.cmpi ne, %convert_element_type3A_94, %cond3A_95 : i32
      scf.if %cond3A_96 {
        %add3A_97 = arith.constant 2 : i32
        %add3A_98 = arith.addi %add3A_72, %add3A_97 : i32
        %dma_start3A_99 = arith.constant 0 : i32
        %dma_start3A_100 = tpu.memref_slice %arg6[%add3A_98, %dma_start3A_99] : memref<40x125xi32, #tpu.memory_space<vmem>> -> memref<1x125xi32, #tpu.memory_space<vmem>>
        %dma_start3A_101 = tpu.memref_squeeze %dma_start3A_100 : memref<1x125xi32, #tpu.memory_space<vmem>> -> memref<125xi32, #tpu.memory_space<vmem>>
        %dma_start3A_102 = arith.constant 0 : i32
        %dma_start3A_103 = arith.constant 0 : i32
        %dma_start3A_104 = tpu.memref_slice %arg2[%dma_start3A_102, %dma_start3A_103] : memref<10000x128xf32, #tpu.memory_space<hbm>> -> memref<10000x128xf32, #tpu.memory_space<hbm>>
        tpu.enqueue_indirect_dma source(%dma_start3A_104 : memref<10000x128xf32, #tpu.memory_space<hbm>>) target(%arg9 : memref<125x128xf32, #tpu.memory_space<vmem>>) offsets(%dma_start3A_101 : memref<125xi32, #tpu.memory_space<vmem>>) semaphore(%arg12 : memref<!tpu.dma_semaphore, #tpu.memory_space<semaphore_mem>>)
      } else {
      }
    }
    %scan3A_58 = arith.constant 20 : i32
    %barrier3A_59 = arith.constant 0 : index
    tpu.barrier barrier_id(%barrier3A_59)
    %mul3A_60 = arith.constant 10000 : i32
    %mul3A_61 = arith.muli %arg0, %mul3A_60 : i32
    %add3A_62 = arith.addi %mul3A_61, %mul3A_2 : i32
    "tpu.region"() ({
      %run_scoped3A = tpu.sem_alloc : memref<!tpu.dma_semaphore, #tpu.memory_space<semaphore_mem>>
      %dma_start3A_68 = arith.constant 0 : i32
      %dma_start3A_69 = tpu.memref_slice %arg5[%add3A_62, %dma_start3A_68] : memref<20000x128xf32, #tpu.memory_space<hbm>> -> memref<624x128xf32, #tpu.memory_space<hbm>>
      %dma_start3A_70 = arith.constant 0 : i32
      %dma_start3A_71 = tpu.memref_slice %arg10[%mul3A_2, %dma_start3A_70] : memref<10000x128xf32, #tpu.memory_space<vmem_shared>> -> memref<624x128xf32, #tpu.memory_space<vmem_shared>>
      tpu.enqueue_dma source(%dma_start3A_71 : memref<624x128xf32, #tpu.memory_space<vmem_shared>>) target(%dma_start3A_69 : memref<624x128xf32, #tpu.memory_space<hbm>>) target_semaphore(%run_scoped3A : memref<!tpu.dma_semaphore, #tpu.memory_space<semaphore_mem>>)
      %dma_wait3A = arith.constant 0 : i32
      %dma_wait3A_72 = tpu.memref_slice %arg5[%add3A_62, %dma_wait3A] : memref<20000x128xf32, #tpu.memory_space<hbm>> -> memref<624x128xf32, #tpu.memory_space<hbm>>
      %dma_wait3A_73 = arith.constant 0 : i32
      %dma_wait3A_74 = tpu.memref_slice %arg10[%mul3A_2, %dma_wait3A_73] : memref<10000x128xf32, #tpu.memory_space<vmem_shared>> -> memref<624x128xf32, #tpu.memory_space<vmem_shared>>
      tpu.wait_dma2 semaphore(%run_scoped3A : memref<!tpu.dma_semaphore, #tpu.memory_space<semaphore_mem>>) src(%dma_wait3A_74 : memref<624x128xf32, #tpu.memory_space<vmem_shared>>) dst(%dma_wait3A_72 : memref<624x128xf32, #tpu.memory_space<hbm>>)
      tpu.yield
    }) : () -> ()
    %eq3A_63 = arith.constant 0 : i32
    %eq3A_64 = arith.cmpi eq, %arg1, %eq3A_63 : i32
    %convert_element_type3A_65 = arith.extui %eq3A_64 : i1 to i32
    %cond3A_66 = arith.constant 0 : i32
    %cond3A_67 = arith.cmpi ne, %convert_element_type3A_65, %cond3A_66 : i32
    scf.if %cond3A_67 {
      %mul3A_68 = arith.constant 10000 : i32
      %mul3A_69 = arith.muli %arg0, %mul3A_68 : i32
      %add3A_70 = arith.constant 9984 : i32
      %add3A_71 = arith.addi %mul3A_69, %add3A_70 : i32
      "tpu.region"() ({
        %run_scoped3A = tpu.sem_alloc : memref<!tpu.dma_semaphore, #tpu.memory_space<semaphore_mem>>
        %dma_start3A_72 = arith.constant 0 : i32
        %dma_start3A_73 = tpu.memref_slice %arg5[%add3A_71, %dma_start3A_72] : memref<20000x128xf32, #tpu.memory_space<hbm>> -> memref<16x128xf32, #tpu.memory_space<hbm>>
        %dma_start3A_74 = arith.constant 9984 : i32
        %dma_start3A_75 = arith.constant 0 : i32
        %dma_start3A_76 = tpu.memref_slice %arg10[%dma_start3A_74, %dma_start3A_75] : memref<10000x128xf32, #tpu.memory_space<vmem_shared>> -> memref<16x128xf32, #tpu.memory_space<vmem_shared>>
        tpu.enqueue_dma source(%dma_start3A_76 : memref<16x128xf32, #tpu.memory_space<vmem_shared>>) target(%dma_start3A_73 : memref<16x128xf32, #tpu.memory_space<hbm>>) target_semaphore(%run_scoped3A : memref<!tpu.dma_semaphore, #tpu.memory_space<semaphore_mem>>)
        %dma_wait3A = arith.constant 0 : i32
        %dma_wait3A_77 = tpu.memref_slice %arg5[%add3A_71, %dma_wait3A] : memref<20000x128xf32, #tpu.memory_space<hbm>> -> memref<16x128xf32, #tpu.memory_space<hbm>>
        %dma_wait3A_78 = arith.constant 9984 : i32
        %dma_wait3A_79 = arith.constant 0 : i32
        %dma_wait3A_80 = tpu.memref_slice %arg10[%dma_wait3A_78, %dma_wait3A_79] : memref<10000x128xf32, #tpu.memory_space<vmem_shared>> -> memref<16x128xf32, #tpu.memory_space<vmem_shared>>
        tpu.wait_dma2 semaphore(%run_scoped3A : memref<!tpu.dma_semaphore, #tpu.memory_space<semaphore_mem>>) src(%dma_wait3A_80 : memref<16x128xf32, #tpu.memory_space<vmem_shared>>) dst(%dma_wait3A_77 : memref<16x128xf32, #tpu.memory_space<hbm>>)
        tpu.yield
      }) : () -> ()
    } else {
    }
    return
  }
}

#map = affine_map<(d0, d1) -> (0, 0)>
module attributes {stable_mosaic.version = 14 : i64} {
  func.func @agg(%arg0: i32, %arg1: i32, %arg2: memref<10000x128xf32, #tpu.memory_space<hbm>>, %arg3: memref<2560x125xi32, #tpu.memory_space<hbm>>, %arg4: memref<2560x125xi32, #tpu.memory_space<hbm>>, %arg5: memref<20000x128xf32, #tpu.memory_space<hbm>>, %arg6: memref<40x125xi32, #tpu.memory_space<vmem>>, %arg7: memref<40x125xi32, #tpu.memory_space<vmem>>, %arg8: memref<125x128xf32, #tpu.memory_space<vmem>>, %arg9: memref<125x128xf32, #tpu.memory_space<vmem>>, %arg10: memref<10000x128xf32, #tpu.memory_space<vmem_shared>>, %arg11: memref<!tpu.dma_semaphore, #tpu.memory_space<semaphore_mem>>, %arg12: memref<!tpu.dma_semaphore, #tpu.memory_space<semaphore_mem>>, %arg13: memref<!tpu.dma_semaphore, #tpu.memory_space<semaphore_mem>>, %arg14: memref<!tpu.dma_semaphore, #tpu.memory_space<semaphore_mem>>) attributes {dimension_semantics = [#tpu.dimension_semantics<core_parallel>, #tpu.dimension_semantics<subcore_parallel>], iteration_bounds = array<i64: 2, 16>, scalar_prefetch = 0 : i64, scratch_operands = 9 : i64, tpu.core_type = #tpu.core_type<sc_vector_subcore>, window_params = [{transform_indices = #map}, {transform_indices = #map}, {transform_indices = #map}, {transform_indices = #map}]} {
    %mul3A = arith.constant 2 : i32
    %mul3A_0 = arith.muli %arg1, %mul3A : i32
    %add3A = arith.addi %mul3A_0, %arg0 : i32
    %mul3A_1 = arith.constant 624 : i32
    %mul3A_2 = arith.muli %arg1, %mul3A_1 : i32
    "tpu.region"() ({
      %run_scoped3A = tpu.sem_alloc : memref<!tpu.dma_semaphore, #tpu.memory_space<semaphore_mem>>
      %dma_start3A_68 = arith.constant 0 : i32
      %dma_start3A_69 = tpu.memref_slice %arg10[%mul3A_2, %dma_start3A_68] : memref<10000x128xf32, #tpu.memory_space<vmem_shared>> -> memref<624x128xf32, #tpu.memory_space<vmem_shared>>
      %dma_start3A_70 = arith.constant 0 : i32
      %dma_start3A_71 = tpu.memref_slice %arg2[%mul3A_2, %dma_start3A_70] : memref<10000x128xf32, #tpu.memory_space<hbm>> -> memref<624x128xf32, #tpu.memory_space<hbm>>
      tpu.enqueue_dma source(%dma_start3A_71 : memref<624x128xf32, #tpu.memory_space<hbm>>) target(%dma_start3A_69 : memref<624x128xf32, #tpu.memory_space<vmem_shared>>) target_semaphore(%run_scoped3A : memref<!tpu.dma_semaphore, #tpu.memory_space<semaphore_mem>>)
      %dma_wait3A = arith.constant 0 : i32
      %dma_wait3A_72 = tpu.memref_slice %arg10[%mul3A_2, %dma_wait3A] : memref<10000x128xf32, #tpu.memory_space<vmem_shared>> -> memref<624x128xf32, #tpu.memory_space<vmem_shared>>
      %dma_wait3A_73 = arith.constant 0 : i32
      %dma_wait3A_74 = tpu.memref_slice %arg2[%mul3A_2, %dma_wait3A_73] : memref<10000x128xf32, #tpu.memory_space<hbm>> -> memref<624x128xf32, #tpu.memory_space<hbm>>
      tpu.wait_dma2 semaphore(%run_scoped3A : memref<!tpu.dma_semaphore, #tpu.memory_space<semaphore_mem>>) src(%dma_wait3A_74 : memref<624x128xf32, #tpu.memory_space<hbm>>) dst(%dma_wait3A_72 : memref<624x128xf32, #tpu.memory_space<vmem_shared>>)
      tpu.yield
    }) : () -> ()
    %eq3A = arith.constant 0 : i32
    %eq3A_3 = arith.cmpi eq, %arg1, %eq3A : i32
    %convert_element_type3A = arith.extui %eq3A_3 : i1 to i32
    %cond3A = arith.constant 0 : i32
    %cond3A_4 = arith.cmpi ne, %convert_element_type3A, %cond3A : i32
    scf.if %cond3A_4 {
      "tpu.region"() ({
        %run_scoped3A = tpu.sem_alloc : memref<!tpu.dma_semaphore, #tpu.memory_space<semaphore_mem>>
        %dma_start3A_68 = arith.constant 9984 : i32
        %dma_start3A_69 = arith.constant 0 : i32
        %dma_start3A_70 = tpu.memref_slice %arg10[%dma_start3A_68, %dma_start3A_69] : memref<10000x128xf32, #tpu.memory_space<vmem_shared>> -> memref<16x128xf32, #tpu.memory_space<vmem_shared>>
        %dma_start3A_71 = arith.constant 9984 : i32
        %dma_start3A_72 = arith.constant 0 : i32
        %dma_start3A_73 = tpu.memref_slice %arg2[%dma_start3A_71, %dma_start3A_72] : memref<10000x128xf32, #tpu.memory_space<hbm>> -> memref<16x128xf32, #tpu.memory_space<hbm>>
        tpu.enqueue_dma source(%dma_start3A_73 : memref<16x128xf32, #tpu.memory_space<hbm>>) target(%dma_start3A_70 : memref<16x128xf32, #tpu.memory_space<vmem_shared>>) target_semaphore(%run_scoped3A : memref<!tpu.dma_semaphore, #tpu.memory_space<semaphore_mem>>)
        %dma_wait3A = arith.constant 9984 : i32
        %dma_wait3A_74 = arith.constant 0 : i32
        %dma_wait3A_75 = tpu.memref_slice %arg10[%dma_wait3A, %dma_wait3A_74] : memref<10000x128xf32, #tpu.memory_space<vmem_shared>> -> memref<16x128xf32, #tpu.memory_space<vmem_shared>>
        %dma_wait3A_76 = arith.constant 9984 : i32
        %dma_wait3A_77 = arith.constant 0 : i32
        %dma_wait3A_78 = tpu.memref_slice %arg2[%dma_wait3A_76, %dma_wait3A_77] : memref<10000x128xf32, #tpu.memory_space<hbm>> -> memref<16x128xf32, #tpu.memory_space<hbm>>
        tpu.wait_dma2 semaphore(%run_scoped3A : memref<!tpu.dma_semaphore, #tpu.memory_space<semaphore_mem>>) src(%dma_wait3A_78 : memref<16x128xf32, #tpu.memory_space<hbm>>) dst(%dma_wait3A_75 : memref<16x128xf32, #tpu.memory_space<vmem_shared>>)
        tpu.yield
      }) : () -> ()
    } else {
    }
    %barrier3A = arith.constant 0 : index
    tpu.barrier barrier_id(%barrier3A)
    %mul3A_5 = arith.constant 80 : i32
    %mul3A_6 = arith.muli %add3A, %mul3A_5 : i32
    %add3A_7 = arith.constant 0 : i32
    %add3A_8 = arith.addi %mul3A_6, %add3A_7 : i32
    "tpu.region"() ({
      %run_scoped3A = tpu.sem_alloc : memref<!tpu.dma_semaphore, #tpu.memory_space<semaphore_mem>>
      %dma_start3A_68 = arith.constant 0 : i32
      %dma_start3A_69 = tpu.memref_slice %arg3[%add3A_8, %dma_start3A_68] : memref<2560x125xi32, #tpu.memory_space<hbm>> -> memref<40x125xi32, #tpu.memory_space<hbm>>
      %dma_start3A_70 = arith.constant 0 : i32
      %dma_start3A_71 = tpu.memref_slice %arg3[%add3A_8, %dma_start3A_70] : memref<2560x125xi32, #tpu.memory_space<hbm>> -> memref<40x125xi32, #tpu.memory_space<hbm>>
      tpu.enqueue_dma source(%dma_start3A_71 : memref<40x125xi32, #tpu.memory_space<hbm>>) target(%arg6 : memref<40x125xi32, #tpu.memory_space<vmem>>) target_semaphore(%run_scoped3A : memref<!tpu.dma_semaphore, #tpu.memory_space<semaphore_mem>>)
      %dma_wait3A = arith.constant 0 : i32
      %dma_wait3A_72 = tpu.memref_slice %arg3[%add3A_8, %dma_wait3A] : memref<2560x125xi32, #tpu.memory_space<hbm>> -> memref<40x125xi32, #tpu.memory_space<hbm>>
      %dma_wait3A_73 = arith.constant 0 : i32
      %dma_wait3A_74 = tpu.memref_slice %arg3[%add3A_8, %dma_wait3A_73] : memref<2560x125xi32, #tpu.memory_space<hbm>> -> memref<40x125xi32, #tpu.memory_space<hbm>>
      tpu.wait_dma2 semaphore(%run_scoped3A : memref<!tpu.dma_semaphore, #tpu.memory_space<semaphore_mem>>) src(%dma_wait3A_74 : memref<40x125xi32, #tpu.memory_space<hbm>>) dst(%arg6 : memref<40x125xi32, #tpu.memory_space<vmem>>)
      tpu.yield
    }) : () -> ()
    %mul3A_9 = arith.constant 80 : i32
    %mul3A_10 = arith.muli %add3A, %mul3A_9 : i32
    %add3A_11 = arith.constant 0 : i32
    %add3A_12 = arith.addi %mul3A_10, %add3A_11 : i32
    "tpu.region"() ({
      %run_scoped3A = tpu.sem_alloc : memref<!tpu.dma_semaphore, #tpu.memory_space<semaphore_mem>>
      %dma_start3A_68 = arith.constant 0 : i32
      %dma_start3A_69 = tpu.memref_slice %arg4[%add3A_12, %dma_start3A_68] : memref<2560x125xi32, #tpu.memory_space<hbm>> -> memref<40x125xi32, #tpu.memory_space<hbm>>
      %dma_start3A_70 = arith.constant 0 : i32
      %dma_start3A_71 = tpu.memref_slice %arg4[%add3A_12, %dma_start3A_70] : memref<2560x125xi32, #tpu.memory_space<hbm>> -> memref<40x125xi32, #tpu.memory_space<hbm>>
      tpu.enqueue_dma source(%dma_start3A_71 : memref<40x125xi32, #tpu.memory_space<hbm>>) target(%arg7 : memref<40x125xi32, #tpu.memory_space<vmem>>) target_semaphore(%run_scoped3A : memref<!tpu.dma_semaphore, #tpu.memory_space<semaphore_mem>>)
      %dma_wait3A = arith.constant 0 : i32
      %dma_wait3A_72 = tpu.memref_slice %arg4[%add3A_12, %dma_wait3A] : memref<2560x125xi32, #tpu.memory_space<hbm>> -> memref<40x125xi32, #tpu.memory_space<hbm>>
      %dma_wait3A_73 = arith.constant 0 : i32
      %dma_wait3A_74 = tpu.memref_slice %arg4[%add3A_12, %dma_wait3A_73] : memref<2560x125xi32, #tpu.memory_space<hbm>> -> memref<40x125xi32, #tpu.memory_space<hbm>>
      tpu.wait_dma2 semaphore(%run_scoped3A : memref<!tpu.dma_semaphore, #tpu.memory_space<semaphore_mem>>) src(%dma_wait3A_74 : memref<40x125xi32, #tpu.memory_space<hbm>>) dst(%arg7 : memref<40x125xi32, #tpu.memory_space<vmem>>)
      tpu.yield
    }) : () -> ()
    %dma_start3A = arith.constant 0 : i32
    %dma_start3A_13 = arith.constant 0 : i32
    %dma_start3A_14 = tpu.memref_slice %arg6[%dma_start3A, %dma_start3A_13] : memref<40x125xi32, #tpu.memory_space<vmem>> -> memref<1x125xi32, #tpu.memory_space<vmem>>
    %dma_start3A_15 = tpu.memref_squeeze %dma_start3A_14 : memref<1x125xi32, #tpu.memory_space<vmem>> -> memref<125xi32, #tpu.memory_space<vmem>>
    %dma_start3A_16 = arith.constant 0 : i32
    %dma_start3A_17 = arith.constant 0 : i32
    %dma_start3A_18 = tpu.memref_slice %arg2[%dma_start3A_16, %dma_start3A_17] : memref<10000x128xf32, #tpu.memory_space<hbm>> -> memref<10000x128xf32, #tpu.memory_space<hbm>>
    tpu.enqueue_indirect_dma source(%dma_start3A_18 : memref<10000x128xf32, #tpu.memory_space<hbm>>) target(%arg8 : memref<125x128xf32, #tpu.memory_space<vmem>>) offsets(%dma_start3A_15 : memref<125xi32, #tpu.memory_space<vmem>>) semaphore(%arg11 : memref<!tpu.dma_semaphore, #tpu.memory_space<semaphore_mem>>)
    %dma_start3A_19 = arith.constant 1 : i32
    %dma_start3A_20 = arith.constant 0 : i32
    %dma_start3A_21 = tpu.memref_slice %arg6[%dma_start3A_19, %dma_start3A_20] : memref<40x125xi32, #tpu.memory_space<vmem>> -> memref<1x125xi32, #tpu.memory_space<vmem>>
    %dma_start3A_22 = tpu.memref_squeeze %dma_start3A_21 : memref<1x125xi32, #tpu.memory_space<vmem>> -> memref<125xi32, #tpu.memory_space<vmem>>
    %dma_start3A_23 = arith.constant 0 : i32
    %dma_start3A_24 = arith.constant 0 : i32
    %dma_start3A_25 = tpu.memref_slice %arg2[%dma_start3A_23, %dma_start3A_24] : memref<10000x128xf32, #tpu.memory_space<hbm>> -> memref<10000x128xf32, #tpu.memory_space<hbm>>
    tpu.enqueue_indirect_dma source(%dma_start3A_25 : memref<10000x128xf32, #tpu.memory_space<hbm>>) target(%arg9 : memref<125x128xf32, #tpu.memory_space<vmem>>) offsets(%dma_start3A_22 : memref<125xi32, #tpu.memory_space<vmem>>) semaphore(%arg12 : memref<!tpu.dma_semaphore, #tpu.memory_space<semaphore_mem>>)
    %scan3A = arith.constant 0 : i32
    %scan3A_26 = arith.constant 0 : i32
    %scan3A_27 = arith.constant 20 : i32
    %scan3A_28 = arith.addi %scan3A_26, %scan3A_27 : i32
    %scan3A_29 = arith.constant 1 : i32
    scf.for %scan3A_68 = %scan3A_26 to %scan3A_28 step %scan3A_29  : i32 {
      %mul3A_69 = arith.constant 2 : i32
      %mul3A_70 = arith.muli %mul3A_69, %scan3A_68 : i32
      %add3A_71 = arith.constant 1 : i32
      %add3A_72 = arith.addi %mul3A_70, %add3A_71 : i32
      %dma_wait3A = arith.constant 0 : i32
      %dma_wait3A_73 = tpu.memref_slice %arg6[%mul3A_70, %dma_wait3A] : memref<40x125xi32, #tpu.memory_space<vmem>> -> memref<1x125xi32, #tpu.memory_space<vmem>>
      %dma_wait3A_74 = tpu.memref_squeeze %dma_wait3A_73 : memref<1x125xi32, #tpu.memory_space<vmem>> -> memref<125xi32, #tpu.memory_space<vmem>>
      %dma_wait3A_75 = arith.constant 0 : i32
      %dma_wait3A_76 = arith.constant 0 : i32
      %dma_wait3A_77 = tpu.memref_slice %arg2[%dma_wait3A_75, %dma_wait3A_76] : memref<10000x128xf32, #tpu.memory_space<hbm>> -> memref<10000x128xf32, #tpu.memory_space<hbm>>
      tpu.wait_indirect_dma semaphore(%arg11 : memref<!tpu.dma_semaphore, #tpu.memory_space<semaphore_mem>>) src(%dma_wait3A_77 : memref<10000x128xf32, #tpu.memory_space<hbm>>) dst(%arg8 : memref<125x128xf32, #tpu.memory_space<vmem>>)
      "tpu.region"() ({
        %run_scoped3A = tpu.sem_alloc : memref<!tpu.dma_semaphore, #tpu.memory_space<semaphore_mem>>
        %dma_start3A_97 = arith.constant 0 : i32
        %dma_start3A_98 = tpu.memref_slice %arg7[%mul3A_70, %dma_start3A_97] : memref<40x125xi32, #tpu.memory_space<vmem>> -> memref<1x125xi32, #tpu.memory_space<vmem>>
        %dma_start3A_99 = tpu.memref_squeeze %dma_start3A_98 : memref<1x125xi32, #tpu.memory_space<vmem>> -> memref<125xi32, #tpu.memory_space<vmem>>
        %dma_start3A_100 = arith.constant 0 : i32
        %dma_start3A_101 = arith.constant 0 : i32
        %dma_start3A_102 = tpu.memref_slice %arg10[%dma_start3A_100, %dma_start3A_101] : memref<10000x128xf32, #tpu.memory_space<vmem_shared>> -> memref<10000x128xf32, #tpu.memory_space<vmem_shared>>
        tpu.enqueue_indirect_dma source(%arg8 : memref<125x128xf32, #tpu.memory_space<vmem>>) target(%dma_start3A_102 : memref<10000x128xf32, #tpu.memory_space<vmem_shared>>) offsets(%dma_start3A_99 : memref<125xi32, #tpu.memory_space<vmem>>) semaphore(%run_scoped3A : memref<!tpu.dma_semaphore, #tpu.memory_space<semaphore_mem>>) {add = true}
        %dma_wait3A_103 = arith.constant 0 : i32
        %dma_wait3A_104 = tpu.memref_slice %arg7[%mul3A_70, %dma_wait3A_103] : memref<40x125xi32, #tpu.memory_space<vmem>> -> memref<1x125xi32, #tpu.memory_space<vmem>>
        %dma_wait3A_105 = tpu.memref_squeeze %dma_wait3A_104 : memref<1x125xi32, #tpu.memory_space<vmem>> -> memref<125xi32, #tpu.memory_space<vmem>>
        %dma_wait3A_106 = arith.constant 0 : i32
        %dma_wait3A_107 = arith.constant 0 : i32
        %dma_wait3A_108 = tpu.memref_slice %arg10[%dma_wait3A_106, %dma_wait3A_107] : memref<10000x128xf32, #tpu.memory_space<vmem_shared>> -> memref<10000x128xf32, #tpu.memory_space<vmem_shared>>
        tpu.wait_indirect_dma semaphore(%run_scoped3A : memref<!tpu.dma_semaphore, #tpu.memory_space<semaphore_mem>>) src(%arg8 : memref<125x128xf32, #tpu.memory_space<vmem>>) dst(%dma_wait3A_108 : memref<10000x128xf32, #tpu.memory_space<vmem_shared>>)
        tpu.yield
      }) : () -> ()
      %add3A_78 = arith.constant 2 : i32
      %add3A_79 = arith.addi %mul3A_70, %add3A_78 : i32
      %lt3A = arith.constant 40 : i32
      %lt3A_80 = arith.cmpi slt, %add3A_79, %lt3A : i32
      %convert_element_type3A_81 = arith.extui %lt3A_80 : i1 to i32
      %cond3A_82 = arith.constant 0 : i32
      %cond3A_83 = arith.cmpi ne, %convert_element_type3A_81, %cond3A_82 : i32
      scf.if %cond3A_83 {
        %add3A_97 = arith.constant 2 : i32
        %add3A_98 = arith.addi %mul3A_70, %add3A_97 : i32
        %dma_start3A_99 = arith.constant 0 : i32
        %dma_start3A_100 = tpu.memref_slice %arg6[%add3A_98, %dma_start3A_99] : memref<40x125xi32, #tpu.memory_space<vmem>> -> memref<1x125xi32, #tpu.memory_space<vmem>>
        %dma_start3A_101 = tpu.memref_squeeze %dma_start3A_100 : memref<1x125xi32, #tpu.memory_space<vmem>> -> memref<125xi32, #tpu.memory_space<vmem>>
        %dma_start3A_102 = arith.constant 0 : i32
        %dma_start3A_103 = arith.constant 0 : i32
        %dma_start3A_104 = tpu.memref_slice %arg2[%dma_start3A_102, %dma_start3A_103] : memref<10000x128xf32, #tpu.memory_space<hbm>> -> memref<10000x128xf32, #tpu.memory_space<hbm>>
        tpu.enqueue_indirect_dma source(%dma_start3A_104 : memref<10000x128xf32, #tpu.memory_space<hbm>>) target(%arg8 : memref<125x128xf32, #tpu.memory_space<vmem>>) offsets(%dma_start3A_101 : memref<125xi32, #tpu.memory_space<vmem>>) semaphore(%arg11 : memref<!tpu.dma_semaphore, #tpu.memory_space<semaphore_mem>>)
      } else {
      }
      %dma_wait3A_84 = arith.constant 0 : i32
      %dma_wait3A_85 = tpu.memref_slice %arg6[%add3A_72, %dma_wait3A_84] : memref<40x125xi32, #tpu.memory_space<vmem>> -> memref<1x125xi32, #tpu.memory_space<vmem>>
      %dma_wait3A_86 = tpu.memref_squeeze %dma_wait3A_85 : memref<1x125xi32, #tpu.memory_space<vmem>> -> memref<125xi32, #tpu.memory_space<vmem>>
      %dma_wait3A_87 = arith.constant 0 : i32
      %dma_wait3A_88 = arith.constant 0 : i32
      %dma_wait3A_89 = tpu.memref_slice %arg2[%dma_wait3A_87, %dma_wait3A_88] : memref<10000x128xf32, #tpu.memory_space<hbm>> -> memref<10000x128xf32, #tpu.memory_space<hbm>>
      tpu.wait_indirect_dma semaphore(%arg12 : memref<!tpu.dma_semaphore, #tpu.memory_space<semaphore_mem>>) src(%dma_wait3A_89 : memref<10000x128xf32, #tpu.memory_space<hbm>>) dst(%arg9 : memref<125x128xf32, #tpu.memory_space<vmem>>)
      "tpu.region"() ({
        %run_scoped3A = tpu.sem_alloc : memref<!tpu.dma_semaphore, #tpu.memory_space<semaphore_mem>>
        %dma_start3A_97 = arith.constant 0 : i32
        %dma_start3A_98 = tpu.memref_slice %arg7[%add3A_72, %dma_start3A_97] : memref<40x125xi32, #tpu.memory_space<vmem>> -> memref<1x125xi32, #tpu.memory_space<vmem>>
        %dma_start3A_99 = tpu.memref_squeeze %dma_start3A_98 : memref<1x125xi32, #tpu.memory_space<vmem>> -> memref<125xi32, #tpu.memory_space<vmem>>
        %dma_start3A_100 = arith.constant 0 : i32
        %dma_start3A_101 = arith.constant 0 : i32
        %dma_start3A_102 = tpu.memref_slice %arg10[%dma_start3A_100, %dma_start3A_101] : memref<10000x128xf32, #tpu.memory_space<vmem_shared>> -> memref<10000x128xf32, #tpu.memory_space<vmem_shared>>
        tpu.enqueue_indirect_dma source(%arg9 : memref<125x128xf32, #tpu.memory_space<vmem>>) target(%dma_start3A_102 : memref<10000x128xf32, #tpu.memory_space<vmem_shared>>) offsets(%dma_start3A_99 : memref<125xi32, #tpu.memory_space<vmem>>) semaphore(%run_scoped3A : memref<!tpu.dma_semaphore, #tpu.memory_space<semaphore_mem>>) {add = true}
        %dma_wait3A_103 = arith.constant 0 : i32
        %dma_wait3A_104 = tpu.memref_slice %arg7[%add3A_72, %dma_wait3A_103] : memref<40x125xi32, #tpu.memory_space<vmem>> -> memref<1x125xi32, #tpu.memory_space<vmem>>
        %dma_wait3A_105 = tpu.memref_squeeze %dma_wait3A_104 : memref<1x125xi32, #tpu.memory_space<vmem>> -> memref<125xi32, #tpu.memory_space<vmem>>
        %dma_wait3A_106 = arith.constant 0 : i32
        %dma_wait3A_107 = arith.constant 0 : i32
        %dma_wait3A_108 = tpu.memref_slice %arg10[%dma_wait3A_106, %dma_wait3A_107] : memref<10000x128xf32, #tpu.memory_space<vmem_shared>> -> memref<10000x128xf32, #tpu.memory_space<vmem_shared>>
        tpu.wait_indirect_dma semaphore(%run_scoped3A : memref<!tpu.dma_semaphore, #tpu.memory_space<semaphore_mem>>) src(%arg9 : memref<125x128xf32, #tpu.memory_space<vmem>>) dst(%dma_wait3A_108 : memref<10000x128xf32, #tpu.memory_space<vmem_shared>>)
        tpu.yield
      }) : () -> ()
      %add3A_90 = arith.constant 2 : i32
      %add3A_91 = arith.addi %add3A_72, %add3A_90 : i32
      %lt3A_92 = arith.constant 40 : i32
      %lt3A_93 = arith.cmpi slt, %add3A_91, %lt3A_92 : i32
      %convert_element_type3A_94 = arith.extui %lt3A_93 : i1 to i32
      %cond3A_95 = arith.constant 0 : i32
      %cond3A_96 = arith.cmpi ne, %convert_element_type3A_94, %cond3A_95 : i32
      scf.if %cond3A_96 {
        %add3A_97 = arith.constant 2 : i32
        %add3A_98 = arith.addi %add3A_72, %add3A_97 : i32
        %dma_start3A_99 = arith.constant 0 : i32
        %dma_start3A_100 = tpu.memref_slice %arg6[%add3A_98, %dma_start3A_99] : memref<40x125xi32, #tpu.memory_space<vmem>> -> memref<1x125xi32, #tpu.memory_space<vmem>>
        %dma_start3A_101 = tpu.memref_squeeze %dma_start3A_100 : memref<1x125xi32, #tpu.memory_space<vmem>> -> memref<125xi32, #tpu.memory_space<vmem>>
        %dma_start3A_102 = arith.constant 0 : i32
        %dma_start3A_103 = arith.constant 0 : i32
        %dma_start3A_104 = tpu.memref_slice %arg2[%dma_start3A_102, %dma_start3A_103] : memref<10000x128xf32, #tpu.memory_space<hbm>> -> memref<10000x128xf32, #tpu.memory_space<hbm>>
        tpu.enqueue_indirect_dma source(%dma_start3A_104 : memref<10000x128xf32, #tpu.memory_space<hbm>>) target(%arg9 : memref<125x128xf32, #tpu.memory_space<vmem>>) offsets(%dma_start3A_101 : memref<125xi32, #tpu.memory_space<vmem>>) semaphore(%arg12 : memref<!tpu.dma_semaphore, #tpu.memory_space<semaphore_mem>>)
      } else {
      }
    }
    %scan3A_30 = arith.constant 20 : i32
    %mul3A_31 = arith.constant 80 : i32
    %mul3A_32 = arith.muli %add3A, %mul3A_31 : i32
    %add3A_33 = arith.constant 40 : i32
    %add3A_34 = arith.addi %mul3A_32, %add3A_33 : i32
    "tpu.region"() ({
      %run_scoped3A = tpu.sem_alloc : memref<!tpu.dma_semaphore, #tpu.memory_space<semaphore_mem>>
      %dma_start3A_68 = arith.constant 0 : i32
      %dma_start3A_69 = tpu.memref_slice %arg3[%add3A_34, %dma_start3A_68] : memref<2560x125xi32, #tpu.memory_space<hbm>> -> memref<40x125xi32, #tpu.memory_space<hbm>>
      %dma_start3A_70 = arith.constant 0 : i32
      %dma_start3A_71 = tpu.memref_slice %arg3[%add3A_34, %dma_start3A_70] : memref<2560x125xi32, #tpu.memory_space<hbm>> -> memref<40x125xi32, #tpu.memory_space<hbm>>
      tpu.enqueue_dma source(%dma_start3A_71 : memref<40x125xi32, #tpu.memory_space<hbm>>) target(%arg6 : memref<40x125xi32, #tpu.memory_space<vmem>>) target_semaphore(%run_scoped3A : memref<!tpu.dma_semaphore, #tpu.memory_space<semaphore_mem>>)
      %dma_wait3A = arith.constant 0 : i32
      %dma_wait3A_72 = tpu.memref_slice %arg3[%add3A_34, %dma_wait3A] : memref<2560x125xi32, #tpu.memory_space<hbm>> -> memref<40x125xi32, #tpu.memory_space<hbm>>
      %dma_wait3A_73 = arith.constant 0 : i32
      %dma_wait3A_74 = tpu.memref_slice %arg3[%add3A_34, %dma_wait3A_73] : memref<2560x125xi32, #tpu.memory_space<hbm>> -> memref<40x125xi32, #tpu.memory_space<hbm>>
      tpu.wait_dma2 semaphore(%run_scoped3A : memref<!tpu.dma_semaphore, #tpu.memory_space<semaphore_mem>>) src(%dma_wait3A_74 : memref<40x125xi32, #tpu.memory_space<hbm>>) dst(%arg6 : memref<40x125xi32, #tpu.memory_space<vmem>>)
      tpu.yield
    }) : () -> ()
    %mul3A_35 = arith.constant 80 : i32
    %mul3A_36 = arith.muli %add3A, %mul3A_35 : i32
    %add3A_37 = arith.constant 40 : i32
    %add3A_38 = arith.addi %mul3A_36, %add3A_37 : i32
    "tpu.region"() ({
      %run_scoped3A = tpu.sem_alloc : memref<!tpu.dma_semaphore, #tpu.memory_space<semaphore_mem>>
      %dma_start3A_68 = arith.constant 0 : i32
      %dma_start3A_69 = tpu.memref_slice %arg4[%add3A_38, %dma_start3A_68] : memref<2560x125xi32, #tpu.memory_space<hbm>> -> memref<40x125xi32, #tpu.memory_space<hbm>>
      %dma_start3A_70 = arith.constant 0 : i32
      %dma_start3A_71 = tpu.memref_slice %arg4[%add3A_38, %dma_start3A_70] : memref<2560x125xi32, #tpu.memory_space<hbm>> -> memref<40x125xi32, #tpu.memory_space<hbm>>
      tpu.enqueue_dma source(%dma_start3A_71 : memref<40x125xi32, #tpu.memory_space<hbm>>) target(%arg7 : memref<40x125xi32, #tpu.memory_space<vmem>>) target_semaphore(%run_scoped3A : memref<!tpu.dma_semaphore, #tpu.memory_space<semaphore_mem>>)
      %dma_wait3A = arith.constant 0 : i32
      %dma_wait3A_72 = tpu.memref_slice %arg4[%add3A_38, %dma_wait3A] : memref<2560x125xi32, #tpu.memory_space<hbm>> -> memref<40x125xi32, #tpu.memory_space<hbm>>
      %dma_wait3A_73 = arith.constant 0 : i32
      %dma_wait3A_74 = tpu.memref_slice %arg4[%add3A_38, %dma_wait3A_73] : memref<2560x125xi32, #tpu.memory_space<hbm>> -> memref<40x125xi32, #tpu.memory_space<hbm>>
      tpu.wait_dma2 semaphore(%run_scoped3A : memref<!tpu.dma_semaphore, #tpu.memory_space<semaphore_mem>>) src(%dma_wait3A_74 : memref<40x125xi32, #tpu.memory_space<hbm>>) dst(%arg7 : memref<40x125xi32, #tpu.memory_space<vmem>>)
      tpu.yield
    }) : () -> ()
    %dma_start3A_39 = arith.constant 0 : i32
    %dma_start3A_40 = arith.constant 0 : i32
    %dma_start3A_41 = tpu.memref_slice %arg6[%dma_start3A_39, %dma_start3A_40] : memref<40x125xi32, #tpu.memory_space<vmem>> -> memref<1x125xi32, #tpu.memory_space<vmem>>
    %dma_start3A_42 = tpu.memref_squeeze %dma_start3A_41 : memref<1x125xi32, #tpu.memory_space<vmem>> -> memref<125xi32, #tpu.memory_space<vmem>>
    %dma_start3A_43 = arith.constant 0 : i32
    %dma_start3A_44 = arith.constant 0 : i32
    %dma_start3A_45 = tpu.memref_slice %arg2[%dma_start3A_43, %dma_start3A_44] : memref<10000x128xf32, #tpu.memory_space<hbm>> -> memref<10000x128xf32, #tpu.memory_space<hbm>>
    tpu.enqueue_indirect_dma source(%dma_start3A_45 : memref<10000x128xf32, #tpu.memory_space<hbm>>) target(%arg8 : memref<125x128xf32, #tpu.memory_space<vmem>>) offsets(%dma_start3A_42 : memref<125xi32, #tpu.memory_space<vmem>>) semaphore(%arg11 : memref<!tpu.dma_semaphore, #tpu.memory_space<semaphore_mem>>)
    %dma_start3A_46 = arith.constant 1 : i32
    %dma_start3A_47 = arith.constant 0 : i32
    %dma_start3A_48 = tpu.memref_slice %arg6[%dma_start3A_46, %dma_start3A_47] : memref<40x125xi32, #tpu.memory_space<vmem>> -> memref<1x125xi32, #tpu.memory_space<vmem>>
    %dma_start3A_49 = tpu.memref_squeeze %dma_start3A_48 : memref<1x125xi32, #tpu.memory_space<vmem>> -> memref<125xi32, #tpu.memory_space<vmem>>
    %dma_start3A_50 = arith.constant 0 : i32
    %dma_start3A_51 = arith.constant 0 : i32
    %dma_start3A_52 = tpu.memref_slice %arg2[%dma_start3A_50, %dma_start3A_51] : memref<10000x128xf32, #tpu.memory_space<hbm>> -> memref<10000x128xf32, #tpu.memory_space<hbm>>
    tpu.enqueue_indirect_dma source(%dma_start3A_52 : memref<10000x128xf32, #tpu.memory_space<hbm>>) target(%arg9 : memref<125x128xf32, #tpu.memory_space<vmem>>) offsets(%dma_start3A_49 : memref<125xi32, #tpu.memory_space<vmem>>) semaphore(%arg12 : memref<!tpu.dma_semaphore, #tpu.memory_space<semaphore_mem>>)
    %scan3A_53 = arith.constant 0 : i32
    %scan3A_54 = arith.constant 0 : i32
    %scan3A_55 = arith.constant 20 : i32
    %scan3A_56 = arith.addi %scan3A_54, %scan3A_55 : i32
    %scan3A_57 = arith.constant 1 : i32
    scf.for %scan3A_68 = %scan3A_54 to %scan3A_56 step %scan3A_57  : i32 {
      %mul3A_69 = arith.constant 2 : i32
      %mul3A_70 = arith.muli %mul3A_69, %scan3A_68 : i32
      %add3A_71 = arith.constant 1 : i32
      %add3A_72 = arith.addi %mul3A_70, %add3A_71 : i32
      %dma_wait3A = arith.constant 0 : i32
      %dma_wait3A_73 = tpu.memref_slice %arg6[%mul3A_70, %dma_wait3A] : memref<40x125xi32, #tpu.memory_space<vmem>> -> memref<1x125xi32, #tpu.memory_space<vmem>>
      %dma_wait3A_74 = tpu.memref_squeeze %dma_wait3A_73 : memref<1x125xi32, #tpu.memory_space<vmem>> -> memref<125xi32, #tpu.memory_space<vmem>>
      %dma_wait3A_75 = arith.constant 0 : i32
      %dma_wait3A_76 = arith.constant 0 : i32
      %dma_wait3A_77 = tpu.memref_slice %arg2[%dma_wait3A_75, %dma_wait3A_76] : memref<10000x128xf32, #tpu.memory_space<hbm>> -> memref<10000x128xf32, #tpu.memory_space<hbm>>
      tpu.wait_indirect_dma semaphore(%arg11 : memref<!tpu.dma_semaphore, #tpu.memory_space<semaphore_mem>>) src(%dma_wait3A_77 : memref<10000x128xf32, #tpu.memory_space<hbm>>) dst(%arg8 : memref<125x128xf32, #tpu.memory_space<vmem>>)
      "tpu.region"() ({
        %run_scoped3A = tpu.sem_alloc : memref<!tpu.dma_semaphore, #tpu.memory_space<semaphore_mem>>
        %dma_start3A_97 = arith.constant 0 : i32
        %dma_start3A_98 = tpu.memref_slice %arg7[%mul3A_70, %dma_start3A_97] : memref<40x125xi32, #tpu.memory_space<vmem>> -> memref<1x125xi32, #tpu.memory_space<vmem>>
        %dma_start3A_99 = tpu.memref_squeeze %dma_start3A_98 : memref<1x125xi32, #tpu.memory_space<vmem>> -> memref<125xi32, #tpu.memory_space<vmem>>
        %dma_start3A_100 = arith.constant 0 : i32
        %dma_start3A_101 = arith.constant 0 : i32
        %dma_start3A_102 = tpu.memref_slice %arg10[%dma_start3A_100, %dma_start3A_101] : memref<10000x128xf32, #tpu.memory_space<vmem_shared>> -> memref<10000x128xf32, #tpu.memory_space<vmem_shared>>
        tpu.enqueue_indirect_dma source(%arg8 : memref<125x128xf32, #tpu.memory_space<vmem>>) target(%dma_start3A_102 : memref<10000x128xf32, #tpu.memory_space<vmem_shared>>) offsets(%dma_start3A_99 : memref<125xi32, #tpu.memory_space<vmem>>) semaphore(%run_scoped3A : memref<!tpu.dma_semaphore, #tpu.memory_space<semaphore_mem>>) {add = true}
        %dma_wait3A_103 = arith.constant 0 : i32
        %dma_wait3A_104 = tpu.memref_slice %arg7[%mul3A_70, %dma_wait3A_103] : memref<40x125xi32, #tpu.memory_space<vmem>> -> memref<1x125xi32, #tpu.memory_space<vmem>>
        %dma_wait3A_105 = tpu.memref_squeeze %dma_wait3A_104 : memref<1x125xi32, #tpu.memory_space<vmem>> -> memref<125xi32, #tpu.memory_space<vmem>>
        %dma_wait3A_106 = arith.constant 0 : i32
        %dma_wait3A_107 = arith.constant 0 : i32
        %dma_wait3A_108 = tpu.memref_slice %arg10[%dma_wait3A_106, %dma_wait3A_107] : memref<10000x128xf32, #tpu.memory_space<vmem_shared>> -> memref<10000x128xf32, #tpu.memory_space<vmem_shared>>
        tpu.wait_indirect_dma semaphore(%run_scoped3A : memref<!tpu.dma_semaphore, #tpu.memory_space<semaphore_mem>>) src(%arg8 : memref<125x128xf32, #tpu.memory_space<vmem>>) dst(%dma_wait3A_108 : memref<10000x128xf32, #tpu.memory_space<vmem_shared>>)
        tpu.yield
      }) : () -> ()
      %add3A_78 = arith.constant 2 : i32
      %add3A_79 = arith.addi %mul3A_70, %add3A_78 : i32
      %lt3A = arith.constant 40 : i32
      %lt3A_80 = arith.cmpi slt, %add3A_79, %lt3A : i32
      %convert_element_type3A_81 = arith.extui %lt3A_80 : i1 to i32
      %cond3A_82 = arith.constant 0 : i32
      %cond3A_83 = arith.cmpi ne, %convert_element_type3A_81, %cond3A_82 : i32
      scf.if %cond3A_83 {
        %add3A_97 = arith.constant 2 : i32
        %add3A_98 = arith.addi %mul3A_70, %add3A_97 : i32
        %dma_start3A_99 = arith.constant 0 : i32
        %dma_start3A_100 = tpu.memref_slice %arg6[%add3A_98, %dma_start3A_99] : memref<40x125xi32, #tpu.memory_space<vmem>> -> memref<1x125xi32, #tpu.memory_space<vmem>>
        %dma_start3A_101 = tpu.memref_squeeze %dma_start3A_100 : memref<1x125xi32, #tpu.memory_space<vmem>> -> memref<125xi32, #tpu.memory_space<vmem>>
        %dma_start3A_102 = arith.constant 0 : i32
        %dma_start3A_103 = arith.constant 0 : i32
        %dma_start3A_104 = tpu.memref_slice %arg2[%dma_start3A_102, %dma_start3A_103] : memref<10000x128xf32, #tpu.memory_space<hbm>> -> memref<10000x128xf32, #tpu.memory_space<hbm>>
        tpu.enqueue_indirect_dma source(%dma_start3A_104 : memref<10000x128xf32, #tpu.memory_space<hbm>>) target(%arg8 : memref<125x128xf32, #tpu.memory_space<vmem>>) offsets(%dma_start3A_101 : memref<125xi32, #tpu.memory_space<vmem>>) semaphore(%arg11 : memref<!tpu.dma_semaphore, #tpu.memory_space<semaphore_mem>>)
      } else {
      }
      %dma_wait3A_84 = arith.constant 0 : i32
      %dma_wait3A_85 = tpu.memref_slice %arg6[%add3A_72, %dma_wait3A_84] : memref<40x125xi32, #tpu.memory_space<vmem>> -> memref<1x125xi32, #tpu.memory_space<vmem>>
      %dma_wait3A_86 = tpu.memref_squeeze %dma_wait3A_85 : memref<1x125xi32, #tpu.memory_space<vmem>> -> memref<125xi32, #tpu.memory_space<vmem>>
      %dma_wait3A_87 = arith.constant 0 : i32
      %dma_wait3A_88 = arith.constant 0 : i32
      %dma_wait3A_89 = tpu.memref_slice %arg2[%dma_wait3A_87, %dma_wait3A_88] : memref<10000x128xf32, #tpu.memory_space<hbm>> -> memref<10000x128xf32, #tpu.memory_space<hbm>>
      tpu.wait_indirect_dma semaphore(%arg12 : memref<!tpu.dma_semaphore, #tpu.memory_space<semaphore_mem>>) src(%dma_wait3A_89 : memref<10000x128xf32, #tpu.memory_space<hbm>>) dst(%arg9 : memref<125x128xf32, #tpu.memory_space<vmem>>)
      "tpu.region"() ({
        %run_scoped3A = tpu.sem_alloc : memref<!tpu.dma_semaphore, #tpu.memory_space<semaphore_mem>>
        %dma_start3A_97 = arith.constant 0 : i32
        %dma_start3A_98 = tpu.memref_slice %arg7[%add3A_72, %dma_start3A_97] : memref<40x125xi32, #tpu.memory_space<vmem>> -> memref<1x125xi32, #tpu.memory_space<vmem>>
        %dma_start3A_99 = tpu.memref_squeeze %dma_start3A_98 : memref<1x125xi32, #tpu.memory_space<vmem>> -> memref<125xi32, #tpu.memory_space<vmem>>
        %dma_start3A_100 = arith.constant 0 : i32
        %dma_start3A_101 = arith.constant 0 : i32
        %dma_start3A_102 = tpu.memref_slice %arg10[%dma_start3A_100, %dma_start3A_101] : memref<10000x128xf32, #tpu.memory_space<vmem_shared>> -> memref<10000x128xf32, #tpu.memory_space<vmem_shared>>
        tpu.enqueue_indirect_dma source(%arg9 : memref<125x128xf32, #tpu.memory_space<vmem>>) target(%dma_start3A_102 : memref<10000x128xf32, #tpu.memory_space<vmem_shared>>) offsets(%dma_start3A_99 : memref<125xi32, #tpu.memory_space<vmem>>) semaphore(%run_scoped3A : memref<!tpu.dma_semaphore, #tpu.memory_space<semaphore_mem>>) {add = true}
        %dma_wait3A_103 = arith.constant 0 : i32
        %dma_wait3A_104 = tpu.memref_slice %arg7[%add3A_72, %dma_wait3A_103] : memref<40x125xi32, #tpu.memory_space<vmem>> -> memref<1x125xi32, #tpu.memory_space<vmem>>
        %dma_wait3A_105 = tpu.memref_squeeze %dma_wait3A_104 : memref<1x125xi32, #tpu.memory_space<vmem>> -> memref<125xi32, #tpu.memory_space<vmem>>
        %dma_wait3A_106 = arith.constant 0 : i32
        %dma_wait3A_107 = arith.constant 0 : i32
        %dma_wait3A_108 = tpu.memref_slice %arg10[%dma_wait3A_106, %dma_wait3A_107] : memref<10000x128xf32, #tpu.memory_space<vmem_shared>> -> memref<10000x128xf32, #tpu.memory_space<vmem_shared>>
        tpu.wait_indirect_dma semaphore(%run_scoped3A : memref<!tpu.dma_semaphore, #tpu.memory_space<semaphore_mem>>) src(%arg9 : memref<125x128xf32, #tpu.memory_space<vmem>>) dst(%dma_wait3A_108 : memref<10000x128xf32, #tpu.memory_space<vmem_shared>>)
        tpu.yield
      }) : () -> ()
      %add3A_90 = arith.constant 2 : i32
      %add3A_91 = arith.addi %add3A_72, %add3A_90 : i32
      %lt3A_92 = arith.constant 40 : i32
      %lt3A_93 = arith.cmpi slt, %add3A_91, %lt3A_92 : i32
      %convert_element_type3A_94 = arith.extui %lt3A_93 : i1 to i32
      %cond3A_95 = arith.constant 0 : i32
      %cond3A_96 = arith.cmpi ne, %convert_element_type3A_94, %cond3A_95 : i32
      scf.if %cond3A_96 {
        %add3A_97 = arith.constant 2 : i32
        %add3A_98 = arith.addi %add3A_72, %add3A_97 : i32
        %dma_start3A_99 = arith.constant 0 : i32
        %dma_start3A_100 = tpu.memref_slice %arg6[%add3A_98, %dma_start3A_99] : memref<40x125xi32, #tpu.memory_space<vmem>> -> memref<1x125xi32, #tpu.memory_space<vmem>>
        %dma_start3A_101 = tpu.memref_squeeze %dma_start3A_100 : memref<1x125xi32, #tpu.memory_space<vmem>> -> memref<125xi32, #tpu.memory_space<vmem>>
        %dma_start3A_102 = arith.constant 0 : i32
        %dma_start3A_103 = arith.constant 0 : i32
        %dma_start3A_104 = tpu.memref_slice %arg2[%dma_start3A_102, %dma_start3A_103] : memref<10000x128xf32, #tpu.memory_space<hbm>> -> memref<10000x128xf32, #tpu.memory_space<hbm>>
        tpu.enqueue_indirect_dma source(%dma_start3A_104 : memref<10000x128xf32, #tpu.memory_space<hbm>>) target(%arg9 : memref<125x128xf32, #tpu.memory_space<vmem>>) offsets(%dma_start3A_101 : memref<125xi32, #tpu.memory_space<vmem>>) semaphore(%arg12 : memref<!tpu.dma_semaphore, #tpu.memory_space<semaphore_mem>>)
      } else {
      }
    }
    %scan3A_58 = arith.constant 20 : i32
    %barrier3A_59 = arith.constant 0 : index
    tpu.barrier barrier_id(%barrier3A_59)
    %mul3A_60 = arith.constant 10000 : i32
    %mul3A_61 = arith.muli %arg0, %mul3A_60 : i32
    %add3A_62 = arith.addi %mul3A_61, %mul3A_2 : i32
    "tpu.region"() ({
      %run_scoped3A = tpu.sem_alloc : memref<!tpu.dma_semaphore, #tpu.memory_space<semaphore_mem>>
      %dma_start3A_68 = arith.constant 0 : i32
      %dma_start3A_69 = tpu.memref_slice %arg5[%add3A_62, %dma_start3A_68] : memref<20000x128xf32, #tpu.memory_space<hbm>> -> memref<624x128xf32, #tpu.memory_space<hbm>>
      %dma_start3A_70 = arith.constant 0 : i32
      %dma_start3A_71 = tpu.memref_slice %arg10[%mul3A_2, %dma_start3A_70] : memref<10000x128xf32, #tpu.memory_space<vmem_shared>> -> memref<624x128xf32, #tpu.memory_space<vmem_shared>>
      tpu.enqueue_dma source(%dma_start3A_71 : memref<624x128xf32, #tpu.memory_space<vmem_shared>>) target(%dma_start3A_69 : memref<624x128xf32, #tpu.memory_space<hbm>>) target_semaphore(%run_scoped3A : memref<!tpu.dma_semaphore, #tpu.memory_space<semaphore_mem>>)
      %dma_wait3A = arith.constant 0 : i32
      %dma_wait3A_72 = tpu.memref_slice %arg5[%add3A_62, %dma_wait3A] : memref<20000x128xf32, #tpu.memory_space<hbm>> -> memref<624x128xf32, #tpu.memory_space<hbm>>
      %dma_wait3A_73 = arith.constant 0 : i32
      %dma_wait3A_74 = tpu.memref_slice %arg10[%mul3A_2, %dma_wait3A_73] : memref<10000x128xf32, #tpu.memory_space<vmem_shared>> -> memref<624x128xf32, #tpu.memory_space<vmem_shared>>
      tpu.wait_dma2 semaphore(%run_scoped3A : memref<!tpu.dma_semaphore, #tpu.memory_space<semaphore_mem>>) src(%dma_wait3A_74 : memref<624x128xf32, #tpu.memory_space<vmem_shared>>) dst(%dma_wait3A_72 : memref<624x128xf32, #tpu.memory_space<hbm>>)
      tpu.yield
    }) : () -> ()
    %eq3A_63 = arith.constant 0 : i32
    %eq3A_64 = arith.cmpi eq, %arg1, %eq3A_63 : i32
    %convert_element_type3A_65 = arith.extui %eq3A_64 : i1 to i32
    %cond3A_66 = arith.constant 0 : i32
    %cond3A_67 = arith.cmpi ne, %convert_element_type3A_65, %cond3A_66 : i32
    scf.if %cond3A_67 {
      %mul3A_68 = arith.constant 10000 : i32
      %mul3A_69 = arith.muli %arg0, %mul3A_68 : i32
      %add3A_70 = arith.constant 9984 : i32
      %add3A_71 = arith.addi %mul3A_69, %add3A_70 : i32
      "tpu.region"() ({
        %run_scoped3A = tpu.sem_alloc : memref<!tpu.dma_semaphore, #tpu.memory_space<semaphore_mem>>
        %dma_start3A_72 = arith.constant 0 : i32
        %dma_start3A_73 = tpu.memref_slice %arg5[%add3A_71, %dma_start3A_72] : memref<20000x128xf32, #tpu.memory_space<hbm>> -> memref<16x128xf32, #tpu.memory_space<hbm>>
        %dma_start3A_74 = arith.constant 9984 : i32
        %dma_start3A_75 = arith.constant 0 : i32
        %dma_start3A_76 = tpu.memref_slice %arg10[%dma_start3A_74, %dma_start3A_75] : memref<10000x128xf32, #tpu.memory_space<vmem_shared>> -> memref<16x128xf32, #tpu.memory_space<vmem_shared>>
        tpu.enqueue_dma source(%dma_start3A_76 : memref<16x128xf32, #tpu.memory_space<vmem_shared>>) target(%dma_start3A_73 : memref<16x128xf32, #tpu.memory_space<hbm>>) target_semaphore(%run_scoped3A : memref<!tpu.dma_semaphore, #tpu.memory_space<semaphore_mem>>)
        %dma_wait3A = arith.constant 0 : i32
        %dma_wait3A_77 = tpu.memref_slice %arg5[%add3A_71, %dma_wait3A] : memref<20000x128xf32, #tpu.memory_space<hbm>> -> memref<16x128xf32, #tpu.memory_space<hbm>>
        %dma_wait3A_78 = arith.constant 9984 : i32
        %dma_wait3A_79 = arith.constant 0 : i32
        %dma_wait3A_80 = tpu.memref_slice %arg10[%dma_wait3A_78, %dma_wait3A_79] : memref<10000x128xf32, #tpu.memory_space<vmem_shared>> -> memref<16x128xf32, #tpu.memory_space<vmem_shared>>
        tpu.wait_dma2 semaphore(%run_scoped3A : memref<!tpu.dma_semaphore, #tpu.memory_space<semaphore_mem>>) src(%dma_wait3A_80 : memref<16x128xf32, #tpu.memory_space<vmem_shared>>) dst(%dma_wait3A_77 : memref<16x128xf32, #tpu.memory_space<hbm>>)
        tpu.yield
      }) : () -> ()
    } else {
    }
    return
  }
}

module attributes {stable_mosaic.version = 14 : i64} {
  func.func @body(%arg0: memref<10000x128xf32, #tpu.memory_space<vmem>>, %arg1: memref<20000x128xf32, #tpu.memory_space<vmem>>, %arg2: memref<128x128xf32, #tpu.memory_space<vmem>>, %arg3: memref<1x128xf32, #tpu.memory_space<vmem>>, %arg4: memref<1x128xf32, #tpu.memory_space<vmem>>, %arg5: memref<1x128xf32, #tpu.memory_space<vmem>>, %arg6: memref<128x128xf32, #tpu.memory_space<vmem>>, %arg7: memref<1x128xf32, #tpu.memory_space<vmem>>, %arg8: memref<1x128xf32, #tpu.memory_space<vmem>>, %arg9: memref<1x128xf32, #tpu.memory_space<vmem>>, %arg10: memref<1x128xf32, #tpu.memory_space<vmem>>, %arg11: memref<1x128xf32, #tpu.memory_space<vmem>>, %arg12: memref<10000x128xf32, #tpu.memory_space<vmem>>) attributes {dimension_semantics = [], scalar_prefetch = 0 : i64, scratch_operands = 0 : i64, tpu.core_type = #tpu.core_type<tc>} {
    %get3A = arith.constant 0 : index
    %get3A_0 = arith.constant 0 : index
    %get3A_1 = vector.load %arg1[%get3A, %get3A_0] : memref<20000x128xf32, #tpu.memory_space<vmem>>, vector<10000x128xf32>
    %get3A_2 = arith.constant 10000 : index
    %get3A_3 = arith.constant 0 : index
    %get3A_4 = vector.load %arg1[%get3A_2, %get3A_3] : memref<20000x128xf32, #tpu.memory_space<vmem>>, vector<10000x128xf32>
    %add3A = arith.addf %get3A_1, %get3A_4 : vector<10000x128xf32>
    %get3A_5 = arith.constant 0 : index
    %get3A_6 = arith.constant 0 : index
    %get3A_7 = vector.load %arg0[%get3A_5, %get3A_6] : memref<10000x128xf32, #tpu.memory_space<vmem>>, vector<10000x128xf32>
    %sub3A = arith.subf %add3A, %get3A_7 : vector<10000x128xf32>
    %get3A_8 = arith.constant 0 : index
    %get3A_9 = arith.constant 0 : index
    %get3A_10 = vector.load %arg2[%get3A_8, %get3A_9] : memref<128x128xf32, #tpu.memory_space<vmem>>, vector<128x128xf32>
    %dot_general3A = arith.constant dense<0.000000e+00> : vector<10000x128xf32>
    %dot_general3A_11 = tpu.matmul %sub3A, %get3A_10, %dot_general3A {dimension_numbers = #tpu.dot_dimension_numbers<[1], [0], [0], [1], [0, 0, 1, 1], [], []>, transpose_lhs_hint = false} : vector<10000x128xf32>, vector<128x128xf32>, vector<10000x128xf32> -> vector<10000x128xf32>
    %get3A_12 = arith.constant 0 : index
    %get3A_13 = arith.constant 0 : index
    %get3A_14 = vector.load %arg3[%get3A_12, %get3A_13] : memref<1x128xf32, #tpu.memory_space<vmem>>, vector<1x128xf32>
    %add3A_15 = vector.broadcast %get3A_14 : vector<1x128xf32> to vector<10000x128xf32>
    %add3A_16 = arith.addf %dot_general3A_11, %add3A_15 : vector<10000x128xf32>
    %max3A = arith.constant 0.000000e+00 : f32
    %max3A_17 = vector.broadcast %max3A : f32 to vector<10000x128xf32>
    %max3A_18 = arith.maximumf %add3A_16, %max3A_17 : vector<10000x128xf32>
    %get3A_19 = arith.constant 0 : index
    %get3A_20 = arith.constant 0 : index
    %get3A_21 = vector.load %arg4[%get3A_19, %get3A_20] : memref<1x128xf32, #tpu.memory_space<vmem>>, vector<1x128xf32>
    %get3A_22 = arith.constant 0 : index
    %get3A_23 = arith.constant 0 : index
    %get3A_24 = vector.load %arg5[%get3A_22, %get3A_23] : memref<1x128xf32, #tpu.memory_space<vmem>>, vector<1x128xf32>
    %reduce_sum3A = arith.constant dense<0.000000e+00> : vector<128xf32>
    %reduce_sum3A_25 = vector.multi_reduction <add>, %max3A_18, %reduce_sum3A [0] : vector<10000x128xf32> to vector<128xf32>
    %broadcast_in_dim3A = vector.shape_cast %reduce_sum3A_25 : vector<128xf32> to vector<1x128xf32>
    %div3A = arith.constant 1.000000e+04 : f32
    %div3A_26 = vector.broadcast %div3A : f32 to vector<1x128xf32>
    %div3A_27 = arith.divf %broadcast_in_dim3A, %div3A_26 : vector<1x128xf32>
    %sub3A_28 = vector.broadcast %div3A_27 : vector<1x128xf32> to vector<10000x128xf32>
    %sub3A_29 = arith.subf %max3A_18, %sub3A_28 : vector<10000x128xf32>
    %sub3A_30 = vector.broadcast %div3A_27 : vector<1x128xf32> to vector<10000x128xf32>
    %sub3A_31 = arith.subf %max3A_18, %sub3A_30 : vector<10000x128xf32>
    %mul3A = arith.mulf %sub3A_29, %sub3A_31 : vector<10000x128xf32>
    %reduce_sum3A_32 = arith.constant dense<0.000000e+00> : vector<128xf32>
    %reduce_sum3A_33 = vector.multi_reduction <add>, %mul3A, %reduce_sum3A_32 [0] : vector<10000x128xf32> to vector<128xf32>
    %broadcast_in_dim3A_34 = vector.shape_cast %reduce_sum3A_33 : vector<128xf32> to vector<1x128xf32>
    %div3A_35 = arith.constant 1.000000e+04 : f32
    %div3A_36 = vector.broadcast %div3A_35 : f32 to vector<1x128xf32>
    %div3A_37 = arith.divf %broadcast_in_dim3A_34, %div3A_36 : vector<1x128xf32>
    %sub3A_38 = vector.broadcast %div3A_27 : vector<1x128xf32> to vector<10000x128xf32>
    %sub3A_39 = arith.subf %max3A_18, %sub3A_38 : vector<10000x128xf32>
    %add3A_40 = arith.constant 9.99999974E-6 : f32
    %add3A_41 = vector.broadcast %add3A_40 : f32 to vector<1x128xf32>
    %add3A_42 = arith.addf %div3A_37, %add3A_41 : vector<1x128xf32>
    %sqrt3A = math.sqrt %add3A_42 : vector<1x128xf32>
    %div3A_43 = vector.broadcast %sqrt3A : vector<1x128xf32> to vector<10000x128xf32>
    %div3A_44 = arith.divf %sub3A_39, %div3A_43 : vector<10000x128xf32>
    %mul3A_45 = vector.broadcast %get3A_21 : vector<1x128xf32> to vector<10000x128xf32>
    %mul3A_46 = arith.mulf %div3A_44, %mul3A_45 : vector<10000x128xf32>
    %add3A_47 = vector.broadcast %get3A_24 : vector<1x128xf32> to vector<10000x128xf32>
    %add3A_48 = arith.addf %mul3A_46, %add3A_47 : vector<10000x128xf32>
    %get3A_49 = arith.constant 0 : index
    %get3A_50 = arith.constant 0 : index
    %get3A_51 = vector.load %arg6[%get3A_49, %get3A_50] : memref<128x128xf32, #tpu.memory_space<vmem>>, vector<128x128xf32>
    %dot_general3A_52 = arith.constant dense<0.000000e+00> : vector<10000x128xf32>
    %dot_general3A_53 = tpu.matmul %add3A_48, %get3A_51, %dot_general3A_52 {dimension_numbers = #tpu.dot_dimension_numbers<[1], [0], [0], [1], [0, 0, 1, 1], [], []>, transpose_lhs_hint = false} : vector<10000x128xf32>, vector<128x128xf32>, vector<10000x128xf32> -> vector<10000x128xf32>
    %get3A_54 = arith.constant 0 : index
    %get3A_55 = arith.constant 0 : index
    %get3A_56 = vector.load %arg7[%get3A_54, %get3A_55] : memref<1x128xf32, #tpu.memory_space<vmem>>, vector<1x128xf32>
    %add3A_57 = vector.broadcast %get3A_56 : vector<1x128xf32> to vector<10000x128xf32>
    %add3A_58 = arith.addf %dot_general3A_53, %add3A_57 : vector<10000x128xf32>
    %max3A_59 = arith.constant 0.000000e+00 : f32
    %max3A_60 = vector.broadcast %max3A_59 : f32 to vector<10000x128xf32>
    %max3A_61 = arith.maximumf %add3A_58, %max3A_60 : vector<10000x128xf32>
    %get3A_62 = arith.constant 0 : index
    %get3A_63 = arith.constant 0 : index
    %get3A_64 = vector.load %arg8[%get3A_62, %get3A_63] : memref<1x128xf32, #tpu.memory_space<vmem>>, vector<1x128xf32>
    %get3A_65 = arith.constant 0 : index
    %get3A_66 = arith.constant 0 : index
    %get3A_67 = vector.load %arg9[%get3A_65, %get3A_66] : memref<1x128xf32, #tpu.memory_space<vmem>>, vector<1x128xf32>
    %reduce_sum3A_68 = arith.constant dense<0.000000e+00> : vector<128xf32>
    %reduce_sum3A_69 = vector.multi_reduction <add>, %max3A_61, %reduce_sum3A_68 [0] : vector<10000x128xf32> to vector<128xf32>
    %broadcast_in_dim3A_70 = vector.shape_cast %reduce_sum3A_69 : vector<128xf32> to vector<1x128xf32>
    %div3A_71 = arith.constant 1.000000e+04 : f32
    %div3A_72 = vector.broadcast %div3A_71 : f32 to vector<1x128xf32>
    %div3A_73 = arith.divf %broadcast_in_dim3A_70, %div3A_72 : vector<1x128xf32>
    %sub3A_74 = vector.broadcast %div3A_73 : vector<1x128xf32> to vector<10000x128xf32>
    %sub3A_75 = arith.subf %max3A_61, %sub3A_74 : vector<10000x128xf32>
    %sub3A_76 = vector.broadcast %div3A_73 : vector<1x128xf32> to vector<10000x128xf32>
    %sub3A_77 = arith.subf %max3A_61, %sub3A_76 : vector<10000x128xf32>
    %mul3A_78 = arith.mulf %sub3A_75, %sub3A_77 : vector<10000x128xf32>
    %reduce_sum3A_79 = arith.constant dense<0.000000e+00> : vector<128xf32>
    %reduce_sum3A_80 = vector.multi_reduction <add>, %mul3A_78, %reduce_sum3A_79 [0] : vector<10000x128xf32> to vector<128xf32>
    %broadcast_in_dim3A_81 = vector.shape_cast %reduce_sum3A_80 : vector<128xf32> to vector<1x128xf32>
    %div3A_82 = arith.constant 1.000000e+04 : f32
    %div3A_83 = vector.broadcast %div3A_82 : f32 to vector<1x128xf32>
    %div3A_84 = arith.divf %broadcast_in_dim3A_81, %div3A_83 : vector<1x128xf32>
    %sub3A_85 = vector.broadcast %div3A_73 : vector<1x128xf32> to vector<10000x128xf32>
    %sub3A_86 = arith.subf %max3A_61, %sub3A_85 : vector<10000x128xf32>
    %add3A_87 = arith.constant 9.99999974E-6 : f32
    %add3A_88 = vector.broadcast %add3A_87 : f32 to vector<1x128xf32>
    %add3A_89 = arith.addf %div3A_84, %add3A_88 : vector<1x128xf32>
    %sqrt3A_90 = math.sqrt %add3A_89 : vector<1x128xf32>
    %div3A_91 = vector.broadcast %sqrt3A_90 : vector<1x128xf32> to vector<10000x128xf32>
    %div3A_92 = arith.divf %sub3A_86, %div3A_91 : vector<10000x128xf32>
    %mul3A_93 = vector.broadcast %get3A_64 : vector<1x128xf32> to vector<10000x128xf32>
    %mul3A_94 = arith.mulf %div3A_92, %mul3A_93 : vector<10000x128xf32>
    %add3A_95 = vector.broadcast %get3A_67 : vector<1x128xf32> to vector<10000x128xf32>
    %add3A_96 = arith.addf %mul3A_94, %add3A_95 : vector<10000x128xf32>
    %get3A_97 = arith.constant 0 : index
    %get3A_98 = arith.constant 0 : index
    %get3A_99 = vector.load %arg10[%get3A_97, %get3A_98] : memref<1x128xf32, #tpu.memory_space<vmem>>, vector<1x128xf32>
    %get3A_100 = arith.constant 0 : index
    %get3A_101 = arith.constant 0 : index
    %get3A_102 = vector.load %arg11[%get3A_100, %get3A_101] : memref<1x128xf32, #tpu.memory_space<vmem>>, vector<1x128xf32>
    %reduce_sum3A_103 = arith.constant dense<0.000000e+00> : vector<128xf32>
    %reduce_sum3A_104 = vector.multi_reduction <add>, %add3A_96, %reduce_sum3A_103 [0] : vector<10000x128xf32> to vector<128xf32>
    %broadcast_in_dim3A_105 = vector.shape_cast %reduce_sum3A_104 : vector<128xf32> to vector<1x128xf32>
    %div3A_106 = arith.constant 1.000000e+04 : f32
    %div3A_107 = vector.broadcast %div3A_106 : f32 to vector<1x128xf32>
    %div3A_108 = arith.divf %broadcast_in_dim3A_105, %div3A_107 : vector<1x128xf32>
    %sub3A_109 = vector.broadcast %div3A_108 : vector<1x128xf32> to vector<10000x128xf32>
    %sub3A_110 = arith.subf %add3A_96, %sub3A_109 : vector<10000x128xf32>
    %sub3A_111 = vector.broadcast %div3A_108 : vector<1x128xf32> to vector<10000x128xf32>
    %sub3A_112 = arith.subf %add3A_96, %sub3A_111 : vector<10000x128xf32>
    %mul3A_113 = arith.mulf %sub3A_110, %sub3A_112 : vector<10000x128xf32>
    %reduce_sum3A_114 = arith.constant dense<0.000000e+00> : vector<128xf32>
    %reduce_sum3A_115 = vector.multi_reduction <add>, %mul3A_113, %reduce_sum3A_114 [0] : vector<10000x128xf32> to vector<128xf32>
    %broadcast_in_dim3A_116 = vector.shape_cast %reduce_sum3A_115 : vector<128xf32> to vector<1x128xf32>
    %div3A_117 = arith.constant 1.000000e+04 : f32
    %div3A_118 = vector.broadcast %div3A_117 : f32 to vector<1x128xf32>
    %div3A_119 = arith.divf %broadcast_in_dim3A_116, %div3A_118 : vector<1x128xf32>
    %sub3A_120 = vector.broadcast %div3A_108 : vector<1x128xf32> to vector<10000x128xf32>
    %sub3A_121 = arith.subf %add3A_96, %sub3A_120 : vector<10000x128xf32>
    %add3A_122 = arith.constant 9.99999974E-6 : f32
    %add3A_123 = vector.broadcast %add3A_122 : f32 to vector<1x128xf32>
    %add3A_124 = arith.addf %div3A_119, %add3A_123 : vector<1x128xf32>
    %sqrt3A_125 = math.sqrt %add3A_124 : vector<1x128xf32>
    %div3A_126 = vector.broadcast %sqrt3A_125 : vector<1x128xf32> to vector<10000x128xf32>
    %div3A_127 = arith.divf %sub3A_121, %div3A_126 : vector<10000x128xf32>
    %mul3A_128 = vector.broadcast %get3A_99 : vector<1x128xf32> to vector<10000x128xf32>
    %mul3A_129 = arith.mulf %div3A_127, %mul3A_128 : vector<10000x128xf32>
    %add3A_130 = vector.broadcast %get3A_102 : vector<1x128xf32> to vector<10000x128xf32>
    %add3A_131 = arith.addf %mul3A_129, %add3A_130 : vector<10000x128xf32>
    %swap3A = arith.constant 0 : index
    %swap3A_132 = arith.constant 0 : index
    %swap3A_133 = vector.load %arg12[%swap3A, %swap3A_132] : memref<10000x128xf32, #tpu.memory_space<vmem>>, vector<10000x128xf32>
    tpu.vector_store %arg12[%swap3A, %swap3A_132], %add3A_131 {strides = array<i32>} : memref<10000x128xf32, #tpu.memory_space<vmem>>, vector<10000x128xf32>,
    return
  }
}

module attributes {stable_mosaic.version = 14 : i64} {
  func.func @body(%arg0: memref<10000x128xf32, #tpu.memory_space<vmem>>, %arg1: memref<20000x128xf32, #tpu.memory_space<vmem>>, %arg2: memref<128x128xf32, #tpu.memory_space<vmem>>, %arg3: memref<1x128xf32, #tpu.memory_space<vmem>>, %arg4: memref<1x128xf32, #tpu.memory_space<vmem>>, %arg5: memref<1x128xf32, #tpu.memory_space<vmem>>, %arg6: memref<128x128xf32, #tpu.memory_space<vmem>>, %arg7: memref<1x128xf32, #tpu.memory_space<vmem>>, %arg8: memref<1x128xf32, #tpu.memory_space<vmem>>, %arg9: memref<1x128xf32, #tpu.memory_space<vmem>>, %arg10: memref<1x10000xi32, #tpu.memory_space<vmem>>, %arg11: memref<128x1xf32, #tpu.memory_space<vmem>>, %arg12: memref<1x1xf32, #tpu.memory_space<vmem>>, %arg13: memref<128x1xf32, #tpu.memory_space<vmem>>) attributes {dimension_semantics = [], scalar_prefetch = 0 : i64, scratch_operands = 0 : i64, tpu.core_type = #tpu.core_type<tc>} {
    %get3A = arith.constant 0 : index
    %get3A_0 = arith.constant 0 : index
    %get3A_1 = vector.load %arg1[%get3A, %get3A_0] : memref<20000x128xf32, #tpu.memory_space<vmem>>, vector<10000x128xf32>
    %get3A_2 = arith.constant 10000 : index
    %get3A_3 = arith.constant 0 : index
    %get3A_4 = vector.load %arg1[%get3A_2, %get3A_3] : memref<20000x128xf32, #tpu.memory_space<vmem>>, vector<10000x128xf32>
    %add3A = arith.addf %get3A_1, %get3A_4 : vector<10000x128xf32>
    %get3A_5 = arith.constant 0 : index
    %get3A_6 = arith.constant 0 : index
    %get3A_7 = vector.load %arg0[%get3A_5, %get3A_6] : memref<10000x128xf32, #tpu.memory_space<vmem>>, vector<10000x128xf32>
    %sub3A = arith.subf %add3A, %get3A_7 : vector<10000x128xf32>
    %get3A_8 = arith.constant 0 : index
    %get3A_9 = arith.constant 0 : index
    %get3A_10 = vector.load %arg2[%get3A_8, %get3A_9] : memref<128x128xf32, #tpu.memory_space<vmem>>, vector<128x128xf32>
    %dot_general3A = arith.constant dense<0.000000e+00> : vector<10000x128xf32>
    %dot_general3A_11 = tpu.matmul %sub3A, %get3A_10, %dot_general3A {dimension_numbers = #tpu.dot_dimension_numbers<[1], [0], [0], [1], [0, 0, 1, 1], [], []>, transpose_lhs_hint = false} : vector<10000x128xf32>, vector<128x128xf32>, vector<10000x128xf32> -> vector<10000x128xf32>
    %get3A_12 = arith.constant 0 : index
    %get3A_13 = arith.constant 0 : index
    %get3A_14 = vector.load %arg3[%get3A_12, %get3A_13] : memref<1x128xf32, #tpu.memory_space<vmem>>, vector<1x128xf32>
    %add3A_15 = vector.broadcast %get3A_14 : vector<1x128xf32> to vector<10000x128xf32>
    %add3A_16 = arith.addf %dot_general3A_11, %add3A_15 : vector<10000x128xf32>
    %max3A = arith.constant 0.000000e+00 : f32
    %max3A_17 = vector.broadcast %max3A : f32 to vector<10000x128xf32>
    %max3A_18 = arith.maximumf %add3A_16, %max3A_17 : vector<10000x128xf32>
    %get3A_19 = arith.constant 0 : index
    %get3A_20 = arith.constant 0 : index
    %get3A_21 = vector.load %arg4[%get3A_19, %get3A_20] : memref<1x128xf32, #tpu.memory_space<vmem>>, vector<1x128xf32>
    %get3A_22 = arith.constant 0 : index
    %get3A_23 = arith.constant 0 : index
    %get3A_24 = vector.load %arg5[%get3A_22, %get3A_23] : memref<1x128xf32, #tpu.memory_space<vmem>>, vector<1x128xf32>
    %reduce_sum3A = arith.constant dense<0.000000e+00> : vector<128xf32>
    %reduce_sum3A_25 = vector.multi_reduction <add>, %max3A_18, %reduce_sum3A [0] : vector<10000x128xf32> to vector<128xf32>
    %broadcast_in_dim3A = vector.shape_cast %reduce_sum3A_25 : vector<128xf32> to vector<1x128xf32>
    %div3A = arith.constant 1.000000e+04 : f32
    %div3A_26 = vector.broadcast %div3A : f32 to vector<1x128xf32>
    %div3A_27 = arith.divf %broadcast_in_dim3A, %div3A_26 : vector<1x128xf32>
    %sub3A_28 = vector.broadcast %div3A_27 : vector<1x128xf32> to vector<10000x128xf32>
    %sub3A_29 = arith.subf %max3A_18, %sub3A_28 : vector<10000x128xf32>
    %sub3A_30 = vector.broadcast %div3A_27 : vector<1x128xf32> to vector<10000x128xf32>
    %sub3A_31 = arith.subf %max3A_18, %sub3A_30 : vector<10000x128xf32>
    %mul3A = arith.mulf %sub3A_29, %sub3A_31 : vector<10000x128xf32>
    %reduce_sum3A_32 = arith.constant dense<0.000000e+00> : vector<128xf32>
    %reduce_sum3A_33 = vector.multi_reduction <add>, %mul3A, %reduce_sum3A_32 [0] : vector<10000x128xf32> to vector<128xf32>
    %broadcast_in_dim3A_34 = vector.shape_cast %reduce_sum3A_33 : vector<128xf32> to vector<1x128xf32>
    %div3A_35 = arith.constant 1.000000e+04 : f32
    %div3A_36 = vector.broadcast %div3A_35 : f32 to vector<1x128xf32>
    %div3A_37 = arith.divf %broadcast_in_dim3A_34, %div3A_36 : vector<1x128xf32>
    %sub3A_38 = vector.broadcast %div3A_27 : vector<1x128xf32> to vector<10000x128xf32>
    %sub3A_39 = arith.subf %max3A_18, %sub3A_38 : vector<10000x128xf32>
    %add3A_40 = arith.constant 9.99999974E-6 : f32
    %add3A_41 = vector.broadcast %add3A_40 : f32 to vector<1x128xf32>
    %add3A_42 = arith.addf %div3A_37, %add3A_41 : vector<1x128xf32>
    %sqrt3A = math.sqrt %add3A_42 : vector<1x128xf32>
    %div3A_43 = vector.broadcast %sqrt3A : vector<1x128xf32> to vector<10000x128xf32>
    %div3A_44 = arith.divf %sub3A_39, %div3A_43 : vector<10000x128xf32>
    %mul3A_45 = vector.broadcast %get3A_21 : vector<1x128xf32> to vector<10000x128xf32>
    %mul3A_46 = arith.mulf %div3A_44, %mul3A_45 : vector<10000x128xf32>
    %add3A_47 = vector.broadcast %get3A_24 : vector<1x128xf32> to vector<10000x128xf32>
    %add3A_48 = arith.addf %mul3A_46, %add3A_47 : vector<10000x128xf32>
    %get3A_49 = arith.constant 0 : index
    %get3A_50 = arith.constant 0 : index
    %get3A_51 = vector.load %arg6[%get3A_49, %get3A_50] : memref<128x128xf32, #tpu.memory_space<vmem>>, vector<128x128xf32>
    %dot_general3A_52 = arith.constant dense<0.000000e+00> : vector<10000x128xf32>
    %dot_general3A_53 = tpu.matmul %add3A_48, %get3A_51, %dot_general3A_52 {dimension_numbers = #tpu.dot_dimension_numbers<[1], [0], [0], [1], [0, 0, 1, 1], [], []>, transpose_lhs_hint = false} : vector<10000x128xf32>, vector<128x128xf32>, vector<10000x128xf32> -> vector<10000x128xf32>
    %get3A_54 = arith.constant 0 : index
    %get3A_55 = arith.constant 0 : index
    %get3A_56 = vector.load %arg7[%get3A_54, %get3A_55] : memref<1x128xf32, #tpu.memory_space<vmem>>, vector<1x128xf32>
    %add3A_57 = vector.broadcast %get3A_56 : vector<1x128xf32> to vector<10000x128xf32>
    %add3A_58 = arith.addf %dot_general3A_53, %add3A_57 : vector<10000x128xf32>
    %max3A_59 = arith.constant 0.000000e+00 : f32
    %max3A_60 = vector.broadcast %max3A_59 : f32 to vector<10000x128xf32>
    %max3A_61 = arith.maximumf %add3A_58, %max3A_60 : vector<10000x128xf32>
    %get3A_62 = arith.constant 0 : index
    %get3A_63 = arith.constant 0 : index
    %get3A_64 = vector.load %arg8[%get3A_62, %get3A_63] : memref<1x128xf32, #tpu.memory_space<vmem>>, vector<1x128xf32>
    %get3A_65 = arith.constant 0 : index
    %get3A_66 = arith.constant 0 : index
    %get3A_67 = vector.load %arg9[%get3A_65, %get3A_66] : memref<1x128xf32, #tpu.memory_space<vmem>>, vector<1x128xf32>
    %reduce_sum3A_68 = arith.constant dense<0.000000e+00> : vector<128xf32>
    %reduce_sum3A_69 = vector.multi_reduction <add>, %max3A_61, %reduce_sum3A_68 [0] : vector<10000x128xf32> to vector<128xf32>
    %broadcast_in_dim3A_70 = vector.shape_cast %reduce_sum3A_69 : vector<128xf32> to vector<1x128xf32>
    %div3A_71 = arith.constant 1.000000e+04 : f32
    %div3A_72 = vector.broadcast %div3A_71 : f32 to vector<1x128xf32>
    %div3A_73 = arith.divf %broadcast_in_dim3A_70, %div3A_72 : vector<1x128xf32>
    %sub3A_74 = vector.broadcast %div3A_73 : vector<1x128xf32> to vector<10000x128xf32>
    %sub3A_75 = arith.subf %max3A_61, %sub3A_74 : vector<10000x128xf32>
    %sub3A_76 = vector.broadcast %div3A_73 : vector<1x128xf32> to vector<10000x128xf32>
    %sub3A_77 = arith.subf %max3A_61, %sub3A_76 : vector<10000x128xf32>
    %mul3A_78 = arith.mulf %sub3A_75, %sub3A_77 : vector<10000x128xf32>
    %reduce_sum3A_79 = arith.constant dense<0.000000e+00> : vector<128xf32>
    %reduce_sum3A_80 = vector.multi_reduction <add>, %mul3A_78, %reduce_sum3A_79 [0] : vector<10000x128xf32> to vector<128xf32>
    %broadcast_in_dim3A_81 = vector.shape_cast %reduce_sum3A_80 : vector<128xf32> to vector<1x128xf32>
    %div3A_82 = arith.constant 1.000000e+04 : f32
    %div3A_83 = vector.broadcast %div3A_82 : f32 to vector<1x128xf32>
    %div3A_84 = arith.divf %broadcast_in_dim3A_81, %div3A_83 : vector<1x128xf32>
    %sub3A_85 = vector.broadcast %div3A_73 : vector<1x128xf32> to vector<10000x128xf32>
    %sub3A_86 = arith.subf %max3A_61, %sub3A_85 : vector<10000x128xf32>
    %add3A_87 = arith.constant 9.99999974E-6 : f32
    %add3A_88 = vector.broadcast %add3A_87 : f32 to vector<1x128xf32>
    %add3A_89 = arith.addf %div3A_84, %add3A_88 : vector<1x128xf32>
    %sqrt3A_90 = math.sqrt %add3A_89 : vector<1x128xf32>
    %div3A_91 = vector.broadcast %sqrt3A_90 : vector<1x128xf32> to vector<10000x128xf32>
    %div3A_92 = arith.divf %sub3A_86, %div3A_91 : vector<10000x128xf32>
    %mul3A_93 = vector.broadcast %get3A_64 : vector<1x128xf32> to vector<10000x128xf32>
    %mul3A_94 = arith.mulf %div3A_92, %mul3A_93 : vector<10000x128xf32>
    %add3A_95 = vector.broadcast %get3A_67 : vector<1x128xf32> to vector<10000x128xf32>
    %add3A_96 = arith.addf %mul3A_94, %add3A_95 : vector<10000x128xf32>
    %iota3A = tpu.iota {dimensions = array<i32: 0>} : vector<128x10000xi32>
    %get3A_97 = arith.constant 0 : index
    %get3A_98 = arith.constant 0 : index
    %get3A_99 = vector.load %arg10[%get3A_97, %get3A_98] : memref<1x10000xi32, #tpu.memory_space<vmem>>, vector<1x10000xi32>
    %eq3A = vector.broadcast %get3A_99 : vector<1x10000xi32> to vector<128x10000xi32>
    %eq3A_100 = arith.cmpi eq, %iota3A, %eq3A : vector<128x10000xi32>
    %convert_element_type3A = arith.extui %eq3A_100 : vector<128x10000xi1> to vector<128x10000xi32>
    %convert_element_type3A_101 = arith.sitofp %convert_element_type3A : vector<128x10000xi32> to vector<128x10000xf32>
    %dot_general3A_102 = arith.constant dense<0.000000e+00> : vector<128x128xf32>
    %dot_general3A_103 = tpu.matmul %convert_element_type3A_101, %add3A_96, %dot_general3A_102 {dimension_numbers = #tpu.dot_dimension_numbers<[1], [0], [0], [1], [0, 0, 1, 1], [], []>, transpose_lhs_hint = false} : vector<128x10000xf32>, vector<10000x128xf32>, vector<128x128xf32> -> vector<128x128xf32>
    %get3A_104 = arith.constant 0 : index
    %get3A_105 = arith.constant 0 : index
    %get3A_106 = vector.load %arg11[%get3A_104, %get3A_105] : memref<128x1xf32, #tpu.memory_space<vmem>>, vector<128x1xf32>
    %dot_general3A_107 = arith.constant dense<0.000000e+00> : vector<128x1xf32>
    %dot_general3A_108 = tpu.matmul %dot_general3A_103, %get3A_106, %dot_general3A_107 {dimension_numbers = #tpu.dot_dimension_numbers<[1], [0], [0], [1], [0, 0, 1, 1], [], []>, transpose_lhs_hint = false} : vector<128x128xf32>, vector<128x1xf32>, vector<128x1xf32> -> vector<128x1xf32>
    %get3A_109 = arith.constant 0 : index
    %get3A_110 = arith.constant 0 : index
    %get3A_111 = vector.load %arg12[%get3A_109, %get3A_110] : memref<1x1xf32, #tpu.memory_space<vmem>>, vector<1x1xf32>
    %add3A_112 = vector.broadcast %get3A_111 : vector<1x1xf32> to vector<128x1xf32>
    %add3A_113 = arith.addf %dot_general3A_108, %add3A_112 : vector<128x1xf32>
    %swap3A = arith.constant 0 : index
    %swap3A_114 = arith.constant 0 : index
    %swap3A_115 = vector.load %arg13[%swap3A, %swap3A_114] : memref<128x1xf32, #tpu.memory_space<vmem>>, vector<128x1xf32>
    tpu.vector_store %arg13[%swap3A, %swap3A_114], %add3A_113 {strides = array<i32>} : memref<128x1xf32, #tpu.memory_space<vmem>>, vector<128x1xf32>,
    return
  }
}

</mosaic_0001>

<sc_bundles>
// kernel: kernel.11.cloned.1.call-start
scs
__scs_entry_jumppad:
0x0: {  	(pc) =	sbr.rel $0x88, $3  }
0x1: {  	(tag) =	ssettag $0x0;
	lr =	simm.s32 $0x1  }
0x2: {  	[smem:$0x3F92] =	sst lr;
	_ =	strace $0xD0000000  }
0x3: {  	_ = 	snop  }
0x4: {  	_ = 	snop  }
0x5: {  	_ = 	snop  }
0x6: {  	_ = 	snop  }
0x7: {  	_ = 	snop  }
__scs_overlays_trampoline_lowered:
0x8: {  	[smem:$0x3FA1] =	sst s0  }
0x9: {  	[smem:$0x3FA2] =	sst s1  }
0xa: {  	[smem:$0x3FA3] =	sst s2  }
0xb: {  	[smem:$0x3FA4] =	sst s3  }
0xc: {  	[smem:$0x3FA5] =	sst s4  }
0xd: {  	[smem:$0x3FA6] =	sst s5  }
0xe: {  	[smem:$0x3FA7] =	sst s6  }
0xf: {  	[smem:$0x3FA8] =	sst s7  }
0x10: {  	[smem:$0x3FA9] =	sst s8  }
0x11: {  	[smem:$0x3FAA] =	sst s9;
	s0 =	simm.s32 @!p0 $0x0  }
0x12: {  	s1 =	sld [smem:$0x3F90];
	s0 =	simm.s32 @p0 $0x1  }
0x13: {  	[smem:$0x3FAB] =	sst s0;
	s0 =	simm.s32 @!p1 $0x0  }
0x14: {  	s2 =	sld [smem:$0x3F8F];
	s0 =	simm.s32 @p1 $0x1  }
0x15: {  	[smem:$0x3FAC] =	sst s0;
	s0 =	simm.s32 @!p2 $0x0  }
0x16: {  	s3 =	sld [smem:$0x3FDB];
	s0 =	simm.s32 @p2 $0x1  }
0x17: {  	s4 =	simm.s32 $0x1BF5;
	[smem:$0x3FAE] =	sst s0  }
0x18: {  	s0 =	sld [smem:$0x3F91];
	_ =	swait.ge [sflag:s4], $0x0  }
0x19: {  	s7 =	sld [smem:$0x3F92]  }
0x1a: {  	s8 =	sadd.s32 $0xFFFFE003, lr  }
0x1b: {  	s9 =	sadd.s32 $0xFFFFFEF7, lr;
	s5 =	simm.s32 $0xFFFFFFFF;
	p2 =	slt.u32 s8, $0xFFFFF086  }
0x1c: {  	p1 =	slt.u32 s9, $0xF7A;
	s5 =	simm.s32 @!p2 $0x0  }
0x1d: {  	s5 =	simm.s32 @p1 $0x1;
	p0 =	seq.s32 s7, s2  }
0x1e: {  	s7 =	smul.u32 @!p0 $0xF7A, s2;
	p2 =	seq.s32 @!p0 s5, $0x0  }
0x1f: {  	s9 =	smul.u32 $0xF7A, s1;
	s8 =	simm.s32 @!p0 $0x1BF5;
	p2 =	por !p2, p0  }
0x20: {  	[sflag:s8] =	ssyncset.s32 @!p0 $0xFFFFF086;
	s6 =	sadd.s32 @!p0 s3, s7;
	s7 =	simm.s32 @!p0 $0x108  }
0x21: {  	s3 =	sadd.s32 s3, s9;
	s6 =	sadd.s32 @!p0 $0x88, s6;
	s7 =	simm.s32 @p2 $0x1082  }
0x22: {  	[simem:s7], [sflag:s8] =	dma.local @!p0 [hbm:s6], $0xF7A  }
0x23: {  	s9 =	sor.u32 $0xD0000000, s2;
	s6 =	simm.s32 $0x108;
	_ =	swait.ge @!p0 [sflag:s8], $0x0  }
0x24: {  	s3 =	sadd.s32 $0x88, s3;
	s6 =	simm.s32 @!p1 $0x1082;
	[sflag:s4] =	ssyncset.s32 $0xFFFFF086  }
0x25: {  	[simem:s6], [sflag:s4] =	dma.local [hbm:s3], $0xF7A  }
0x26: {  	[smem:$0x3F92] =	sst s1;
	(tag) =	ssettag s2;
	_ =	strace s9  }
0x27: {  	s1 =	sld [smem:$0x3FA2]  }
0x28: {  	s2 =	sld [smem:$0x3FA3]  }
0x29: {  	s4 =	sld [smem:$0x3FA5]  }
0x2a: {  	p0 =	seq.s32 s5, $0x0;
	s5 =	sld [smem:$0x3FA6]  }
0x2b: {  	s6 =	sld [smem:$0x3FA7]  }
0x2c: {  	s7 =	sld [smem:$0x3FA8]  }
0x2d: {  	s3 =	simm.s32 $0x108;
	s8 =	sld [smem:$0x3FA9]  }
0x2e: {  	s3 =	simm.s32 @!p0 $0x1082;
	s9 =	sld [smem:$0x3FAA]  }
0x2f: {  	lr =	sadd.s32 s0, s3;
	s0 =	sld [smem:$0x3FA1]  }
0x30: {  	s3 =	sld [smem:$0x3FA4]  }
0x31: {  	[smem:$0x3FAD] =	sst s10  }
0x32: {  	s10 =	sld [smem:$0x3FAB];
	_ =	sdelay $0x3  }
0x33: {  	p0 =	seq.s32 s10, $0x1;
	s10 =	sld [smem:$0x3FAD];
	_ =	sdelay $0x3  }
0x34: {  	[smem:$0x3FAD] =	sst s10  }
0x35: {  	s10 =	sld [smem:$0x3FAC];
	_ =	sdelay $0x3  }
0x36: {  	p1 =	seq.s32 s10, $0x1;
	s10 =	sld [smem:$0x3FAD];
	_ =	sdelay $0x3  }
0x37: {  	[smem:$0x3FAD] =	sst s10  }
0x38: {  	s10 =	sld [smem:$0x3FAE]  }
0x39: {  	_ = 	snop;
	(pc) =	sbr.ind lr, $3  }
0x3a: {  	_ = 	snop  }
0x3b: {  	_ = 	snop  }
0x3c: {  	p2 =	seq.s32 s10, $0x1;
	s10 =	sld [smem:$0x3FAD]  }
0x3d: {  	_ =	shalt  }
0x3e: {  	_ =	shalt  }
0x3f: {  	_ =	shalt  }
0x40: {  	_ =	shalt  }
0x41: {  	_ =	shalt  }
0x42: {  	_ =	shalt  }
0x43: {  	_ =	shalt  }
0x44: {  	_ =	shalt  }
0x45: {  	_ =	shalt  }
0x46: {  	_ =	shalt  }
0x47: {  	_ =	shalt  }
0x48: {  	_ =	shalt  }
0x49: {  	_ =	shalt  }
0x4a: {  	_ =	shalt  }
0x4b: {  	_ =	shalt  }
0x4c: {  	_ =	shalt  }
0x4d: {  	_ =	shalt  }
0x4e: {  	_ =	shalt  }
0x4f: {  	_ =	shalt  }
0x50: {  	_ =	shalt  }
0x51: {  	_ =	shalt  }
0x52: {  	_ =	shalt  }
0x53: {  	_ =	shalt  }
0x54: {  	_ =	shalt  }
0x55: {  	_ =	shalt  }
0x56: {  	_ =	shalt  }
0x57: {  	_ =	shalt  }
0x58: {  	_ =	shalt  }
0x59: {  	_ =	shalt  }
0x5a: {  	_ =	shalt  }
0x5b: {  	_ =	shalt  }
0x5c: {  	_ =	shalt  }
0x5d: {  	_ =	shalt  }
0x5e: {  	_ =	shalt  }
0x5f: {  	_ =	shalt  }
0x60: {  	_ =	shalt  }
0x61: {  	_ =	shalt  }
0x62: {  	_ =	shalt  }
0x63: {  	_ =	shalt  }
0x64: {  	_ =	shalt  }
0x65: {  	_ =	shalt  }
0x66: {  	_ =	shalt  }
0x67: {  	_ =	shalt  }
0x68: {  	_ =	shalt  }
0x69: {  	_ =	shalt  }
0x6a: {  	_ =	shalt  }
0x6b: {  	_ =	shalt  }
0x6c: {  	_ =	shalt  }
0x6d: {  	_ =	shalt  }
0x6e: {  	_ =	shalt  }
0x6f: {  	_ =	shalt  }
0x70: {  	_ =	shalt  }
0x71: {  	_ =	shalt  }
0x72: {  	_ =	shalt  }
0x73: {  	_ =	shalt  }
0x74: {  	_ =	shalt  }
0x75: {  	_ =	shalt  }
0x76: {  	_ =	shalt  }
0x77: {  	_ =	shalt  }
0x78: {  	_ =	shalt  }
0x79: {  	_ =	shalt  }
0x7a: {  	_ =	shalt  }
0x7b: {  	_ =	shalt  }
0x7c: {  	_ =	shalt  }
0x7d: {  	_ =	shalt  }
0x7e: {  	_ =	shalt  }
0x7f: {  	_ =	shalt  }
0x80: {  	_ =	shalt  }
0x81: {  	_ =	shalt  }
0x82: {  	_ =	shalt  }
0x83: {  	_ =	shalt  }
0x84: {  	_ =	shalt  }
0x85: {  	_ =	shalt  }
0x86: {  	_ =	shalt  }
0x87: {  	_ =	shalt  }
.Lfunc_end0:
.L_simem_size_0:
called_computation.1_lowered:
.L_overlay_start_0:
0x88: {  	s2 =	sld [smem:$0x3FD9]  }
0x89: {  	s3 =	sld [smem:$0x3FFE];
	_ =	sdelay $0x1  }
0x8a: {  	s1 =	srdreg.scid  }
0x8b: {  	s0 =	sand.u32 $0x1, s1  }
0x8c: {  	s16 =	sshll.u32 s0, $0xA;
	s2 =	sadd.s32 s3, s2  }
0x8d: {  	s2 =	sadd.s32 s2, s16  }
0x8e: {  	[smem:$0x3FB9] =	sst s2  }
0x8f: {  	_ = 	snop  }
0x90: {  	(tm) =	ssettm $0x1  }
0x91: {  	s17 =	sld [smem:$0x3FFB];
	_ =	sdelay $0x3  }
0x92: {  	_ =	strace s17  }
0x93: {  	s2 =	sld [smem:$0x3FFC];
	_ =	sdelay $0x3  }
0x94: {  	_ =	strace s2  }
0x95: {  	s2 =	sld [smem:$0x3FFD];
	_ =	sdelay $0x3  }
0x96: {  	_ =	strace s2  }
0x97: {  	_ =	strace $0x8FFFFFFF  }
0x98: {  	s18 =	sld [smem:$0x3FDB];
	_ =	sdelay $0x1  }
0x99: {  	s19 =	simm.s32 $_scs_section_size  }
0x9a: {  	s4 =	simm.s32 $_size__tile_overlayer_lowered;
	s5 =	simm.s32 $_tile_overlayer_lowered  }
0x9b: {  	s22 =	simm.s32 $0x1BFF;
	s21 =	sshll.u32 s5, $0x1;
	s2 =	sadd.s32 s19, s18  }
0x9c: {  	s6 =	simm.s32 $0x0;
	s20 =	sshll.u32 s4, $0x1;
	s4 =	sadd.s32 s21, s2  }
0x9d: {  	[timem:s6], [sflag:s22] =	dma.local [hbm:s4], s20  }
0x9e: {  	_ =	swait.ge [sflag:s22], s20  }
0x9f: {  	s3 =	ssub.s32 $0x0, s20;
	[sflag:s22] =	ssyncset.done $0x0  }
0xa0: {  	[sflag:s22] =	ssyncadd.s32 s3;
	_ =	sdelay $0x1  }
0xa1: {  	s23 =	simm.s32 $0x1B8B  }
0xa2: {  	_ =	swait.ge [sflag:s23], $0x1  }
0xa3: {  	[sflag:s23] =	ssyncset.done $0x0  }
0xa4: {  	s25 =	simm.s32 $0x1B8E;
	s24 =	sld [smem:$0x3FFE];
	[sflag:s23] =	ssyncadd.s32 $0xFFFFFFFF  }
0xa5: {  	s26 =	simm.s32 $execute0_lowered;
	[smem:$0x3FD2] =	sst s25  }
0xa6: {  	s4 =	sshll.u32 s26, $0x1;
	_ =	strace $0x80000049;
	[dreg:$0x1] =	wrdreg $0xFFFFFFFF  }
0xa7: {  	s28 =	simm.s32 $_size_execute0_lowered;
	s2 =	sadd.s32 s2, s4;
	[dreg:$0x0] =	wrdreg $0x0  }
0xa8: {  	s4 =	sshll.u32 s28, $0x1;
	[dreg:$0x2] =	wrdreg s2  }
0xa9: {  	[dreg:$0x3] =	wrdreg s4  }
0xaa: {  	[dreg:$0x4] =	wrdreg $0xC0  }
0xab: {  	_ =	task [dreg:s6], $0x5FFFF  }
0xac: {  	[dreg:$0x1] =	wrdreg $0xFFFFFFFF  }
0xad: {  	[dreg:$0x0] =	wrdreg $0x60  }
0xae: {  	[dreg:$0x2] =	wrdreg s24  }
0xaf: {  	[dreg:$0x3] =	wrdreg $0xA8000  }
0xb0: {  	[dreg:$0x4] =	wrdreg $0x9  }
0xb1: {  	_ =	task.clear_ibuf [dreg:s6], $0x5FFFF;
	_ =	strace $0x90000049  }
0xb2: {  	s29 =	simm.s32 $0x9;
	_ =	strace $0x8000004B  }
0xb3: {  	_ =	swait.ge [sflag:s29], $0x1  }
0xb4: {  	[sflag:s29] =	ssyncadd.s32 $0xFFFFFFFF  }
0xb5: {  	_ =	strace $0x9000004B  }
0xb6: {  	_ =	sfence  }
0xb7: {  	s30 =	sld [smem:$0x0];
	_ =	sdelay $0x2  }
0xb8: {  	s31 =	sshll.u32 s1, $0xD;
	s1 =	sshrl.u32 s1, $0x2  }
0xb9: {  	s3 =	sand.u32 $0x4000, s31;
	s1 =	sadd.s32 s1, s30  }
0xba: {  	s0 =	sor.u32 s3, s0;
	s1 =	sshll.u32 s1, $0x11  }
0xbb: {  	s0 =	sor.u32 s1, s0  }
0xbc: {  	s0 =	sadd.s32 $0x8F2B, s0  }
0xbd: {  	[sflag:s0] =	ssyncadd.remote.s32 $0x1  }
0xbe: {  	_ =	sfence.sel $0xFFFF  }
0xbf: {  	[dreg:$0x0] =	wrdreg $0xFFFFFFFF;
	(pc) =	sbr.abs _section_cstart, $3  }
0xc0: {  	[dreg:$0x1] =	wrdreg $0xFFFFFFFF  }
0xc1: {  	_ =	task.clear_ibuf [dreg:s6], $0x2FFFF;
	_ =	strace $0x9FFFFFFF  }
0xc2: {  	(tm) =	ssettm $0x7FFFFFFF  }
0xc3: {  	_ =	shalt  }
tec
execute0_lowered:
.L_overlay_start_1:
0x0: {  	(tag) =	ssettag $0x1  }
0x1: {  	s6 =	rddreg [dreg:$0x0]  }
0x2: {  	s1 =	rddreg [dreg:$0x1]  }
0x3: {  	s0 =	rddreg [dreg:$0x2]  }
0x4: {  	s2 =	simm.s32 $0x0;
	s4 =	srdreg.scid;
	s14 =	stileid.u32  }
0x5: {  	s21 =	simm.s32 $0x6800;
	s22 =	simm.s32 $0x1;
	s23 =	simm.s32 $0x2  }
0x6: {  	s24 =	simm.s32 $0x2700;
	s25 =	simm.s32 $0x2780;
	s26 =	simm.s32 $0x0  }
0x7: {  	[smem:$0x7FF] =	sst s2;
	s3 =	sadd.s32 $0x17C00, s6;
	s8 =	sand.u32 $0x1, s4  }
0x8: {  	s9 =	sadd.s32 $0x3C00, s6;
	s10 =	sadd.s32 $0xDC00, s6;
	s7 =	smul.u32 $0x4E000, s14  }
0x9: {  	s11 =	sadd.s32 $0x3EE00, s6;
	s28 =	sshll.u32 s14, $0x1;
	s15 =	smul.u32 $0x2700, s14  }
0xa: {  	s30 =	sshll.u32 s14, $0x6;
	s18 =	sadd.s32 $0x138000, s1;
	s6 =	sadd.s32 $0x3EC00, s6  }
0xb: {  	p0 =	sne.s32 s14, $0x0;
	_ =	strace $0x8000004A;
	s19 =	smul.u32 $0x138800, s8  }
0xc: {  	s4 =	ssub.s32 $0x2, s8;
	s12 =	sor.u32 s8, s28;
	s20 =	smul.u32 $0x27100, s8  }
0xd: {  	s5 =	sshrl.u32 s4, $0x1;
	s29 =	sshrl.u32 s7, $0x2;
	s17 =	smul.u32 $0x500, s12  }
0xe: {  	s12 =	smul.u32 $0x2800, s12;
	s13 =	ssub.s32 s4, s5;
	s16 =	sadd.s32 s29, s1  }
0xf: {  	s4 =	sadd.s32 s3, s15;
	s5 =	sor.u32 $0x1C03, s30;
	s31 =	sshrl.u32 s19, $0x3  }
0x10: {  	s15 =	sadd.s32 s15, s20;
	s19 =	simm.s32 $0x2800;
	s20 =	simm.s32 $0x80  }
0x11: {  	s7 =	sadd.s32 s9, s17;
	s12 =	sshrl.u32 s12, $0x3;
	s8 =	sadd.s32 s10, s17  }
0x12: {  	s17 =	sadd.s32 s11, s31;
	s11 =	sadd.s32 s11, s15;
	s13 =	smax.u32 s13, $0x1  }
0x13: {  	s14 =	sshrl.u32 s16, $0x3;
	s15 =	simm.s32 $0x3;
	s12 =	sadd.s32 $0x280, s12  }
0x14: {  	s16 =	sshrl.u32 @!p0 s18, $0x3;
	s18 =	simm.s32 $0x7D;
	s9 =	sadd.s32 s9, s12  }
0x15: {  	s10 =	sadd.s32 s10, s12;
	s12 =	sadd.s32 $0x27000, s17;
	s17 =	simm.s32 $0x1400  }
.LBB2_1:
0x16: {  	[spmem:s14], [sflag:s5] =	dma.local [hbm:s4], $0x2700  }
0x17: {  	_ =	swait.ge [sflag:s15], $0x2700  }
0x18: {  	[sflag:s15] =	ssyncset.done $0x0  }
0x19: {  	s28 =	simm.s32 @!p0 $0x3;
	[sflag:s15] =	ssyncadd.s32 $0xFFFFD900  }
0x1a: {  	[spmem:s16], [sflag:s5] =	dma.local @!p0 [hbm:s6], $0x100  }
0x1b: {  	_ =	swait.ge @!p0 [sflag:s28], $0x100  }
0x1c: {  	[sflag:s28] =	ssyncset.done @!p0 $0x0  }
0x1d: {  	[sflag:s28] =	ssyncadd.s32 @!p0 $0xFFFFFF00  }
0x1e: {  	[bflag:$0x0] =	sbarrier.arrive $0xFFFF  }
0x1f: {  	[tilespmem:s2], [sflag:$0x3] =	stream.linear.gather [hbm4b:s7+s2], $0x1400, $0x38;
	[tilespmem:$0x1E080] =	vst v63  }
0x20: {  	_ =	swait.ge [sflag:s15], $0x1400  }
0x21: {  	[sflag:s15] =	ssyncset.done $0x0  }
0x22: {  	[sflag:s15] =	ssyncadd.s32 $0xFFFFEC00  }
0x23: {  	[tilespmem:s17], [sflag:$0x3] =	stream.linear.gather [hbm4b:s8+s2], $0x1400, $0x38;
	[tilespmem:$0x1E080] =	vst v63  }
0x24: {  	_ =	swait.ge [sflag:s15], $0x1400  }
0x25: {  	[sflag:s15] =	ssyncset.done $0x0  }
0x26: {  	[sflag:s15] =	ssyncadd.s32 $0xFFFFEC00  }
0x27: {  	[tilespmem:s19], [sflag:$0x1] =	stream.indirect.gather [hbm4b:s3+s18], $0x80, s2, s18, $0xb8;
	[tilespmem:$0x1E080] =	vst v63  }
0x28: {  	_ = 	snop  }
0x29: {  	[tilespmem:s21], [sflag:$0x2] =	stream.indirect.gather [hbm4b:s3+s18], $0x80, s20, s18, $0xb8;
	[tilespmem:$0x1E080] =	vst v63  }
0x2a: {  	_ =	swait.ge [sflag:s22], $0x3E80  }
0x2b: {  	[sflag:s22] =	ssyncset.done $0x0  }
0x2c: {  	s28 =	simm.s32 $0x1400;
	[sflag:s22] =	ssyncadd.s32 $0xFFFFC180  }
0x2d: {  	[spmem:s1] =	stream.indirect.scatter.add.f32 [tilespmem:s19], [sflag:$0x3], $0x80, s28, s18, $0xb8;
	[tilespmem:$0x1E080] =	vst v63  }
0x2e: {  	_ =	swait.ge [sflag:s15], $0x3E80  }
0x2f: {  	[sflag:s15] =	ssyncset.done $0x0  }
0x30: {  	s28 =	simm.s32 $0x100;
	[sflag:s15] =	ssyncadd.s32 $0xFFFFC180  }
0x31: {  	[tilespmem:s19], [sflag:$0x1] =	stream.indirect.gather [hbm4b:s3+s18], $0x80, s28, s18, $0xb8;
	[tilespmem:$0x1E080] =	vst v63  }
0x32: {  	_ =	swait.ge [sflag:s23], $0x3E80  }
0x33: {  	[sflag:s23] =	ssyncset.done $0x0  }
0x34: {  	s28 =	simm.s32 $0x1480;
	[sflag:s23] =	ssyncadd.s32 $0xFFFFC180  }
0x35: {  	[spmem:s1] =	stream.indirect.scatter.add.f32 [tilespmem:s21], [sflag:$0x3], $0x80, s28, s18, $0xb8;
	[tilespmem:$0x1E080] =	vst v63  }
0x36: {  	_ =	swait.ge [sflag:s15], $0x3E80  }
0x37: {  	[sflag:s15] =	ssyncset.done $0x0  }
0x38: {  	s29 =	simm.s32 $0x180;
	s28 =	simm.s32 $0x400;
	[sflag:s15] =	ssyncadd.s32 $0xFFFFC180  }
.LBB2_2:
0x39: {  	[tilespmem:s21], [sflag:$0x2] =	stream.indirect.gather [hbm4b:s3+s18], $0x80, s29, s18, $0xb8;
	[tilespmem:$0x1E080] =	vst v63  }
0x3a: {  	s29 =	smov.u32 s28  }
0x3b: {  	p1 =	sne.s32 s28, $0x4800;
	s28 =	sadd.s32 $0x400, s28;
	_ =	swait.ge [sflag:s22], $0x3E80  }
0x3c: {  	s29 =	sshra.s32 s29, $0x2;
	[sflag:s22] =	ssyncset.done $0x0  }
0x3d: {  	s30 =	sadd.s32 $0x1400, s29;
	[sflag:s22] =	ssyncadd.s32 $0xFFFFC180  }
0x3e: {  	[spmem:s1] =	stream.indirect.scatter.add.f32 [tilespmem:s19], [sflag:$0x3], $0x80, s30, s18, $0xb8;
	[tilespmem:$0x1E080] =	vst v63  }
0x3f: {  	_ =	swait.ge [sflag:s15], $0x3E80  }
0x40: {  	[sflag:s15] =	ssyncset.done $0x0  }
0x41: {  	s30 =	sadd.s32 $0x100, s29;
	[sflag:s15] =	ssyncadd.s32 $0xFFFFC180  }
0x42: {  	[tilespmem:s19], [sflag:$0x1] =	stream.indirect.gather [hbm4b:s3+s18], $0x80, s30, s18, $0xb8;
	[tilespmem:$0x1E080] =	vst v63  }
0x43: {  	_ =	swait.ge [sflag:s23], $0x3E80  }
0x44: {  	[sflag:s23] =	ssyncset.done $0x0  }
.Ltmp0:
0x45: {  	s30 =	sadd.s32 $0x1480, s29;
	[sflag:s23] =	ssyncadd.s32 $0xFFFFC180;
	(pc) =	sbr.rel @p1 .LBB2_2-.Ltmp0, $4  }
0x46: {  	[spmem:s1] =	stream.indirect.scatter.add.f32 [tilespmem:s21], [sflag:$0x3], $0x80, s30, s18, $0xb8;
	[tilespmem:$0x1E080] =	vst v63  }
0x47: {  	_ =	swait.ge [sflag:s15], $0x3E80  }
0x48: {  	[sflag:s15] =	ssyncset.done $0x0  }
0x49: {  	s29 =	sadd.s32 $0x180, s29;
	[sflag:s15] =	ssyncadd.s32 $0xFFFFC180  }
0x4a: {  	[tilespmem:s21], [sflag:$0x2] =	stream.indirect.gather [hbm4b:s3+s18], $0x80, s29, s18, $0xb8;
	[tilespmem:$0x1E080] =	vst v63  }
0x4b: {  	_ =	swait.ge [sflag:s22], $0x3E80  }
0x4c: {  	[sflag:s22] =	ssyncset.done $0x0  }
0x4d: {  	[sflag:s22] =	ssyncadd.s32 $0xFFFFC180  }
0x4e: {  	[spmem:s1] =	stream.indirect.scatter.add.f32 [tilespmem:s19], [sflag:$0x3], $0x80, s24, s18, $0xb8;
	[tilespmem:$0x1E080] =	vst v63  }
0x4f: {  	_ =	swait.ge [sflag:s15], $0x3E80  }
0x50: {  	[sflag:s15] =	ssyncset.done $0x0  }
0x51: {  	[sflag:s15] =	ssyncadd.s32 $0xFFFFC180  }
0x52: {  	_ =	swait.ge [sflag:s23], $0x3E80  }
0x53: {  	[sflag:s23] =	ssyncset.done $0x0  }
0x54: {  	[sflag:s23] =	ssyncadd.s32 $0xFFFFC180  }
0x55: {  	[spmem:s1] =	stream.indirect.scatter.add.f32 [tilespmem:s21], [sflag:$0x3], $0x80, s25, s18, $0xb8;
	[tilespmem:$0x1E080] =	vst v63  }
0x56: {  	_ =	swait.ge [sflag:s15], $0x3E80  }
0x57: {  	[sflag:s15] =	ssyncset.done $0x0  }
0x58: {  	s28 =	simm.s32 $0x0;
	[sflag:s15] =	ssyncadd.s32 $0xFFFFC180  }
0x59: {  	[tilespmem:s28], [sflag:$0x3] =	stream.linear.gather [hbm4b:s9+s28], $0x1400, $0x38;
	[tilespmem:$0x1E080] =	vst v63  }
0x5a: {  	_ =	swait.ge [sflag:s15], $0x1400  }
0x5b: {  	[sflag:s15] =	ssyncset.done $0x0  }
0x5c: {  	[sflag:s15] =	ssyncadd.s32 $0xFFFFEC00  }
0x5d: {  	[tilespmem:s17], [sflag:$0x3] =	stream.linear.gather [hbm4b:s10+s28], $0x1400, $0x38;
	[tilespmem:$0x1E080] =	vst v63  }
0x5e: {  	_ =	swait.ge [sflag:s15], $0x1400  }
0x5f: {  	[sflag:s15] =	ssyncset.done $0x0  }
0x60: {  	[sflag:s15] =	ssyncadd.s32 $0xFFFFEC00  }
0x61: {  	[tilespmem:s19], [sflag:$0x1] =	stream.indirect.gather [hbm4b:s3+s18], $0x80, s28, s18, $0xb8;
	[tilespmem:$0x1E080] =	vst v63  }
0x62: {  	_ = 	snop  }
0x63: {  	[tilespmem:s21], [sflag:$0x2] =	stream.indirect.gather [hbm4b:s3+s18], $0x80, s20, s18, $0xb8;
	[tilespmem:$0x1E080] =	vst v63  }
0x64: {  	_ =	swait.ge [sflag:s22], $0x3E80  }
0x65: {  	[sflag:s22] =	ssyncset.done $0x0  }
0x66: {  	s28 =	simm.s32 $0x1400;
	[sflag:s22] =	ssyncadd.s32 $0xFFFFC180  }
0x67: {  	[spmem:s1] =	stream.indirect.scatter.add.f32 [tilespmem:s19], [sflag:$0x3], $0x80, s28, s18, $0xb8;
	[tilespmem:$0x1E080] =	vst v63  }
0x68: {  	_ =	swait.ge [sflag:s15], $0x3E80  }
0x69: {  	[sflag:s15] =	ssyncset.done $0x0  }
0x6a: {  	s28 =	simm.s32 $0x100;
	[sflag:s15] =	ssyncadd.s32 $0xFFFFC180  }
0x6b: {  	[tilespmem:s19], [sflag:$0x1] =	stream.indirect.gather [hbm4b:s3+s18], $0x80, s28, s18, $0xb8;
	[tilespmem:$0x1E080] =	vst v63  }
0x6c: {  	_ =	swait.ge [sflag:s23], $0x3E80  }
0x6d: {  	[sflag:s23] =	ssyncset.done $0x0  }
0x6e: {  	s28 =	simm.s32 $0x1480;
	[sflag:s23] =	ssyncadd.s32 $0xFFFFC180  }
0x6f: {  	[spmem:s1] =	stream.indirect.scatter.add.f32 [tilespmem:s21], [sflag:$0x3], $0x80, s28, s18, $0xb8;
	[tilespmem:$0x1E080] =	vst v63  }
0x70: {  	_ =	swait.ge [sflag:s15], $0x3E80  }
0x71: {  	[sflag:s15] =	ssyncset.done $0x0  }
0x72: {  	s29 =	simm.s32 $0x180;
	s28 =	simm.s32 $0x400;
	[sflag:s15] =	ssyncadd.s32 $0xFFFFC180  }
.LBB2_4:
0x73: {  	[tilespmem:s21], [sflag:$0x2] =	stream.indirect.gather [hbm4b:s3+s18], $0x80, s29, s18, $0xb8;
	[tilespmem:$0x1E080] =	vst v63  }
0x74: {  	s29 =	smov.u32 s28  }
0x75: {  	p1 =	sne.s32 s28, $0x4800;
	s28 =	sadd.s32 $0x400, s28;
	_ =	swait.ge [sflag:s22], $0x3E80  }
0x76: {  	s29 =	sshra.s32 s29, $0x2;
	[sflag:s22] =	ssyncset.done $0x0  }
0x77: {  	s30 =	sadd.s32 $0x1400, s29;
	[sflag:s22] =	ssyncadd.s32 $0xFFFFC180  }
0x78: {  	[spmem:s1] =	stream.indirect.scatter.add.f32 [tilespmem:s19], [sflag:$0x3], $0x80, s30, s18, $0xb8;
	[tilespmem:$0x1E080] =	vst v63  }
0x79: {  	_ =	swait.ge [sflag:s15], $0x3E80  }
0x7a: {  	[sflag:s15] =	ssyncset.done $0x0  }
0x7b: {  	s30 =	sadd.s32 $0x100, s29;
	[sflag:s15] =	ssyncadd.s32 $0xFFFFC180  }
0x7c: {  	[tilespmem:s19], [sflag:$0x1] =	stream.indirect.gather [hbm4b:s3+s18], $0x80, s30, s18, $0xb8;
	[tilespmem:$0x1E080] =	vst v63  }
0x7d: {  	_ =	swait.ge [sflag:s23], $0x3E80  }
0x7e: {  	[sflag:s23] =	ssyncset.done $0x0  }
.Ltmp1:
0x7f: {  	s30 =	sadd.s32 $0x1480, s29;
	[sflag:s23] =	ssyncadd.s32 $0xFFFFC180;
	(pc) =	sbr.rel @p1 .LBB2_4-.Ltmp1, $4  }
0x80: {  	[spmem:s1] =	stream.indirect.scatter.add.f32 [tilespmem:s21], [sflag:$0x3], $0x80, s30, s18, $0xb8;
	[tilespmem:$0x1E080] =	vst v63  }
0x81: {  	_ =	swait.ge [sflag:s15], $0x3E80  }
0x82: {  	[sflag:s15] =	ssyncset.done $0x0  }
0x83: {  	s29 =	sadd.s32 $0x180, s29;
	[sflag:s15] =	ssyncadd.s32 $0xFFFFC180  }
0x84: {  	[tilespmem:s21], [sflag:$0x2] =	stream.indirect.gather [hbm4b:s3+s18], $0x80, s29, s18, $0xb8;
	[tilespmem:$0x1E080] =	vst v63  }
0x85: {  	_ =	swait.ge [sflag:s22], $0x3E80  }
0x86: {  	[sflag:s22] =	ssyncset.done $0x0  }
0x87: {  	[sflag:s22] =	ssyncadd.s32 $0xFFFFC180  }
0x88: {  	[spmem:s1] =	stream.indirect.scatter.add.f32 [tilespmem:s19], [sflag:$0x3], $0x80, s24, s18, $0xb8;
	[tilespmem:$0x1E080] =	vst v63  }
0x89: {  	_ =	swait.ge [sflag:s15], $0x3E80  }
0x8a: {  	[sflag:s15] =	ssyncset.done $0x0  }
0x8b: {  	[sflag:s15] =	ssyncadd.s32 $0xFFFFC180  }
0x8c: {  	_ =	swait.ge [sflag:s23], $0x3E80  }
0x8d: {  	[sflag:s23] =	ssyncset.done $0x0  }
0x8e: {  	[sflag:s23] =	ssyncadd.s32 $0xFFFFC180  }
0x8f: {  	[spmem:s1] =	stream.indirect.scatter.add.f32 [tilespmem:s21], [sflag:$0x3], $0x80, s25, s18, $0xb8;
	[tilespmem:$0x1E080] =	vst v63  }
0x90: {  	_ =	swait.ge [sflag:s15], $0x3E80  }
0x91: {  	[sflag:s15] =	ssyncset.done $0x0  }
0x92: {  	[sflag:s15] =	ssyncadd.s32 $0xFFFFC180  }
0x93: {  	[bflag:$0x0] =	sbarrier.arrive $0xFFFF  }
0x94: {  	[hbm:s11], [sflag:s5] =	dma.local [spmem:s14], $0x2700  }
0x95: {  	s26 =	sadd.s32 $0x1, s26;
	_ =	swait.ge [sflag:s15], $0x2700  }
0x96: {  	p1 =	sne.s32 s26, s13;
	[sflag:s15] =	ssyncset.done $0x0  }
.Ltmp2:
0x97: {  	s28 =	simm.s32 @!p0 $0x3;
	[sflag:s15] =	ssyncadd.s32 $0xFFFFD900;
	(pc) =	sbr.rel @p1 .LBB2_1-.Ltmp2, $4  }
0x98: {  	[hbm:s12], [sflag:s5] =	dma.local @!p0 [spmem:s16], $0x100  }
0x99: {  	_ =	swait.ge @!p0 [sflag:s28], $0x100  }
0x9a: {  	[sflag:s28] =	ssyncset.done @!p0 $0x0  }
0x9b: {  	[sflag:s28] =	ssyncadd.s32 @!p0 $0xFFFFFF00  }
0x9c: {  	_ =	sfence.sel $0x180000  }
0x9d: {  	[bflag:$0x0] =	sbarrier.arrive $0xFFFF  }
0x9e: {  	_ =	strace $0x9000004A  }
0x9f: {  	s0 =	sadd.s32 @!p0 $0x100000, s0;
	[bflag:$0x2] =	sbarrier.arrive $0xFFFF  }
0xa0: {  	[sflag:s0] =	ssyncadd.tile.s32 @!p0 $0x1;
	_ =	shalt  }
.Lfunc_end2:
_tile_overlayer_lowered:
.L_overlay_start_2:
0xa1: {  	(tag) =	ssettag $0x2  }
0xa2: {  	s0 =	rddreg [dreg:$0x0];
	s2 =	stileid.u32  }
0xa3: {  	s1 =	rddreg [dreg:$0x1];
	p0 =	sne.s32 s2, $0x0  }
0xa4: {  	s3 =	rddreg [dreg:$0x2];
	[bflag:$0x3] =	sbarrier.arrive $0xFFFF;
	s2 =	simm.s32 @!p0 $0x1C03  }
0xa5: {  	[timem:s3], [sflag:s2] =	dma.local @!p0 [hbm:s0], s1  }
0xa6: {  	s0 =	simm.s32 @!p0 $0x3  }
0xa7: {  	_ =	swait.ge @!p0 [sflag:s0], s1  }
0xa8: {  	s1 =	ssub.s32 @!p0 $0x0, s1;
	[sflag:s0] =	ssyncset.done @!p0 $0x0  }
0xa9: {  	[sflag:s0] =	ssyncadd.s32 @!p0 s1  }
0xaa: {  	[bflag:$0x3] =	sbarrier.arrive $0xFFFF  }
0xab: {  	_ =	shalt  }

// kernel: kernel.14.cloned.1.call-start
scs
__scs_entry_jumppad:
0x0: {  	(pc) =	sbr.rel $0x88, $3  }
0x1: {  	(tag) =	ssettag $0x0;
	lr =	simm.s32 $0x1  }
0x2: {  	[smem:$0x3F92] =	sst lr;
	_ =	strace $0xD0000000  }
0x3: {  	_ = 	snop  }
0x4: {  	_ = 	snop  }
0x5: {  	_ = 	snop  }
0x6: {  	_ = 	snop  }
0x7: {  	_ = 	snop  }
__scs_overlays_trampoline_lowered:
0x8: {  	[smem:$0x3FA1] =	sst s0  }
0x9: {  	[smem:$0x3FA2] =	sst s1  }
0xa: {  	[smem:$0x3FA3] =	sst s2  }
0xb: {  	[smem:$0x3FA4] =	sst s3  }
0xc: {  	[smem:$0x3FA5] =	sst s4  }
0xd: {  	[smem:$0x3FA6] =	sst s5  }
0xe: {  	[smem:$0x3FA7] =	sst s6  }
0xf: {  	[smem:$0x3FA8] =	sst s7  }
0x10: {  	[smem:$0x3FA9] =	sst s8  }
0x11: {  	[smem:$0x3FAA] =	sst s9;
	s0 =	simm.s32 @!p0 $0x0  }
0x12: {  	s1 =	sld [smem:$0x3F90];
	s0 =	simm.s32 @p0 $0x1  }
0x13: {  	[smem:$0x3FAB] =	sst s0;
	s0 =	simm.s32 @!p1 $0x0  }
0x14: {  	s2 =	sld [smem:$0x3F8F];
	s0 =	simm.s32 @p1 $0x1  }
0x15: {  	[smem:$0x3FAC] =	sst s0;
	s0 =	simm.s32 @!p2 $0x0  }
0x16: {  	s3 =	sld [smem:$0x3FDB];
	s0 =	simm.s32 @p2 $0x1  }
0x17: {  	s4 =	simm.s32 $0x1BF5;
	[smem:$0x3FAE] =	sst s0  }
0x18: {  	s0 =	sld [smem:$0x3F91];
	_ =	swait.ge [sflag:s4], $0x0  }
0x19: {  	s7 =	sld [smem:$0x3F92]  }
0x1a: {  	s8 =	sadd.s32 $0xFFFFE003, lr  }
0x1b: {  	s9 =	sadd.s32 $0xFFFFFEF7, lr;
	s5 =	simm.s32 $0xFFFFFFFF;
	p2 =	slt.u32 s8, $0xFFFFF086  }
0x1c: {  	p1 =	slt.u32 s9, $0xF7A;
	s5 =	simm.s32 @!p2 $0x0  }
0x1d: {  	s5 =	simm.s32 @p1 $0x1;
	p0 =	seq.s32 s7, s2  }
0x1e: {  	s7 =	smul.u32 @!p0 $0xF7A, s2;
	p2 =	seq.s32 @!p0 s5, $0x0  }
0x1f: {  	s9 =	smul.u32 $0xF7A, s1;
	s8 =	simm.s32 @!p0 $0x1BF5;
	p2 =	por !p2, p0  }
0x20: {  	[sflag:s8] =	ssyncset.s32 @!p0 $0xFFFFF086;
	s6 =	sadd.s32 @!p0 s3, s7;
	s7 =	simm.s32 @!p0 $0x108  }
0x21: {  	s3 =	sadd.s32 s3, s9;
	s6 =	sadd.s32 @!p0 $0x88, s6;
	s7 =	simm.s32 @p2 $0x1082  }
0x22: {  	[simem:s7], [sflag:s8] =	dma.local @!p0 [hbm:s6], $0xF7A  }
0x23: {  	s9 =	sor.u32 $0xD0000000, s2;
	s6 =	simm.s32 $0x108;
	_ =	swait.ge @!p0 [sflag:s8], $0x0  }
0x24: {  	s3 =	sadd.s32 $0x88, s3;
	s6 =	simm.s32 @!p1 $0x1082;
	[sflag:s4] =	ssyncset.s32 $0xFFFFF086  }
0x25: {  	[simem:s6], [sflag:s4] =	dma.local [hbm:s3], $0xF7A  }
0x26: {  	[smem:$0x3F92] =	sst s1;
	(tag) =	ssettag s2;
	_ =	strace s9  }
0x27: {  	s1 =	sld [smem:$0x3FA2]  }
0x28: {  	s2 =	sld [smem:$0x3FA3]  }
0x29: {  	s4 =	sld [smem:$0x3FA5]  }
0x2a: {  	p0 =	seq.s32 s5, $0x0;
	s5 =	sld [smem:$0x3FA6]  }
0x2b: {  	s6 =	sld [smem:$0x3FA7]  }
0x2c: {  	s7 =	sld [smem:$0x3FA8]  }
0x2d: {  	s3 =	simm.s32 $0x108;
	s8 =	sld [smem:$0x3FA9]  }
0x2e: {  	s3 =	simm.s32 @!p0 $0x1082;
	s9 =	sld [smem:$0x3FAA]  }
0x2f: {  	lr =	sadd.s32 s0, s3;
	s0 =	sld [smem:$0x3FA1]  }
0x30: {  	s3 =	sld [smem:$0x3FA4]  }
0x31: {  	[smem:$0x3FAD] =	sst s10  }
0x32: {  	s10 =	sld [smem:$0x3FAB];
	_ =	sdelay $0x3  }
0x33: {  	p0 =	seq.s32 s10, $0x1;
	s10 =	sld [smem:$0x3FAD];
	_ =	sdelay $0x3  }
0x34: {  	[smem:$0x3FAD] =	sst s10  }
0x35: {  	s10 =	sld [smem:$0x3FAC];
	_ =	sdelay $0x3  }
0x36: {  	p1 =	seq.s32 s10, $0x1;
	s10 =	sld [smem:$0x3FAD];
	_ =	sdelay $0x3  }
0x37: {  	[smem:$0x3FAD] =	sst s10  }
0x38: {  	s10 =	sld [smem:$0x3FAE]  }
0x39: {  	_ = 	snop;
	(pc) =	sbr.ind lr, $3  }
0x3a: {  	_ = 	snop  }
0x3b: {  	_ = 	snop  }
0x3c: {  	p2 =	seq.s32 s10, $0x1;
	s10 =	sld [smem:$0x3FAD]  }
0x3d: {  	_ =	shalt  }
0x3e: {  	_ =	shalt  }
0x3f: {  	_ =	shalt  }
0x40: {  	_ =	shalt  }
0x41: {  	_ =	shalt  }
0x42: {  	_ =	shalt  }
0x43: {  	_ =	shalt  }
0x44: {  	_ =	shalt  }
0x45: {  	_ =	shalt  }
0x46: {  	_ =	shalt  }
0x47: {  	_ =	shalt  }
0x48: {  	_ =	shalt  }
0x49: {  	_ =	shalt  }
0x4a: {  	_ =	shalt  }
0x4b: {  	_ =	shalt  }
0x4c: {  	_ =	shalt  }
0x4d: {  	_ =	shalt  }
0x4e: {  	_ =	shalt  }
0x4f: {  	_ =	shalt  }
0x50: {  	_ =	shalt  }
0x51: {  	_ =	shalt  }
0x52: {  	_ =	shalt  }
0x53: {  	_ =	shalt  }
0x54: {  	_ =	shalt  }
0x55: {  	_ =	shalt  }
0x56: {  	_ =	shalt  }
0x57: {  	_ =	shalt  }
0x58: {  	_ =	shalt  }
0x59: {  	_ =	shalt  }
0x5a: {  	_ =	shalt  }
0x5b: {  	_ =	shalt  }
0x5c: {  	_ =	shalt  }
0x5d: {  	_ =	shalt  }
0x5e: {  	_ =	shalt  }
0x5f: {  	_ =	shalt  }
0x60: {  	_ =	shalt  }
0x61: {  	_ =	shalt  }
0x62: {  	_ =	shalt  }
0x63: {  	_ =	shalt  }
0x64: {  	_ =	shalt  }
0x65: {  	_ =	shalt  }
0x66: {  	_ =	shalt  }
0x67: {  	_ =	shalt  }
0x68: {  	_ =	shalt  }
0x69: {  	_ =	shalt  }
0x6a: {  	_ =	shalt  }
0x6b: {  	_ =	shalt  }
0x6c: {  	_ =	shalt  }
0x6d: {  	_ =	shalt  }
0x6e: {  	_ =	shalt  }
0x6f: {  	_ =	shalt  }
0x70: {  	_ =	shalt  }
0x71: {  	_ =	shalt  }
0x72: {  	_ =	shalt  }
0x73: {  	_ =	shalt  }
0x74: {  	_ =	shalt  }
0x75: {  	_ =	shalt  }
0x76: {  	_ =	shalt  }
0x77: {  	_ =	shalt  }
0x78: {  	_ =	shalt  }
0x79: {  	_ =	shalt  }
0x7a: {  	_ =	shalt  }
0x7b: {  	_ =	shalt  }
0x7c: {  	_ =	shalt  }
0x7d: {  	_ =	shalt  }
0x7e: {  	_ =	shalt  }
0x7f: {  	_ =	shalt  }
0x80: {  	_ =	shalt  }
0x81: {  	_ =	shalt  }
0x82: {  	_ =	shalt  }
0x83: {  	_ =	shalt  }
0x84: {  	_ =	shalt  }
0x85: {  	_ =	shalt  }
0x86: {  	_ =	shalt  }
0x87: {  	_ =	shalt  }
.Lfunc_end0:
.L_simem_size_0:
called_computation.2_lowered:
.L_overlay_start_0:
0x88: {  	s2 =	sld [smem:$0x3FD9]  }
0x89: {  	s3 =	sld [smem:$0x3FFE];
	_ =	sdelay $0x1  }
0x8a: {  	s1 =	srdreg.scid  }
0x8b: {  	s0 =	sand.u32 $0x1, s1  }
0x8c: {  	s16 =	sshll.u32 s0, $0xA;
	s2 =	sadd.s32 s3, s2  }
0x8d: {  	s2 =	sadd.s32 s2, s16  }
0x8e: {  	[smem:$0x3FB9] =	sst s2  }
0x8f: {  	_ = 	snop  }
0x90: {  	(tm) =	ssettm $0x1  }
0x91: {  	s17 =	sld [smem:$0x3FFB];
	_ =	sdelay $0x3  }
0x92: {  	_ =	strace s17  }
0x93: {  	s2 =	sld [smem:$0x3FFC];
	_ =	sdelay $0x3  }
0x94: {  	_ =	strace s2  }
0x95: {  	s2 =	sld [smem:$0x3FFD];
	_ =	sdelay $0x3  }
0x96: {  	_ =	strace s2  }
0x97: {  	_ =	strace $0x8FFFFFFF  }
0x98: {  	s18 =	sld [smem:$0x3FDB];
	_ =	sdelay $0x1  }
0x99: {  	s19 =	simm.s32 $_scs_section_size  }
0x9a: {  	s4 =	simm.s32 $_size__tile_overlayer_lowered;
	s5 =	simm.s32 $_tile_overlayer_lowered  }
0x9b: {  	s22 =	simm.s32 $0x1BFF;
	s21 =	sshll.u32 s5, $0x1;
	s2 =	sadd.s32 s19, s18  }
0x9c: {  	s6 =	simm.s32 $0x0;
	s20 =	sshll.u32 s4, $0x1;
	s4 =	sadd.s32 s21, s2  }
0x9d: {  	[timem:s6], [sflag:s22] =	dma.local [hbm:s4], s20  }
0x9e: {  	_ =	swait.ge [sflag:s22], s20  }
0x9f: {  	s3 =	ssub.s32 $0x0, s20;
	[sflag:s22] =	ssyncset.done $0x0  }
0xa0: {  	[sflag:s22] =	ssyncadd.s32 s3;
	_ =	sdelay $0x1  }
0xa1: {  	s23 =	simm.s32 $0x1B8B  }
0xa2: {  	_ =	swait.ge [sflag:s23], $0x1  }
0xa3: {  	[sflag:s23] =	ssyncset.done $0x0  }
0xa4: {  	s25 =	simm.s32 $0x1B8E;
	s24 =	sld [smem:$0x3FFE];
	[sflag:s23] =	ssyncadd.s32 $0xFFFFFFFF  }
0xa5: {  	s26 =	simm.s32 $execute0_lowered;
	[smem:$0x3FD2] =	sst s25  }
0xa6: {  	s4 =	sshll.u32 s26, $0x1;
	_ =	strace $0x8000004C;
	[dreg:$0x1] =	wrdreg $0xFFFFFFFF  }
0xa7: {  	s28 =	simm.s32 $_size_execute0_lowered;
	s2 =	sadd.s32 s2, s4;
	[dreg:$0x0] =	wrdreg $0x0  }
0xa8: {  	s4 =	sshll.u32 s28, $0x1;
	[dreg:$0x2] =	wrdreg s2  }
0xa9: {  	[dreg:$0x3] =	wrdreg s4  }
0xaa: {  	[dreg:$0x4] =	wrdreg $0xC0  }
0xab: {  	_ =	task [dreg:s6], $0x5FFFF  }
0xac: {  	[dreg:$0x1] =	wrdreg $0xFFFFFFFF  }
0xad: {  	[dreg:$0x0] =	wrdreg $0x60  }
0xae: {  	[dreg:$0x2] =	wrdreg s24  }
0xaf: {  	[dreg:$0x3] =	wrdreg $0xA8000  }
0xb0: {  	[dreg:$0x4] =	wrdreg $0x9  }
0xb1: {  	_ =	task.clear_ibuf [dreg:s6], $0x5FFFF;
	_ =	strace $0x9000004C  }
0xb2: {  	s29 =	simm.s32 $0x9;
	_ =	strace $0x8000004E  }
0xb3: {  	_ =	swait.ge [sflag:s29], $0x1  }
0xb4: {  	[sflag:s29] =	ssyncadd.s32 $0xFFFFFFFF  }
0xb5: {  	_ =	strace $0x9000004E  }
0xb6: {  	_ =	sfence  }
0xb7: {  	s30 =	sld [smem:$0x0];
	_ =	sdelay $0x2  }
0xb8: {  	s31 =	sshll.u32 s1, $0xD;
	s1 =	sshrl.u32 s1, $0x2  }
0xb9: {  	s3 =	sand.u32 $0x4000, s31;
	s1 =	sadd.s32 s1, s30  }
0xba: {  	s0 =	sor.u32 s3, s0;
	s1 =	sshll.u32 s1, $0x11  }
0xbb: {  	s0 =	sor.u32 s1, s0  }
0xbc: {  	s0 =	sadd.s32 $0x8F2B, s0  }
0xbd: {  	[sflag:s0] =	ssyncadd.remote.s32 $0x1  }
0xbe: {  	_ =	sfence.sel $0xFFFF  }
0xbf: {  	[dreg:$0x0] =	wrdreg $0xFFFFFFFF;
	(pc) =	sbr.abs _section_cstart, $3  }
0xc0: {  	[dreg:$0x1] =	wrdreg $0xFFFFFFFF  }
0xc1: {  	_ =	task.clear_ibuf [dreg:s6], $0x2FFFF;
	_ =	strace $0x9FFFFFFF  }
0xc2: {  	(tm) =	ssettm $0x7FFFFFFF  }
0xc3: {  	_ =	shalt  }
tec
execute0_lowered:
.L_overlay_start_1:
0x0: {  	(tag) =	ssettag $0x1  }
0x1: {  	s6 =	rddreg [dreg:$0x0]  }
0x2: {  	s1 =	rddreg [dreg:$0x1]  }
0x3: {  	s0 =	rddreg [dreg:$0x2]  }
0x4: {  	s2 =	simm.s32 $0x0;
	s4 =	srdreg.scid;
	s14 =	stileid.u32  }
0x5: {  	s21 =	simm.s32 $0x6800;
	s22 =	simm.s32 $0x1;
	s23 =	simm.s32 $0x2  }
0x6: {  	s24 =	simm.s32 $0x2700;
	s25 =	simm.s32 $0x2780;
	s26 =	simm.s32 $0x0  }
0x7: {  	[smem:$0x7FF] =	sst s2;
	s3 =	sadd.s32 $0x17C00, s6;
	s8 =	sand.u32 $0x1, s4  }
0x8: {  	s9 =	sadd.s32 $0x3C00, s6;
	s10 =	sadd.s32 $0xDC00, s6;
	s7 =	smul.u32 $0x4E000, s14  }
0x9: {  	s11 =	sadd.s32 $0x3EE00, s6;
	s28 =	sshll.u32 s14, $0x1;
	s15 =	smul.u32 $0x2700, s14  }
0xa: {  	s30 =	sshll.u32 s14, $0x6;
	s18 =	sadd.s32 $0x138000, s1;
	s6 =	sadd.s32 $0x3EC00, s6  }
0xb: {  	p0 =	sne.s32 s14, $0x0;
	_ =	strace $0x8000004D;
	s19 =	smul.u32 $0x138800, s8  }
0xc: {  	s4 =	ssub.s32 $0x2, s8;
	s12 =	sor.u32 s8, s28;
	s20 =	smul.u32 $0x27100, s8  }
0xd: {  	s5 =	sshrl.u32 s4, $0x1;
	s29 =	sshrl.u32 s7, $0x2;
	s17 =	smul.u32 $0x500, s12  }
0xe: {  	s12 =	smul.u32 $0x2800, s12;
	s13 =	ssub.s32 s4, s5;
	s16 =	sadd.s32 s29, s1  }
0xf: {  	s4 =	sadd.s32 s3, s15;
	s5 =	sor.u32 $0x1C03, s30;
	s31 =	sshrl.u32 s19, $0x3  }
0x10: {  	s15 =	sadd.s32 s15, s20;
	s19 =	simm.s32 $0x2800;
	s20 =	simm.s32 $0x80  }
0x11: {  	s7 =	sadd.s32 s9, s17;
	s12 =	sshrl.u32 s12, $0x3;
	s8 =	sadd.s32 s10, s17  }
0x12: {  	s17 =	sadd.s32 s11, s31;
	s11 =	sadd.s32 s11, s15;
	s13 =	smax.u32 s13, $0x1  }
0x13: {  	s14 =	sshrl.u32 s16, $0x3;
	s15 =	simm.s32 $0x3;
	s12 =	sadd.s32 $0x280, s12  }
0x14: {  	s16 =	sshrl.u32 @!p0 s18, $0x3;
	s18 =	simm.s32 $0x7D;
	s9 =	sadd.s32 s9, s12  }
0x15: {  	s10 =	sadd.s32 s10, s12;
	s12 =	sadd.s32 $0x27000, s17;
	s17 =	simm.s32 $0x1400  }
.LBB2_1:
0x16: {  	[spmem:s14], [sflag:s5] =	dma.local [hbm:s4], $0x2700  }
0x17: {  	_ =	swait.ge [sflag:s15], $0x2700  }
0x18: {  	[sflag:s15] =	ssyncset.done $0x0  }
0x19: {  	s28 =	simm.s32 @!p0 $0x3;
	[sflag:s15] =	ssyncadd.s32 $0xFFFFD900  }
0x1a: {  	[spmem:s16], [sflag:s5] =	dma.local @!p0 [hbm:s6], $0x100  }
0x1b: {  	_ =	swait.ge @!p0 [sflag:s28], $0x100  }
0x1c: {  	[sflag:s28] =	ssyncset.done @!p0 $0x0  }
0x1d: {  	[sflag:s28] =	ssyncadd.s32 @!p0 $0xFFFFFF00  }
0x1e: {  	[bflag:$0x0] =	sbarrier.arrive $0xFFFF  }
0x1f: {  	[tilespmem:s2], [sflag:$0x3] =	stream.linear.gather [hbm4b:s7+s2], $0x1400, $0x38;
	[tilespmem:$0x1E080] =	vst v63  }
0x20: {  	_ =	swait.ge [sflag:s15], $0x1400  }
0x21: {  	[sflag:s15] =	ssyncset.done $0x0  }
0x22: {  	[sflag:s15] =	ssyncadd.s32 $0xFFFFEC00  }
0x23: {  	[tilespmem:s17], [sflag:$0x3] =	stream.linear.gather [hbm4b:s8+s2], $0x1400, $0x38;
	[tilespmem:$0x1E080] =	vst v63  }
0x24: {  	_ =	swait.ge [sflag:s15], $0x1400  }
0x25: {  	[sflag:s15] =	ssyncset.done $0x0  }
0x26: {  	[sflag:s15] =	ssyncadd.s32 $0xFFFFEC00  }
0x27: {  	[tilespmem:s19], [sflag:$0x1] =	stream.indirect.gather [hbm4b:s3+s18], $0x80, s2, s18, $0xb8;
	[tilespmem:$0x1E080] =	vst v63  }
0x28: {  	_ = 	snop  }
0x29: {  	[tilespmem:s21], [sflag:$0x2] =	stream.indirect.gather [hbm4b:s3+s18], $0x80, s20, s18, $0xb8;
	[tilespmem:$0x1E080] =	vst v63  }
0x2a: {  	_ =	swait.ge [sflag:s22], $0x3E80  }
0x2b: {  	[sflag:s22] =	ssyncset.done $0x0  }
0x2c: {  	s28 =	simm.s32 $0x1400;
	[sflag:s22] =	ssyncadd.s32 $0xFFFFC180  }
0x2d: {  	[spmem:s1] =	stream.indirect.scatter.add.f32 [tilespmem:s19], [sflag:$0x3], $0x80, s28, s18, $0xb8;
	[tilespmem:$0x1E080] =	vst v63  }
0x2e: {  	_ =	swait.ge [sflag:s15], $0x3E80  }
0x2f: {  	[sflag:s15] =	ssyncset.done $0x0  }
0x30: {  	s28 =	simm.s32 $0x100;
	[sflag:s15] =	ssyncadd.s32 $0xFFFFC180  }
0x31: {  	[tilespmem:s19], [sflag:$0x1] =	stream.indirect.gather [hbm4b:s3+s18], $0x80, s28, s18, $0xb8;
	[tilespmem:$0x1E080] =	vst v63  }
0x32: {  	_ =	swait.ge [sflag:s23], $0x3E80  }
0x33: {  	[sflag:s23] =	ssyncset.done $0x0  }
0x34: {  	s28 =	simm.s32 $0x1480;
	[sflag:s23] =	ssyncadd.s32 $0xFFFFC180  }
0x35: {  	[spmem:s1] =	stream.indirect.scatter.add.f32 [tilespmem:s21], [sflag:$0x3], $0x80, s28, s18, $0xb8;
	[tilespmem:$0x1E080] =	vst v63  }
0x36: {  	_ =	swait.ge [sflag:s15], $0x3E80  }
0x37: {  	[sflag:s15] =	ssyncset.done $0x0  }
0x38: {  	s29 =	simm.s32 $0x180;
	s28 =	simm.s32 $0x400;
	[sflag:s15] =	ssyncadd.s32 $0xFFFFC180  }
.LBB2_2:
0x39: {  	[tilespmem:s21], [sflag:$0x2] =	stream.indirect.gather [hbm4b:s3+s18], $0x80, s29, s18, $0xb8;
	[tilespmem:$0x1E080] =	vst v63  }
0x3a: {  	s29 =	smov.u32 s28  }
0x3b: {  	p1 =	sne.s32 s28, $0x4800;
	s28 =	sadd.s32 $0x400, s28;
	_ =	swait.ge [sflag:s22], $0x3E80  }
0x3c: {  	s29 =	sshra.s32 s29, $0x2;
	[sflag:s22] =	ssyncset.done $0x0  }
0x3d: {  	s30 =	sadd.s32 $0x1400, s29;
	[sflag:s22] =	ssyncadd.s32 $0xFFFFC180  }
0x3e: {  	[spmem:s1] =	stream.indirect.scatter.add.f32 [tilespmem:s19], [sflag:$0x3], $0x80, s30, s18, $0xb8;
	[tilespmem:$0x1E080] =	vst v63  }
0x3f: {  	_ =	swait.ge [sflag:s15], $0x3E80  }
0x40: {  	[sflag:s15] =	ssyncset.done $0x0  }
0x41: {  	s30 =	sadd.s32 $0x100, s29;
	[sflag:s15] =	ssyncadd.s32 $0xFFFFC180  }
0x42: {  	[tilespmem:s19], [sflag:$0x1] =	stream.indirect.gather [hbm4b:s3+s18], $0x80, s30, s18, $0xb8;
	[tilespmem:$0x1E080] =	vst v63  }
0x43: {  	_ =	swait.ge [sflag:s23], $0x3E80  }
0x44: {  	[sflag:s23] =	ssyncset.done $0x0  }
.Ltmp0:
0x45: {  	s30 =	sadd.s32 $0x1480, s29;
	[sflag:s23] =	ssyncadd.s32 $0xFFFFC180;
	(pc) =	sbr.rel @p1 .LBB2_2-.Ltmp0, $4  }
0x46: {  	[spmem:s1] =	stream.indirect.scatter.add.f32 [tilespmem:s21], [sflag:$0x3], $0x80, s30, s18, $0xb8;
	[tilespmem:$0x1E080] =	vst v63  }
0x47: {  	_ =	swait.ge [sflag:s15], $0x3E80  }
0x48: {  	[sflag:s15] =	ssyncset.done $0x0  }
0x49: {  	s29 =	sadd.s32 $0x180, s29;
	[sflag:s15] =	ssyncadd.s32 $0xFFFFC180  }
0x4a: {  	[tilespmem:s21], [sflag:$0x2] =	stream.indirect.gather [hbm4b:s3+s18], $0x80, s29, s18, $0xb8;
	[tilespmem:$0x1E080] =	vst v63  }
0x4b: {  	_ =	swait.ge [sflag:s22], $0x3E80  }
0x4c: {  	[sflag:s22] =	ssyncset.done $0x0  }
0x4d: {  	[sflag:s22] =	ssyncadd.s32 $0xFFFFC180  }
0x4e: {  	[spmem:s1] =	stream.indirect.scatter.add.f32 [tilespmem:s19], [sflag:$0x3], $0x80, s24, s18, $0xb8;
	[tilespmem:$0x1E080] =	vst v63  }
0x4f: {  	_ =	swait.ge [sflag:s15], $0x3E80  }
0x50: {  	[sflag:s15] =	ssyncset.done $0x0  }
0x51: {  	[sflag:s15] =	ssyncadd.s32 $0xFFFFC180  }
0x52: {  	_ =	swait.ge [sflag:s23], $0x3E80  }
0x53: {  	[sflag:s23] =	ssyncset.done $0x0  }
0x54: {  	[sflag:s23] =	ssyncadd.s32 $0xFFFFC180  }
0x55: {  	[spmem:s1] =	stream.indirect.scatter.add.f32 [tilespmem:s21], [sflag:$0x3], $0x80, s25, s18, $0xb8;
	[tilespmem:$0x1E080] =	vst v63  }
0x56: {  	_ =	swait.ge [sflag:s15], $0x3E80  }
0x57: {  	[sflag:s15] =	ssyncset.done $0x0  }
0x58: {  	s28 =	simm.s32 $0x0;
	[sflag:s15] =	ssyncadd.s32 $0xFFFFC180  }
0x59: {  	[tilespmem:s28], [sflag:$0x3] =	stream.linear.gather [hbm4b:s9+s28], $0x1400, $0x38;
	[tilespmem:$0x1E080] =	vst v63  }
0x5a: {  	_ =	swait.ge [sflag:s15], $0x1400  }
0x5b: {  	[sflag:s15] =	ssyncset.done $0x0  }
0x5c: {  	[sflag:s15] =	ssyncadd.s32 $0xFFFFEC00  }
0x5d: {  	[tilespmem:s17], [sflag:$0x3] =	stream.linear.gather [hbm4b:s10+s28], $0x1400, $0x38;
	[tilespmem:$0x1E080] =	vst v63  }
0x5e: {  	_ =	swait.ge [sflag:s15], $0x1400  }
0x5f: {  	[sflag:s15] =	ssyncset.done $0x0  }
0x60: {  	[sflag:s15] =	ssyncadd.s32 $0xFFFFEC00  }
0x61: {  	[tilespmem:s19], [sflag:$0x1] =	stream.indirect.gather [hbm4b:s3+s18], $0x80, s28, s18, $0xb8;
	[tilespmem:$0x1E080] =	vst v63  }
0x62: {  	_ = 	snop  }
0x63: {  	[tilespmem:s21], [sflag:$0x2] =	stream.indirect.gather [hbm4b:s3+s18], $0x80, s20, s18, $0xb8;
	[tilespmem:$0x1E080] =	vst v63  }
0x64: {  	_ =	swait.ge [sflag:s22], $0x3E80  }
0x65: {  	[sflag:s22] =	ssyncset.done $0x0  }
0x66: {  	s28 =	simm.s32 $0x1400;
	[sflag:s22] =	ssyncadd.s32 $0xFFFFC180  }
0x67: {  	[spmem:s1] =	stream.indirect.scatter.add.f32 [tilespmem:s19], [sflag:$0x3], $0x80, s28, s18, $0xb8;
	[tilespmem:$0x1E080] =	vst v63  }
0x68: {  	_ =	swait.ge [sflag:s15], $0x3E80  }
0x69: {  	[sflag:s15] =	ssyncset.done $0x0  }
0x6a: {  	s28 =	simm.s32 $0x100;
	[sflag:s15] =	ssyncadd.s32 $0xFFFFC180  }
0x6b: {  	[tilespmem:s19], [sflag:$0x1] =	stream.indirect.gather [hbm4b:s3+s18], $0x80, s28, s18, $0xb8;
	[tilespmem:$0x1E080] =	vst v63  }
0x6c: {  	_ =	swait.ge [sflag:s23], $0x3E80  }
0x6d: {  	[sflag:s23] =	ssyncset.done $0x0  }
0x6e: {  	s28 =	simm.s32 $0x1480;
	[sflag:s23] =	ssyncadd.s32 $0xFFFFC180  }
0x6f: {  	[spmem:s1] =	stream.indirect.scatter.add.f32 [tilespmem:s21], [sflag:$0x3], $0x80, s28, s18, $0xb8;
	[tilespmem:$0x1E080] =	vst v63  }
0x70: {  	_ =	swait.ge [sflag:s15], $0x3E80  }
0x71: {  	[sflag:s15] =	ssyncset.done $0x0  }
0x72: {  	s29 =	simm.s32 $0x180;
	s28 =	simm.s32 $0x400;
	[sflag:s15] =	ssyncadd.s32 $0xFFFFC180  }
.LBB2_4:
0x73: {  	[tilespmem:s21], [sflag:$0x2] =	stream.indirect.gather [hbm4b:s3+s18], $0x80, s29, s18, $0xb8;
	[tilespmem:$0x1E080] =	vst v63  }
0x74: {  	s29 =	smov.u32 s28  }
0x75: {  	p1 =	sne.s32 s28, $0x4800;
	s28 =	sadd.s32 $0x400, s28;
	_ =	swait.ge [sflag:s22], $0x3E80  }
0x76: {  	s29 =	sshra.s32 s29, $0x2;
	[sflag:s22] =	ssyncset.done $0x0  }
0x77: {  	s30 =	sadd.s32 $0x1400, s29;
	[sflag:s22] =	ssyncadd.s32 $0xFFFFC180  }
0x78: {  	[spmem:s1] =	stream.indirect.scatter.add.f32 [tilespmem:s19], [sflag:$0x3], $0x80, s30, s18, $0xb8;
	[tilespmem:$0x1E080] =	vst v63  }
0x79: {  	_ =	swait.ge [sflag:s15], $0x3E80  }
0x7a: {  	[sflag:s15] =	ssyncset.done $0x0  }
0x7b: {  	s30 =	sadd.s32 $0x100, s29;
	[sflag:s15] =	ssyncadd.s32 $0xFFFFC180  }
0x7c: {  	[tilespmem:s19], [sflag:$0x1] =	stream.indirect.gather [hbm4b:s3+s18], $0x80, s30, s18, $0xb8;
	[tilespmem:$0x1E080] =	vst v63  }
0x7d: {  	_ =	swait.ge [sflag:s23], $0x3E80  }
0x7e: {  	[sflag:s23] =	ssyncset.done $0x0  }
.Ltmp1:
0x7f: {  	s30 =	sadd.s32 $0x1480, s29;
	[sflag:s23] =	ssyncadd.s32 $0xFFFFC180;
	(pc) =	sbr.rel @p1 .LBB2_4-.Ltmp1, $4  }
0x80: {  	[spmem:s1] =	stream.indirect.scatter.add.f32 [tilespmem:s21], [sflag:$0x3], $0x80, s30, s18, $0xb8;
	[tilespmem:$0x1E080] =	vst v63  }
0x81: {  	_ =	swait.ge [sflag:s15], $0x3E80  }
0x82: {  	[sflag:s15] =	ssyncset.done $0x0  }
0x83: {  	s29 =	sadd.s32 $0x180, s29;
	[sflag:s15] =	ssyncadd.s32 $0xFFFFC180  }
0x84: {  	[tilespmem:s21], [sflag:$0x2] =	stream.indirect.gather [hbm4b:s3+s18], $0x80, s29, s18, $0xb8;
	[tilespmem:$0x1E080] =	vst v63  }
0x85: {  	_ =	swait.ge [sflag:s22], $0x3E80  }
0x86: {  	[sflag:s22] =	ssyncset.done $0x0  }
0x87: {  	[sflag:s22] =	ssyncadd.s32 $0xFFFFC180  }
0x88: {  	[spmem:s1] =	stream.indirect.scatter.add.f32 [tilespmem:s19], [sflag:$0x3], $0x80, s24, s18, $0xb8;
	[tilespmem:$0x1E080] =	vst v63  }
0x89: {  	_ =	swait.ge [sflag:s15], $0x3E80  }
0x8a: {  	[sflag:s15] =	ssyncset.done $0x0  }
0x8b: {  	[sflag:s15] =	ssyncadd.s32 $0xFFFFC180  }
0x8c: {  	_ =	swait.ge [sflag:s23], $0x3E80  }
0x8d: {  	[sflag:s23] =	ssyncset.done $0x0  }
0x8e: {  	[sflag:s23] =	ssyncadd.s32 $0xFFFFC180  }
0x8f: {  	[spmem:s1] =	stream.indirect.scatter.add.f32 [tilespmem:s21], [sflag:$0x3], $0x80, s25, s18, $0xb8;
	[tilespmem:$0x1E080] =	vst v63  }
0x90: {  	_ =	swait.ge [sflag:s15], $0x3E80  }
0x91: {  	[sflag:s15] =	ssyncset.done $0x0  }
0x92: {  	[sflag:s15] =	ssyncadd.s32 $0xFFFFC180  }
0x93: {  	[bflag:$0x0] =	sbarrier.arrive $0xFFFF  }
0x94: {  	[hbm:s11], [sflag:s5] =	dma.local [spmem:s14], $0x2700  }
0x95: {  	s26 =	sadd.s32 $0x1, s26;
	_ =	swait.ge [sflag:s15], $0x2700  }
0x96: {  	p1 =	sne.s32 s26, s13;
	[sflag:s15] =	ssyncset.done $0x0  }
.Ltmp2:
0x97: {  	s28 =	simm.s32 @!p0 $0x3;
	[sflag:s15] =	ssyncadd.s32 $0xFFFFD900;
	(pc) =	sbr.rel @p1 .LBB2_1-.Ltmp2, $4  }
0x98: {  	[hbm:s12], [sflag:s5] =	dma.local @!p0 [spmem:s16], $0x100  }
0x99: {  	_ =	swait.ge @!p0 [sflag:s28], $0x100  }
0x9a: {  	[sflag:s28] =	ssyncset.done @!p0 $0x0  }
0x9b: {  	[sflag:s28] =	ssyncadd.s32 @!p0 $0xFFFFFF00  }
0x9c: {  	_ =	sfence.sel $0x180000  }
0x9d: {  	[bflag:$0x0] =	sbarrier.arrive $0xFFFF  }
0x9e: {  	_ =	strace $0x9000004D  }
0x9f: {  	s0 =	sadd.s32 @!p0 $0x100000, s0;
	[bflag:$0x2] =	sbarrier.arrive $0xFFFF  }
0xa0: {  	[sflag:s0] =	ssyncadd.tile.s32 @!p0 $0x1;
	_ =	shalt  }
.Lfunc_end2:
_tile_overlayer_lowered:
.L_overlay_start_2:
0xa1: {  	(tag) =	ssettag $0x2  }
0xa2: {  	s0 =	rddreg [dreg:$0x0];
	s2 =	stileid.u32  }
0xa3: {  	s1 =	rddreg [dreg:$0x1];
	p0 =	sne.s32 s2, $0x0  }
0xa4: {  	s3 =	rddreg [dreg:$0x2];
	[bflag:$0x3] =	sbarrier.arrive $0xFFFF;
	s2 =	simm.s32 @!p0 $0x1C03  }
0xa5: {  	[timem:s3], [sflag:s2] =	dma.local @!p0 [hbm:s0], s1  }
0xa6: {  	s0 =	simm.s32 @!p0 $0x3  }
0xa7: {  	_ =	swait.ge @!p0 [sflag:s0], s1  }
0xa8: {  	s1 =	ssub.s32 @!p0 $0x0, s1;
	[sflag:s0] =	ssyncset.done @!p0 $0x0  }
0xa9: {  	[sflag:s0] =	ssyncadd.s32 @!p0 s1  }
0xaa: {  	[bflag:$0x3] =	sbarrier.arrive $0xFFFF  }
0xab: {  	_ =	shalt  }

// kernel: kernel.8.cloned.1.call-start
scs
__scs_entry_jumppad:
0x0: {  	(pc) =	sbr.rel $0x88, $3  }
0x1: {  	(tag) =	ssettag $0x0;
	lr =	simm.s32 $0x1  }
0x2: {  	[smem:$0x3F92] =	sst lr;
	_ =	strace $0xD0000000  }
0x3: {  	_ = 	snop  }
0x4: {  	_ = 	snop  }
0x5: {  	_ = 	snop  }
0x6: {  	_ = 	snop  }
0x7: {  	_ = 	snop  }
__scs_overlays_trampoline_lowered:
0x8: {  	[smem:$0x3FA1] =	sst s0  }
0x9: {  	[smem:$0x3FA2] =	sst s1  }
0xa: {  	[smem:$0x3FA3] =	sst s2  }
0xb: {  	[smem:$0x3FA4] =	sst s3  }
0xc: {  	[smem:$0x3FA5] =	sst s4  }
0xd: {  	[smem:$0x3FA6] =	sst s5  }
0xe: {  	[smem:$0x3FA7] =	sst s6  }
0xf: {  	[smem:$0x3FA8] =	sst s7  }
0x10: {  	[smem:$0x3FA9] =	sst s8  }
0x11: {  	[smem:$0x3FAA] =	sst s9;
	s0 =	simm.s32 @!p0 $0x0  }
0x12: {  	s1 =	sld [smem:$0x3F90];
	s0 =	simm.s32 @p0 $0x1  }
0x13: {  	[smem:$0x3FAB] =	sst s0;
	s0 =	simm.s32 @!p1 $0x0  }
0x14: {  	s2 =	sld [smem:$0x3F8F];
	s0 =	simm.s32 @p1 $0x1  }
0x15: {  	[smem:$0x3FAC] =	sst s0;
	s0 =	simm.s32 @!p2 $0x0  }
0x16: {  	s3 =	sld [smem:$0x3FDB];
	s0 =	simm.s32 @p2 $0x1  }
0x17: {  	s4 =	simm.s32 $0x1BF5;
	[smem:$0x3FAE] =	sst s0  }
0x18: {  	s0 =	sld [smem:$0x3F91];
	_ =	swait.ge [sflag:s4], $0x0  }
0x19: {  	s7 =	sld [smem:$0x3F92]  }
0x1a: {  	s8 =	sadd.s32 $0xFFFFE003, lr  }
0x1b: {  	s9 =	sadd.s32 $0xFFFFFEF7, lr;
	s5 =	simm.s32 $0xFFFFFFFF;
	p2 =	slt.u32 s8, $0xFFFFF086  }
0x1c: {  	p1 =	slt.u32 s9, $0xF7A;
	s5 =	simm.s32 @!p2 $0x0  }
0x1d: {  	s5 =	simm.s32 @p1 $0x1;
	p0 =	seq.s32 s7, s2  }
0x1e: {  	s7 =	smul.u32 @!p0 $0xF7A, s2;
	p2 =	seq.s32 @!p0 s5, $0x0  }
0x1f: {  	s9 =	smul.u32 $0xF7A, s1;
	s8 =	simm.s32 @!p0 $0x1BF5;
	p2 =	por !p2, p0  }
0x20: {  	[sflag:s8] =	ssyncset.s32 @!p0 $0xFFFFF086;
	s6 =	sadd.s32 @!p0 s3, s7;
	s7 =	simm.s32 @!p0 $0x108  }
0x21: {  	s3 =	sadd.s32 s3, s9;
	s6 =	sadd.s32 @!p0 $0x88, s6;
	s7 =	simm.s32 @p2 $0x1082  }
0x22: {  	[simem:s7], [sflag:s8] =	dma.local @!p0 [hbm:s6], $0xF7A  }
0x23: {  	s9 =	sor.u32 $0xD0000000, s2;
	s6 =	simm.s32 $0x108;
	_ =	swait.ge @!p0 [sflag:s8], $0x0  }
0x24: {  	s3 =	sadd.s32 $0x88, s3;
	s6 =	simm.s32 @!p1 $0x1082;
	[sflag:s4] =	ssyncset.s32 $0xFFFFF086  }
0x25: {  	[simem:s6], [sflag:s4] =	dma.local [hbm:s3], $0xF7A  }
0x26: {  	[smem:$0x3F92] =	sst s1;
	(tag) =	ssettag s2;
	_ =	strace s9  }
0x27: {  	s1 =	sld [smem:$0x3FA2]  }
0x28: {  	s2 =	sld [smem:$0x3FA3]  }
0x29: {  	s4 =	sld [smem:$0x3FA5]  }
0x2a: {  	p0 =	seq.s32 s5, $0x0;
	s5 =	sld [smem:$0x3FA6]  }
0x2b: {  	s6 =	sld [smem:$0x3FA7]  }
0x2c: {  	s7 =	sld [smem:$0x3FA8]  }
0x2d: {  	s3 =	simm.s32 $0x108;
	s8 =	sld [smem:$0x3FA9]  }
0x2e: {  	s3 =	simm.s32 @!p0 $0x1082;
	s9 =	sld [smem:$0x3FAA]  }
0x2f: {  	lr =	sadd.s32 s0, s3;
	s0 =	sld [smem:$0x3FA1]  }
0x30: {  	s3 =	sld [smem:$0x3FA4]  }
0x31: {  	[smem:$0x3FAD] =	sst s10  }
0x32: {  	s10 =	sld [smem:$0x3FAB];
	_ =	sdelay $0x3  }
0x33: {  	p0 =	seq.s32 s10, $0x1;
	s10 =	sld [smem:$0x3FAD];
	_ =	sdelay $0x3  }
0x34: {  	[smem:$0x3FAD] =	sst s10  }
0x35: {  	s10 =	sld [smem:$0x3FAC];
	_ =	sdelay $0x3  }
0x36: {  	p1 =	seq.s32 s10, $0x1;
	s10 =	sld [smem:$0x3FAD];
	_ =	sdelay $0x3  }
0x37: {  	[smem:$0x3FAD] =	sst s10  }
0x38: {  	s10 =	sld [smem:$0x3FAE]  }
0x39: {  	_ = 	snop;
	(pc) =	sbr.ind lr, $3  }
0x3a: {  	_ = 	snop  }
0x3b: {  	_ = 	snop  }
0x3c: {  	p2 =	seq.s32 s10, $0x1;
	s10 =	sld [smem:$0x3FAD]  }
0x3d: {  	_ =	shalt  }
0x3e: {  	_ =	shalt  }
0x3f: {  	_ =	shalt  }
0x40: {  	_ =	shalt  }
0x41: {  	_ =	shalt  }
0x42: {  	_ =	shalt  }
0x43: {  	_ =	shalt  }
0x44: {  	_ =	shalt  }
0x45: {  	_ =	shalt  }
0x46: {  	_ =	shalt  }
0x47: {  	_ =	shalt  }
0x48: {  	_ =	shalt  }
0x49: {  	_ =	shalt  }
0x4a: {  	_ =	shalt  }
0x4b: {  	_ =	shalt  }
0x4c: {  	_ =	shalt  }
0x4d: {  	_ =	shalt  }
0x4e: {  	_ =	shalt  }
0x4f: {  	_ =	shalt  }
0x50: {  	_ =	shalt  }
0x51: {  	_ =	shalt  }
0x52: {  	_ =	shalt  }
0x53: {  	_ =	shalt  }
0x54: {  	_ =	shalt  }
0x55: {  	_ =	shalt  }
0x56: {  	_ =	shalt  }
0x57: {  	_ =	shalt  }
0x58: {  	_ =	shalt  }
0x59: {  	_ =	shalt  }
0x5a: {  	_ =	shalt  }
0x5b: {  	_ =	shalt  }
0x5c: {  	_ =	shalt  }
0x5d: {  	_ =	shalt  }
0x5e: {  	_ =	shalt  }
0x5f: {  	_ =	shalt  }
0x60: {  	_ =	shalt  }
0x61: {  	_ =	shalt  }
0x62: {  	_ =	shalt  }
0x63: {  	_ =	shalt  }
0x64: {  	_ =	shalt  }
0x65: {  	_ =	shalt  }
0x66: {  	_ =	shalt  }
0x67: {  	_ =	shalt  }
0x68: {  	_ =	shalt  }
0x69: {  	_ =	shalt  }
0x6a: {  	_ =	shalt  }
0x6b: {  	_ =	shalt  }
0x6c: {  	_ =	shalt  }
0x6d: {  	_ =	shalt  }
0x6e: {  	_ =	shalt  }
0x6f: {  	_ =	shalt  }
0x70: {  	_ =	shalt  }
0x71: {  	_ =	shalt  }
0x72: {  	_ =	shalt  }
0x73: {  	_ =	shalt  }
0x74: {  	_ =	shalt  }
0x75: {  	_ =	shalt  }
0x76: {  	_ =	shalt  }
0x77: {  	_ =	shalt  }
0x78: {  	_ =	shalt  }
0x79: {  	_ =	shalt  }
0x7a: {  	_ =	shalt  }
0x7b: {  	_ =	shalt  }
0x7c: {  	_ =	shalt  }
0x7d: {  	_ =	shalt  }
0x7e: {  	_ =	shalt  }
0x7f: {  	_ =	shalt  }
0x80: {  	_ =	shalt  }
0x81: {  	_ =	shalt  }
0x82: {  	_ =	shalt  }
0x83: {  	_ =	shalt  }
0x84: {  	_ =	shalt  }
0x85: {  	_ =	shalt  }
0x86: {  	_ =	shalt  }
0x87: {  	_ =	shalt  }
.Lfunc_end0:
.L_simem_size_0:
called_computation_lowered:
.L_overlay_start_0:
0x88: {  	s2 =	sld [smem:$0x3FD9]  }
0x89: {  	s3 =	sld [smem:$0x3FFE];
	_ =	sdelay $0x1  }
0x8a: {  	s1 =	srdreg.scid  }
0x8b: {  	s0 =	sand.u32 $0x1, s1  }
0x8c: {  	s17 =	sshll.u32 s0, $0xA;
	s2 =	sadd.s32 s3, s2  }
0x8d: {  	s2 =	sadd.s32 s2, s17  }
0x8e: {  	[smem:$0x3FB9] =	sst s2  }
0x8f: {  	_ = 	snop  }
0x90: {  	s2 =	sld [smem:$0x3FC9];
	(tm) =	ssettm $0x1  }
0x91: {  	s18 =	sld [smem:$0x3FFB];
	_ =	sdelay $0x3  }
0x92: {  	_ =	strace s18  }
0x93: {  	s3 =	sld [smem:$0x3FFC];
	_ =	sdelay $0x3  }
0x94: {  	_ =	strace s3  }
0x95: {  	s3 =	sld [smem:$0x3FFD];
	_ =	sdelay $0x3  }
0x96: {  	_ =	strace s3  }
0x97: {  	_ =	strace $0x8FFFFFFF  }
0x98: {  	s19 =	sld [smem:$0x3FDB];
	_ =	sdelay $0x1  }
0x99: {  	s4 =	simm.s32 $_scs_section_size  }
0x9a: {  	s5 =	simm.s32 $_size__tile_overlayer_lowered;
	s6 =	simm.s32 $_tile_overlayer_lowered  }
0x9b: {  	s22 =	simm.s32 $0x1BFF;
	s21 =	sshll.u32 s6, $0x1;
	s3 =	sadd.s32 s4, s19  }
0x9c: {  	s7 =	simm.s32 $0x0;
	s20 =	sshll.u32 s5, $0x1;
	s5 =	sadd.s32 s21, s3  }
0x9d: {  	[timem:s7], [sflag:s22] =	dma.local [hbm:s5], s20  }
0x9e: {  	_ =	swait.ge [sflag:s22], s20  }
0x9f: {  	s4 =	ssub.s32 $0x0, s20;
	[sflag:s22] =	ssyncset.done $0x0  }
0xa0: {  	[sflag:s22] =	ssyncadd.s32 s4;
	_ =	sdelay $0x1  }
0xa1: {  	s23 =	simm.s32 $0x1B8B  }
0xa2: {  	_ =	swait.ge [sflag:s23], $0x1  }
0xa3: {  	[sflag:s23] =	ssyncset.done $0x0  }
0xa4: {  	s25 =	simm.s32 $0x1B8E;
	s24 =	sld [smem:$0x3FFE];
	[sflag:s23] =	ssyncadd.s32 $0xFFFFFFFF  }
0xa5: {  	s26 =	simm.s32 $execute0_lowered;
	[smem:$0x3FD2] =	sst s25  }
0xa6: {  	s5 =	sshll.u32 s26, $0x1;
	_ =	strace $0x80000046;
	[dreg:$0x1] =	wrdreg $0xFFFFFFFF  }
0xa7: {  	s28 =	simm.s32 $_size_execute0_lowered;
	s3 =	sadd.s32 s3, s5;
	[dreg:$0x0] =	wrdreg $0x0  }
0xa8: {  	s5 =	sshll.u32 s28, $0x1;
	[dreg:$0x2] =	wrdreg s3  }
0xa9: {  	[dreg:$0x3] =	wrdreg s5  }
0xaa: {  	[dreg:$0x4] =	wrdreg $0xC0  }
0xab: {  	_ =	task [dreg:s7], $0x5FFFF  }
0xac: {  	[dreg:$0x1] =	wrdreg $0xFFFFFFFF  }
0xad: {  	[dreg:$0x0] =	wrdreg $0x60  }
0xae: {  	[dreg:$0x2] =	wrdreg s2  }
0xaf: {  	[dreg:$0x3] =	wrdreg s24  }
0xb0: {  	[dreg:$0x4] =	wrdreg $0xA8000  }
0xb1: {  	[dreg:$0x5] =	wrdreg $0x9  }
0xb2: {  	_ =	task.clear_ibuf [dreg:s7], $0x6FFFF;
	_ =	strace $0x90000046  }
0xb3: {  	s29 =	simm.s32 $0x9;
	_ =	strace $0x80000048  }
0xb4: {  	_ =	swait.ge [sflag:s29], $0x1  }
0xb5: {  	[sflag:s29] =	ssyncadd.s32 $0xFFFFFFFF  }
0xb6: {  	_ =	strace $0x90000048  }
0xb7: {  	_ =	sfence  }
0xb8: {  	s30 =	sld [smem:$0x0];
	_ =	sdelay $0x2  }
0xb9: {  	s31 =	sshll.u32 s1, $0xD;
	s1 =	sshrl.u32 s1, $0x2  }
0xba: {  	s3 =	sand.u32 $0x4000, s31;
	s1 =	sadd.s32 s1, s30  }
0xbb: {  	s0 =	sor.u32 s3, s0;
	s1 =	sshll.u32 s1, $0x11  }
0xbc: {  	s0 =	sor.u32 s1, s0  }
0xbd: {  	s0 =	sadd.s32 $0x8F2B, s0  }
0xbe: {  	[sflag:s0] =	ssyncadd.remote.s32 $0x1  }
0xbf: {  	_ =	sfence.sel $0xFFFF  }
0xc0: {  	[dreg:$0x0] =	wrdreg $0xFFFFFFFF;
	(pc) =	sbr.abs _section_cstart, $3  }
0xc1: {  	[dreg:$0x1] =	wrdreg $0xFFFFFFFF  }
0xc2: {  	_ =	task.clear_ibuf [dreg:s7], $0x2FFFF;
	_ =	strace $0x9FFFFFFF  }
0xc3: {  	(tm) =	ssettm $0x7FFFFFFF  }
tec
execute0_lowered:
.L_overlay_start_1:
0x0: {  	(tag) =	ssettag $0x1  }
0x1: {  	s1 =	rddreg [dreg:$0x0]  }
0x2: {  	s4 =	rddreg [dreg:$0x1]  }
0x3: {  	s2 =	rddreg [dreg:$0x2]  }
0x4: {  	s0 =	rddreg [dreg:$0x3];
	s3 =	simm.s32 $0x0;
	s5 =	srdreg.scid  }
0x5: {  	s14 =	stileid.u32;
	s21 =	simm.s32 $0x6800;
	s22 =	simm.s32 $0x1  }
0x6: {  	s23 =	simm.s32 $0x2;
	s24 =	simm.s32 $0x2700;
	[smem:$0x7FF] =	sst s3  }
0x7: {  	s8 =	sand.u32 $0x1, s5;
	s9 =	sadd.s32 $0x3C00, s4;
	s10 =	sadd.s32 $0xDC00, s4  }
0x8: {  	s7 =	smul.u32 $0x4E000, s14;
	s11 =	sadd.s32 $0x17C00, s4;
	s25 =	sshll.u32 s14, $0x1  }
0x9: {  	s12 =	smul.u32 $0x2700, s14;
	s29 =	sshll.u32 s14, $0x6;
	s18 =	sadd.s32 $0x138000, s2  }
0xa: {  	p0 =	sne.s32 s14, $0x0;
	_ =	strace $0x80000047;
	s19 =	smul.u32 $0x138800, s8  }
0xb: {  	s5 =	ssub.s32 $0x2, s8;
	s26 =	sor.u32 s8, s25;
	s20 =	smul.u32 $0x27100, s8  }
0xc: {  	s25 =	simm.s32 $0x2780;
	s6 =	sshrl.u32 s5, $0x1;
	s16 =	smul.u32 $0x500, s26  }
0xd: {  	s28 =	sshrl.u32 s7, $0x2;
	s4 =	sadd.s32 s1, s12;
	s17 =	smul.u32 $0x2800, s26  }
0xe: {  	s26 =	simm.s32 $0x0;
	s13 =	ssub.s32 s5, s6;
	s15 =	sadd.s32 s28, s2  }
0xf: {  	s5 =	sor.u32 $0x1C03, s29;
	s6 =	sadd.s32 $0x27000, s1;
	s31 =	sshrl.u32 s19, $0x3  }
0x10: {  	s12 =	sadd.s32 s12, s20;
	s19 =	simm.s32 $0x2800;
	s20 =	simm.s32 $0x80  }
0x11: {  	s7 =	sadd.s32 s9, s16;
	s17 =	sshrl.u32 s17, $0x3;
	s8 =	sadd.s32 s10, s16  }
0x12: {  	s13 =	smax.u32 s13, $0x1;
	s14 =	sshrl.u32 s15, $0x3;
	s15 =	simm.s32 $0x3  }
0x13: {  	s16 =	sshrl.u32 @!p0 s18, $0x3;
	s18 =	simm.s32 $0x7D;
	s30 =	sadd.s32 $0x280, s17  }
0x14: {  	s17 =	sadd.s32 s11, s31;
	s11 =	sadd.s32 s11, s12;
	s9 =	sadd.s32 s9, s30  }
0x15: {  	s10 =	sadd.s32 s10, s30;
	s12 =	sadd.s32 $0x27000, s17;
	s17 =	simm.s32 $0x1400  }
.LBB2_1:
0x16: {  	[spmem:s14], [sflag:s5] =	dma.local [hbm:s4], $0x2700  }
0x17: {  	_ =	swait.ge [sflag:s15], $0x2700  }
0x18: {  	[sflag:s15] =	ssyncset.done $0x0  }
0x19: {  	s28 =	simm.s32 @!p0 $0x3;
	[sflag:s15] =	ssyncadd.s32 $0xFFFFD900  }
0x1a: {  	[spmem:s16], [sflag:s5] =	dma.local @!p0 [hbm:s6], $0x100  }
0x1b: {  	_ =	swait.ge @!p0 [sflag:s28], $0x100  }
0x1c: {  	[sflag:s28] =	ssyncset.done @!p0 $0x0  }
0x1d: {  	[sflag:s28] =	ssyncadd.s32 @!p0 $0xFFFFFF00  }
0x1e: {  	[bflag:$0x0] =	sbarrier.arrive $0xFFFF  }
0x1f: {  	[tilespmem:s3], [sflag:$0x3] =	stream.linear.gather [hbm4b:s7+s3], $0x1400, $0x38;
	[tilespmem:$0x1E080] =	vst v63  }
0x20: {  	_ =	swait.ge [sflag:s15], $0x1400  }
0x21: {  	[sflag:s15] =	ssyncset.done $0x0  }
0x22: {  	[sflag:s15] =	ssyncadd.s32 $0xFFFFEC00  }
0x23: {  	[tilespmem:s17], [sflag:$0x3] =	stream.linear.gather [hbm4b:s8+s3], $0x1400, $0x38;
	[tilespmem:$0x1E080] =	vst v63  }
0x24: {  	_ =	swait.ge [sflag:s15], $0x1400  }
0x25: {  	[sflag:s15] =	ssyncset.done $0x0  }
0x26: {  	[sflag:s15] =	ssyncadd.s32 $0xFFFFEC00  }
0x27: {  	[tilespmem:s19], [sflag:$0x1] =	stream.indirect.gather [hbm4b:s1+s18], $0x80, s3, s18, $0xb8;
	[tilespmem:$0x1E080] =	vst v63  }
0x28: {  	_ = 	snop  }
0x29: {  	[tilespmem:s21], [sflag:$0x2] =	stream.indirect.gather [hbm4b:s1+s18], $0x80, s20, s18, $0xb8;
	[tilespmem:$0x1E080] =	vst v63  }
0x2a: {  	_ =	swait.ge [sflag:s22], $0x3E80  }
0x2b: {  	[sflag:s22] =	ssyncset.done $0x0  }
0x2c: {  	s28 =	simm.s32 $0x1400;
	[sflag:s22] =	ssyncadd.s32 $0xFFFFC180  }
0x2d: {  	[spmem:s2] =	stream.indirect.scatter.add.f32 [tilespmem:s19], [sflag:$0x3], $0x80, s28, s18, $0xb8;
	[tilespmem:$0x1E080] =	vst v63  }
0x2e: {  	_ =	swait.ge [sflag:s15], $0x3E80  }
0x2f: {  	[sflag:s15] =	ssyncset.done $0x0  }
0x30: {  	s28 =	simm.s32 $0x100;
	[sflag:s15] =	ssyncadd.s32 $0xFFFFC180  }
0x31: {  	[tilespmem:s19], [sflag:$0x1] =	stream.indirect.gather [hbm4b:s1+s18], $0x80, s28, s18, $0xb8;
	[tilespmem:$0x1E080] =	vst v63  }
0x32: {  	_ =	swait.ge [sflag:s23], $0x3E80  }
0x33: {  	[sflag:s23] =	ssyncset.done $0x0  }
0x34: {  	s28 =	simm.s32 $0x1480;
	[sflag:s23] =	ssyncadd.s32 $0xFFFFC180  }
0x35: {  	[spmem:s2] =	stream.indirect.scatter.add.f32 [tilespmem:s21], [sflag:$0x3], $0x80, s28, s18, $0xb8;
	[tilespmem:$0x1E080] =	vst v63  }
0x36: {  	_ =	swait.ge [sflag:s15], $0x3E80  }
0x37: {  	[sflag:s15] =	ssyncset.done $0x0  }
0x38: {  	s29 =	simm.s32 $0x180;
	s28 =	simm.s32 $0x400;
	[sflag:s15] =	ssyncadd.s32 $0xFFFFC180  }
.LBB2_2:
0x39: {  	[tilespmem:s21], [sflag:$0x2] =	stream.indirect.gather [hbm4b:s1+s18], $0x80, s29, s18, $0xb8;
	[tilespmem:$0x1E080] =	vst v63  }
0x3a: {  	s29 =	smov.u32 s28  }
0x3b: {  	p1 =	sne.s32 s28, $0x4800;
	s28 =	sadd.s32 $0x400, s28;
	_ =	swait.ge [sflag:s22], $0x3E80  }
0x3c: {  	s29 =	sshra.s32 s29, $0x2;
	[sflag:s22] =	ssyncset.done $0x0  }
0x3d: {  	s30 =	sadd.s32 $0x1400, s29;
	[sflag:s22] =	ssyncadd.s32 $0xFFFFC180  }
0x3e: {  	[spmem:s2] =	stream.indirect.scatter.add.f32 [tilespmem:s19], [sflag:$0x3], $0x80, s30, s18, $0xb8;
	[tilespmem:$0x1E080] =	vst v63  }
0x3f: {  	_ =	swait.ge [sflag:s15], $0x3E80  }
0x40: {  	[sflag:s15] =	ssyncset.done $0x0  }
0x41: {  	s30 =	sadd.s32 $0x100, s29;
	[sflag:s15] =	ssyncadd.s32 $0xFFFFC180  }
0x42: {  	[tilespmem:s19], [sflag:$0x1] =	stream.indirect.gather [hbm4b:s1+s18], $0x80, s30, s18, $0xb8;
	[tilespmem:$0x1E080] =	vst v63  }
0x43: {  	_ =	swait.ge [sflag:s23], $0x3E80  }
0x44: {  	[sflag:s23] =	ssyncset.done $0x0  }
.Ltmp0:
0x45: {  	s30 =	sadd.s32 $0x1480, s29;
	[sflag:s23] =	ssyncadd.s32 $0xFFFFC180;
	(pc) =	sbr.rel @p1 .LBB2_2-.Ltmp0, $4  }
0x46: {  	[spmem:s2] =	stream.indirect.scatter.add.f32 [tilespmem:s21], [sflag:$0x3], $0x80, s30, s18, $0xb8;
	[tilespmem:$0x1E080] =	vst v63  }
0x47: {  	_ =	swait.ge [sflag:s15], $0x3E80  }
0x48: {  	[sflag:s15] =	ssyncset.done $0x0  }
0x49: {  	s29 =	sadd.s32 $0x180, s29;
	[sflag:s15] =	ssyncadd.s32 $0xFFFFC180  }
0x4a: {  	[tilespmem:s21], [sflag:$0x2] =	stream.indirect.gather [hbm4b:s1+s18], $0x80, s29, s18, $0xb8;
	[tilespmem:$0x1E080] =	vst v63  }
0x4b: {  	_ =	swait.ge [sflag:s22], $0x3E80  }
0x4c: {  	[sflag:s22] =	ssyncset.done $0x0  }
0x4d: {  	[sflag:s22] =	ssyncadd.s32 $0xFFFFC180  }
0x4e: {  	[spmem:s2] =	stream.indirect.scatter.add.f32 [tilespmem:s19], [sflag:$0x3], $0x80, s24, s18, $0xb8;
	[tilespmem:$0x1E080] =	vst v63  }
0x4f: {  	_ =	swait.ge [sflag:s15], $0x3E80  }
0x50: {  	[sflag:s15] =	ssyncset.done $0x0  }
0x51: {  	[sflag:s15] =	ssyncadd.s32 $0xFFFFC180  }
0x52: {  	_ =	swait.ge [sflag:s23], $0x3E80  }
0x53: {  	[sflag:s23] =	ssyncset.done $0x0  }
0x54: {  	[sflag:s23] =	ssyncadd.s32 $0xFFFFC180  }
0x55: {  	[spmem:s2] =	stream.indirect.scatter.add.f32 [tilespmem:s21], [sflag:$0x3], $0x80, s25, s18, $0xb8;
	[tilespmem:$0x1E080] =	vst v63  }
0x56: {  	_ =	swait.ge [sflag:s15], $0x3E80  }
0x57: {  	[sflag:s15] =	ssyncset.done $0x0  }
0x58: {  	s28 =	simm.s32 $0x0;
	[sflag:s15] =	ssyncadd.s32 $0xFFFFC180  }
0x59: {  	[tilespmem:s28], [sflag:$0x3] =	stream.linear.gather [hbm4b:s9+s28], $0x1400, $0x38;
	[tilespmem:$0x1E080] =	vst v63  }
0x5a: {  	_ =	swait.ge [sflag:s15], $0x1400  }
0x5b: {  	[sflag:s15] =	ssyncset.done $0x0  }
0x5c: {  	[sflag:s15] =	ssyncadd.s32 $0xFFFFEC00  }
0x5d: {  	[tilespmem:s17], [sflag:$0x3] =	stream.linear.gather [hbm4b:s10+s28], $0x1400, $0x38;
	[tilespmem:$0x1E080] =	vst v63  }
0x5e: {  	_ =	swait.ge [sflag:s15], $0x1400  }
0x5f: {  	[sflag:s15] =	ssyncset.done $0x0  }
0x60: {  	[sflag:s15] =	ssyncadd.s32 $0xFFFFEC00  }
0x61: {  	[tilespmem:s19], [sflag:$0x1] =	stream.indirect.gather [hbm4b:s1+s18], $0x80, s28, s18, $0xb8;
	[tilespmem:$0x1E080] =	vst v63  }
0x62: {  	_ = 	snop  }
0x63: {  	[tilespmem:s21], [sflag:$0x2] =	stream.indirect.gather [hbm4b:s1+s18], $0x80, s20, s18, $0xb8;
	[tilespmem:$0x1E080] =	vst v63  }
0x64: {  	_ =	swait.ge [sflag:s22], $0x3E80  }
0x65: {  	[sflag:s22] =	ssyncset.done $0x0  }
0x66: {  	s28 =	simm.s32 $0x1400;
	[sflag:s22] =	ssyncadd.s32 $0xFFFFC180  }
0x67: {  	[spmem:s2] =	stream.indirect.scatter.add.f32 [tilespmem:s19], [sflag:$0x3], $0x80, s28, s18, $0xb8;
	[tilespmem:$0x1E080] =	vst v63  }
0x68: {  	_ =	swait.ge [sflag:s15], $0x3E80  }
0x69: {  	[sflag:s15] =	ssyncset.done $0x0  }
0x6a: {  	s28 =	simm.s32 $0x100;
	[sflag:s15] =	ssyncadd.s32 $0xFFFFC180  }
0x6b: {  	[tilespmem:s19], [sflag:$0x1] =	stream.indirect.gather [hbm4b:s1+s18], $0x80, s28, s18, $0xb8;
	[tilespmem:$0x1E080] =	vst v63  }
0x6c: {  	_ =	swait.ge [sflag:s23], $0x3E80  }
0x6d: {  	[sflag:s23] =	ssyncset.done $0x0  }
0x6e: {  	s28 =	simm.s32 $0x1480;
	[sflag:s23] =	ssyncadd.s32 $0xFFFFC180  }
0x6f: {  	[spmem:s2] =	stream.indirect.scatter.add.f32 [tilespmem:s21], [sflag:$0x3], $0x80, s28, s18, $0xb8;
	[tilespmem:$0x1E080] =	vst v63  }
0x70: {  	_ =	swait.ge [sflag:s15], $0x3E80  }
0x71: {  	[sflag:s15] =	ssyncset.done $0x0  }
0x72: {  	s29 =	simm.s32 $0x180;
	s28 =	simm.s32 $0x400;
	[sflag:s15] =	ssyncadd.s32 $0xFFFFC180  }
.LBB2_4:
0x73: {  	[tilespmem:s21], [sflag:$0x2] =	stream.indirect.gather [hbm4b:s1+s18], $0x80, s29, s18, $0xb8;
	[tilespmem:$0x1E080] =	vst v63  }
0x74: {  	s29 =	smov.u32 s28  }
0x75: {  	p1 =	sne.s32 s28, $0x4800;
	s28 =	sadd.s32 $0x400, s28;
	_ =	swait.ge [sflag:s22], $0x3E80  }
0x76: {  	s29 =	sshra.s32 s29, $0x2;
	[sflag:s22] =	ssyncset.done $0x0  }
0x77: {  	s30 =	sadd.s32 $0x1400, s29;
	[sflag:s22] =	ssyncadd.s32 $0xFFFFC180  }
0x78: {  	[spmem:s2] =	stream.indirect.scatter.add.f32 [tilespmem:s19], [sflag:$0x3], $0x80, s30, s18, $0xb8;
	[tilespmem:$0x1E080] =	vst v63  }
0x79: {  	_ =	swait.ge [sflag:s15], $0x3E80  }
0x7a: {  	[sflag:s15] =	ssyncset.done $0x0  }
0x7b: {  	s30 =	sadd.s32 $0x100, s29;
	[sflag:s15] =	ssyncadd.s32 $0xFFFFC180  }
0x7c: {  	[tilespmem:s19], [sflag:$0x1] =	stream.indirect.gather [hbm4b:s1+s18], $0x80, s30, s18, $0xb8;
	[tilespmem:$0x1E080] =	vst v63  }
0x7d: {  	_ =	swait.ge [sflag:s23], $0x3E80  }
0x7e: {  	[sflag:s23] =	ssyncset.done $0x0  }
.Ltmp1:
0x7f: {  	s30 =	sadd.s32 $0x1480, s29;
	[sflag:s23] =	ssyncadd.s32 $0xFFFFC180;
	(pc) =	sbr.rel @p1 .LBB2_4-.Ltmp1, $4  }
0x80: {  	[spmem:s2] =	stream.indirect.scatter.add.f32 [tilespmem:s21], [sflag:$0x3], $0x80, s30, s18, $0xb8;
	[tilespmem:$0x1E080] =	vst v63  }
0x81: {  	_ =	swait.ge [sflag:s15], $0x3E80  }
0x82: {  	[sflag:s15] =	ssyncset.done $0x0  }
0x83: {  	s29 =	sadd.s32 $0x180, s29;
	[sflag:s15] =	ssyncadd.s32 $0xFFFFC180  }
0x84: {  	[tilespmem:s21], [sflag:$0x2] =	stream.indirect.gather [hbm4b:s1+s18], $0x80, s29, s18, $0xb8;
	[tilespmem:$0x1E080] =	vst v63  }
0x85: {  	_ =	swait.ge [sflag:s22], $0x3E80  }
0x86: {  	[sflag:s22] =	ssyncset.done $0x0  }
0x87: {  	[sflag:s22] =	ssyncadd.s32 $0xFFFFC180  }
0x88: {  	[spmem:s2] =	stream.indirect.scatter.add.f32 [tilespmem:s19], [sflag:$0x3], $0x80, s24, s18, $0xb8;
	[tilespmem:$0x1E080] =	vst v63  }
0x89: {  	_ =	swait.ge [sflag:s15], $0x3E80  }
0x8a: {  	[sflag:s15] =	ssyncset.done $0x0  }
0x8b: {  	[sflag:s15] =	ssyncadd.s32 $0xFFFFC180  }
0x8c: {  	_ =	swait.ge [sflag:s23], $0x3E80  }
0x8d: {  	[sflag:s23] =	ssyncset.done $0x0  }
0x8e: {  	[sflag:s23] =	ssyncadd.s32 $0xFFFFC180  }
0x8f: {  	[spmem:s2] =	stream.indirect.scatter.add.f32 [tilespmem:s21], [sflag:$0x3], $0x80, s25, s18, $0xb8;
	[tilespmem:$0x1E080] =	vst v63  }
0x90: {  	_ =	swait.ge [sflag:s15], $0x3E80  }
0x91: {  	[sflag:s15] =	ssyncset.done $0x0  }
0x92: {  	[sflag:s15] =	ssyncadd.s32 $0xFFFFC180  }
0x93: {  	[bflag:$0x0] =	sbarrier.arrive $0xFFFF  }
0x94: {  	[hbm:s11], [sflag:s5] =	dma.local [spmem:s14], $0x2700  }
0x95: {  	s26 =	sadd.s32 $0x1, s26;
	_ =	swait.ge [sflag:s15], $0x2700  }
0x96: {  	p1 =	sne.s32 s26, s13;
	[sflag:s15] =	ssyncset.done $0x0  }
.Ltmp2:
0x97: {  	s28 =	simm.s32 @!p0 $0x3;
	[sflag:s15] =	ssyncadd.s32 $0xFFFFD900;
	(pc) =	sbr.rel @p1 .LBB2_1-.Ltmp2, $4  }
0x98: {  	[hbm:s12], [sflag:s5] =	dma.local @!p0 [spmem:s16], $0x100  }
0x99: {  	_ =	swait.ge @!p0 [sflag:s28], $0x100  }
0x9a: {  	[sflag:s28] =	ssyncset.done @!p0 $0x0  }
0x9b: {  	[sflag:s28] =	ssyncadd.s32 @!p0 $0xFFFFFF00  }
0x9c: {  	_ =	sfence.sel $0x180000  }
0x9d: {  	[bflag:$0x0] =	sbarrier.arrive $0xFFFF  }
0x9e: {  	_ =	strace $0x90000047  }
0x9f: {  	s0 =	sadd.s32 @!p0 $0x100000, s0;
	[bflag:$0x2] =	sbarrier.arrive $0xFFFF  }
0xa0: {  	[sflag:s0] =	ssyncadd.tile.s32 @!p0 $0x1;
	_ =	shalt  }
.Lfunc_end2:
_tile_overlayer_lowered:
.L_overlay_start_2:
0xa1: {  	(tag) =	ssettag $0x2  }
0xa2: {  	s0 =	rddreg [dreg:$0x0];
	s2 =	stileid.u32  }
0xa3: {  	s1 =	rddreg [dreg:$0x1];
	p0 =	sne.s32 s2, $0x0  }
0xa4: {  	s3 =	rddreg [dreg:$0x2];
	[bflag:$0x3] =	sbarrier.arrive $0xFFFF;
	s2 =	simm.s32 @!p0 $0x1C03  }
0xa5: {  	[timem:s3], [sflag:s2] =	dma.local @!p0 [hbm:s0], s1  }
0xa6: {  	s0 =	simm.s32 @!p0 $0x3  }
0xa7: {  	_ =	swait.ge @!p0 [sflag:s0], s1  }
0xa8: {  	s1 =	ssub.s32 @!p0 $0x0, s1;
	[sflag:s0] =	ssyncset.done @!p0 $0x0  }
0xa9: {  	[sflag:s0] =	ssyncadd.s32 @!p0 s1  }
0xaa: {  	[bflag:$0x3] =	sbarrier.arrive $0xFFFF  }
0xab: {  	_ =	shalt  }

</sc_bundles>
